<compile_context>
chip_gen: v7x
topology: tpu7x:2x2x1
jax: 0.10.2.dev20260603
libtpu: 0.0.44.dev20260713+nightly
codegen_flags: <defaults>
</compile_context>

<pallas_src>
import functools

import jax
import jax.numpy as jnp
from jax import lax
from jax.experimental import pallas as pl
from jax.experimental.pallas import tpu as pltpu
from jax.experimental.pallas import tpu_sc as plsc

B = 16384
D = 64
NR = 1000000
NE = 100000

_info = plsc.get_sparse_core_info()
NC, NS = _info.num_cores, _info.num_subcores
NW = NC * NS

BSH = 9
BCOLS = 1 << BSH
ICH = 4096
NBUF = 8
SENT = 0x7FFF0000

R_FULL = NR // BCOLS
R_TAIL = NR - R_FULL * BCOLS
E_FULL = NE // BCOLS
E_TAIL = NE - E_FULL * BCOLS


def _vgather(v, idx):
    return lax.gather(
        v, idx[:, None],
        dimension_numbers=lax.GatherDimensionNumbers(
            offset_dims=(), collapsed_slice_dims=(0,), start_index_map=(0,)),
        slice_sizes=(1,),
        mode=lax.GatherScatterMode.PROMISE_IN_BOUNDS)


E_TAIL_BASE = NE - BCOLS
R_TAIL_BASE = NR - BCOLS


def _sc_gather(ridx, eidx, rtabT, etabT, rtabT_tail, etabT_tail):
    mesh = plsc.VectorSubcoreMesh(core_axis_name="c", subcore_axis_name="s")

    @functools.partial(
        pl.kernel,
        out_type=(
            jax.ShapeDtypeStruct((B + 16, 2 * D), jnp.float32),
            jax.ShapeDtypeStruct((B + 16, 2 * D), jnp.float32),
        ),
        mesh=mesh,
        scratch_types=[
            pltpu.VMEM((ICH,), jnp.int32),
            pltpu.VMEM((ICH,), jnp.int32),
            pltpu.VMEM((B + 16,), jnp.int32),
            pltpu.VMEM((B + 16,), jnp.int32),
            pltpu.VMEM((B + 16,), jnp.int32),
            pltpu.VMEM((B + 16,), jnp.int32),
            pltpu.VMEM((D, BCOLS), jnp.float32),
            pltpu.VMEM((NBUF, 16, 2 * D), jnp.float32),
            pltpu.VMEM((NBUF, 16), jnp.int32),
            pltpu.SemaphoreType.DMA,
        ],
        compiler_params=pltpu.CompilerParams(needs_layout_passes=False),
    )
    def k(ridx_hbm, eidx_hbm, rtab_hbm, etab_hbm, rtail_hbm, etail_hbm,
          r_out, e_out,
          ridxbuf, eidxbuf, rwc, rwj, ewc, ewj, blockbuf, hitbuf, jidx, sem):
        wid = lax.axis_index("s") * NC + lax.axis_index("c")
        lane = lax.iota(jnp.int32, 16)
        sent = jnp.full((16,), SENT, jnp.int32)

        def chunk(cidx, cnts):
            pltpu.sync_copy(ridx_hbm.at[pl.ds(cidx * ICH, ICH)], ridxbuf)
            pltpu.sync_copy(eidx_hbm.at[pl.ds(cidx * ICH, ICH)], eidxbuf)

            def group(g, cnts):
                rcnt, ecnt = cnts
                jv = cidx * ICH + g * 16 + lane
                rv = ridxbuf[pl.ds(g * 16, 16)]
                rm = ((rv >> BSH) & (NW - 1)) == wid
                rmi = jnp.where(rm, 1, 0)
                rpos = rcnt + plsc.cumsum(rmi) - 1
                plsc.store_scatter(rwc, [rpos], rv, mask=rm)
                plsc.store_scatter(rwj, [rpos], jv, mask=rm)
                ev = eidxbuf[pl.ds(g * 16, 16)]
                em = ((ev >> BSH) & (NW - 1)) == wid
                emi = jnp.where(em, 1, 0)
                epos = ecnt + plsc.cumsum(emi) - 1
                plsc.store_scatter(ewc, [epos], ev, mask=em)
                plsc.store_scatter(ewj, [epos], jv, mask=em)
                return (rcnt + jnp.sum(rmi), ecnt + jnp.sum(emi))

            return lax.fori_loop(0, ICH // 16, group, cnts)

        rcnt, ecnt = lax.fori_loop(0, B // ICH, chunk,
                                   (jnp.int32(0), jnp.int32(0)))
        plsc.store_scatter(rwc, [rcnt + lane], sent)
        plsc.store_scatter(ewc, [ecnt + lane], sent)

        def process_block(tab_hbm, out_hbm, wc, wj, cnt, blkid, src_off,
                          bcols, buf_base, state):
            pltpu.sync_copy(tab_hbm.at[:, pl.ds(src_off, bcols)],
                            blockbuf.at[:, pl.ds(0, bcols)])

            def group(g, state):
                slot, pending = state
                wcv = wc[pl.ds(g * 16, 16)]
                m0 = (wcv >> BSH) == blkid
                pc = jnp.sum(jnp.where(m0, 1, 0))
                hit_any = pc > 0

                @pl.when(hit_any & (pending >= NBUF))
                def _():
                    pltpu.make_async_copy(
                        out_hbm.at[pl.ds(0, 16)], hitbuf.at[0], sem
                    ).wait()

                slot_v = jnp.broadcast_to(slot, (16,)).astype(jnp.int32)

                @pl.when(hit_any)
                def _():
                    wjv = wj[pl.ds(g * 16, 16)]
                    plsc.store_scatter(jidx, [slot_v, lane],
                                       jnp.where(m0, wjv, B + lane))

                cloc = wcv - buf_base

                def hit(_, m):
                    h = plsc.all_reduce_ffs(m)
                    csp = _vgather(cloc, h)
                    for fg in range(D // 16):
                        vals = plsc.load_gather(
                            blockbuf, [fg * 16 + lane, csp])
                        plsc.store_scatter(
                            hitbuf, [slot_v, h, fg * 16 + lane], vals)
                    return m & (lane != h)

                lax.fori_loop(0, pc, hit, m0)

                @pl.when(hit_any)
                def _():
                    pltpu.async_copy(
                        hitbuf.at[slot], out_hbm.at[jidx.at[slot]], sem)

                return (jnp.where(hit_any, (slot + 1) % NBUF, slot),
                        jnp.where(hit_any,
                                  jnp.minimum(pending + 1, NBUF), pending))

            return lax.fori_loop(0, (cnt + 15) // 16, group, state)

        state = (jnp.int32(0), jnp.int32(0))

        def rblock(b, state):
            blkid = wid + NW * b
            start = pl.multiple_of(blkid * BCOLS, BCOLS)
            return lax.cond(
                blkid < R_FULL,
                lambda s: process_block(rtab_hbm, r_out, rwc, rwj, rcnt,
                                        blkid, start, BCOLS, start, s),
                lambda s: s, state)

        state = lax.fori_loop(0, (R_FULL + NW - 1) // NW, rblock, state)
        state = lax.cond(
            wid == R_FULL % NW,
            lambda s: process_block(rtail_hbm, r_out, rwc, rwj, rcnt,
                                    jnp.int32(R_FULL), 0,
                                    BCOLS, R_TAIL_BASE, s),
            lambda s: s, state)

        def eblock(b, state):
            blkid = wid + NW * b
            start = pl.multiple_of(blkid * BCOLS, BCOLS)
            return lax.cond(
                blkid < E_FULL,
                lambda s: process_block(etab_hbm, e_out, ewc, ewj, ecnt,
                                        blkid, start, BCOLS, start, s),
                lambda s: s, state)

        state = lax.fori_loop(0, (E_FULL + NW - 1) // NW, eblock, state)
        state = lax.cond(
            wid == E_FULL % NW,
            lambda s: process_block(etail_hbm, e_out, ewc, ewj, ecnt,
                                    jnp.int32(E_FULL), 0,
                                    BCOLS, E_TAIL_BASE, s),
            lambda s: s, state)

        def drain(_, pending):
            @pl.when(pending > 0)
            def _():
                pltpu.make_async_copy(
                    r_out.at[pl.ds(0, 16)], hitbuf.at[0], sem).wait()
            return jnp.maximum(pending - 1, 0)

        lax.fori_loop(0, NBUF, drain, state[1])

    return k(ridx, eidx, rtabT, etabT, rtabT_tail, etabT_tail)


def _tc_body(r_ref, e_ref, g_ref, bt_ref, wt_ref, bias_ref, out_ref):
    h = jnp.concatenate([r_ref[...][:, :D], e_ref[...][:, :D]], axis=-1)
    mean = jnp.mean(h, axis=-1, keepdims=True)
    var = jnp.mean(jnp.square(h - mean), axis=-1, keepdims=True)
    hn = (h - mean) * lax.rsqrt(var + 1e-5)
    hn = hn * g_ref[...] + bt_ref[...]
    out_ref[...] = (
        jnp.dot(hn, wt_ref[...], preferred_element_type=jnp.float32)
        + bias_ref[...]
    )


def _tc_project(r, e, ln_gamma, ln_beta, W_T, b):
    BLK = 1024
    grid = (B // BLK,)
    return pl.pallas_call(
        _tc_body,
        grid=grid,
        in_specs=[
            pl.BlockSpec((BLK, 2 * D), lambda i: (i, 0)),
            pl.BlockSpec((BLK, 2 * D), lambda i: (i, 0)),
            pl.BlockSpec((1, 2 * D), lambda i: (0, 0)),
            pl.BlockSpec((1, 2 * D), lambda i: (0, 0)),
            pl.BlockSpec((2 * D, D), lambda i: (0, 0)),
            pl.BlockSpec((1, D), lambda i: (0, 0)),
        ],
        out_specs=pl.BlockSpec((BLK, D), lambda i: (i, 0)),
        out_shape=jax.ShapeDtypeStruct((B, D), jnp.float32),
    )(r, e, ln_gamma, ln_beta, W_T, b)


def kernel(region_ids, eids, region_table, eid_table, ln_gamma, ln_beta, W, b):
    rtabT = region_table.T
    etabT = eid_table.T
    r, e = _sc_gather(region_ids.astype(jnp.int32), eids.astype(jnp.int32),
                      rtabT, etabT,
                      rtabT[:, R_TAIL_BASE:NR],
                      etabT[:, E_TAIL_BASE:NE])
    return _tc_project(
        r, e,
        ln_gamma.reshape(1, 2 * D),
        ln_beta.reshape(1, 2 * D),
        W.T,
        b.reshape(1, D),
    )

# --- scband reference (transcript-rebuilt; emitter-appended) ---
"""Pipeline reference for scband-region-identity-25915832664663 (READ-ONLY COPY).

The authoritative reference and input builder live on the scoring server;
editing this copy changes nothing except your own understanding.
"""

import jax, jax.numpy as jnp
import numpy as np

B = 16384
D = 64
MAX_REGIONS = 1000000
MAX_EIDS = 100000


def setup_inputs(seed: int = 0) -> dict:
    key = jax.random.key(seed)
    k1, k2, k3, k4, k5, k6 = jax.random.split(key, 6)
    region_ids = jax.random.randint(k1, (B,), 0, MAX_REGIONS, dtype=jnp.int64) if jax.config.jax_enable_x64 else jax.random.randint(k1, (B,), 0, MAX_REGIONS).astype(jnp.int32)
    eids = jax.random.randint(k2, (B,), 0, MAX_EIDS).astype(region_ids.dtype)
    region_table = jax.random.normal(k3, (MAX_REGIONS, D), dtype=jnp.float32)
    eid_table = jax.random.normal(k4, (MAX_EIDS, D), dtype=jnp.float32)
    ln_gamma = jnp.ones((2 * D,), dtype=jnp.float32)
    ln_beta = jnp.zeros((2 * D,), dtype=jnp.float32)
    W = jax.random.normal(k5, (D, 2 * D), dtype=jnp.float32) * (1.0 / np.sqrt(2 * D))
    b = jax.random.normal(k6, (D,), dtype=jnp.float32) * 0.01
    return {
        "region_ids": region_ids,
        "eids": eids,
        "region_table": region_table,
        "eid_table": eid_table,
        "ln_gamma": ln_gamma,
        "ln_beta": ln_beta,
        "W": W,
        "b": b,
    }


def _layernorm(x, gamma, beta, eps=1e-5):
    mean = jnp.mean(x, axis=-1, keepdims=True)
    var = jnp.mean((x - mean) ** 2, axis=-1, keepdims=True)
    return (x - mean) / jnp.sqrt(var + eps) * gamma + beta


def reference(region_ids, eids, region_table, eid_table, ln_gamma, ln_beta, W, b):
    r = jnp.take(region_table, region_ids, axis=0)
    e = jnp.take(eid_table, eids, axis=0)
    h = jnp.concatenate([r, e], axis=-1)
    h = _layernorm(h, ln_gamma, ln_beta)
    out = h @ W.T + b
    return out

if __name__ == "__main__":
    import jax
    _d = setup_inputs()
    print(jax.jit(kernel)(*tuple(_d.values())))

</pallas_src>

<mosaic_0001>
#map = affine_map<(d0, d1) -> (0)>
#map1 = affine_map<(d0, d1) -> (0, 0)>
module attributes {stable_mosaic.version = 14 : i64} {
  func.func @k(%arg0: i32, %arg1: i32, %arg2: memref<16384xi32, #tpu.memory_space<hbm>>, %arg3: memref<16384xi32, #tpu.memory_space<hbm>>, %arg4: memref<64x1000000xf32, #tpu.memory_space<hbm>>, %arg5: memref<64x100000xf32, #tpu.memory_space<hbm>>, %arg6: memref<64x512xf32, #tpu.memory_space<hbm>>, %arg7: memref<64x512xf32, #tpu.memory_space<hbm>>, %arg8: memref<16400x128xf32, #tpu.memory_space<hbm>>, %arg9: memref<16400x128xf32, #tpu.memory_space<hbm>>, %arg10: memref<4096xi32, #tpu.memory_space<vmem>>, %arg11: memref<4096xi32, #tpu.memory_space<vmem>>, %arg12: memref<16400xi32, #tpu.memory_space<vmem>>, %arg13: memref<16400xi32, #tpu.memory_space<vmem>>, %arg14: memref<16400xi32, #tpu.memory_space<vmem>>, %arg15: memref<16400xi32, #tpu.memory_space<vmem>>, %arg16: memref<64x512xf32, #tpu.memory_space<vmem>>, %arg17: memref<8x16x128xf32, #tpu.memory_space<vmem>>, %arg18: memref<8x16xi32, #tpu.memory_space<vmem>>, %arg19: memref<!tpu.dma_semaphore, #tpu.memory_space<semaphore_mem>>) attributes {dimension_semantics = [#tpu.dimension_semantics<core_parallel>, #tpu.dimension_semantics<subcore_parallel>], iteration_bounds = array<i64: 2, 16>, scalar_prefetch = 0 : i64, scratch_operands = 10 : i64, tpu.core_type = #tpu.core_type<sc_vector_subcore>, window_params = [{transform_indices = #map}, {transform_indices = #map}, {transform_indices = #map1}, {transform_indices = #map1}, {transform_indices = #map1}, {transform_indices = #map1}, {transform_indices = #map1}, {transform_indices = #map1}]} {
    %mul3A = arith.constant 2 : i32
    %mul3A_0 = arith.muli %arg1, %mul3A : i32
    %add3A = arith.addi %mul3A_0, %arg0 : i32
    %iota3A = tpu.iota {dimensions = array<i32: 0>} : vector<16xi32>
    %broadcast_in_dim3A = arith.constant 2147418112 : i32
    %broadcast_in_dim3A_1 = vector.broadcast %broadcast_in_dim3A : i32 to vector<16xi32>
    %scan3A = arith.constant 0 : i32
    %scan3A_2 = arith.constant 0 : i32
    %scan3A_3 = arith.constant 0 : i32
    %scan3A_4 = arith.constant 4 : i32
    %scan3A_5 = arith.addi %scan3A_3, %scan3A_4 : i32
    %scan3A_6 = arith.constant 1 : i32
    %scan3A_7:2 = scf.for %scan3A_42 = %scan3A_3 to %scan3A_5 step %scan3A_6 iter_args(%scan3A_43 = %scan3A, %scan3A_44 = %scan3A_2) -> (i32, i32)  : i32 {
      %mul3A_45 = arith.constant 4096 : i32
      %mul3A_46 = arith.muli %scan3A_42, %mul3A_45 : i32
      "tpu.region"() ({
        %run_scoped3A = tpu.sem_alloc : memref<!tpu.dma_semaphore, #tpu.memory_space<semaphore_mem>>
        %dma_start3A = tpu.memref_slice %arg2[%mul3A_46] : memref<16384xi32, #tpu.memory_space<hbm>> -> memref<4096xi32, #tpu.memory_space<hbm>>
        %dma_start3A_55 = tpu.memref_slice %arg2[%mul3A_46] : memref<16384xi32, #tpu.memory_space<hbm>> -> memref<4096xi32, #tpu.memory_space<hbm>>
        tpu.enqueue_dma source(%dma_start3A_55 : memref<4096xi32, #tpu.memory_space<hbm>>) target(%arg10 : memref<4096xi32, #tpu.memory_space<vmem>>) target_semaphore(%run_scoped3A : memref<!tpu.dma_semaphore, #tpu.memory_space<semaphore_mem>>)
        %dma_wait3A = tpu.memref_slice %arg2[%mul3A_46] : memref<16384xi32, #tpu.memory_space<hbm>> -> memref<4096xi32, #tpu.memory_space<hbm>>
        %dma_wait3A_56 = tpu.memref_slice %arg2[%mul3A_46] : memref<16384xi32, #tpu.memory_space<hbm>> -> memref<4096xi32, #tpu.memory_space<hbm>>
        tpu.wait_dma2 semaphore(%run_scoped3A : memref<!tpu.dma_semaphore, #tpu.memory_space<semaphore_mem>>) src(%dma_wait3A_56 : memref<4096xi32, #tpu.memory_space<hbm>>) dst(%arg10 : memref<4096xi32, #tpu.memory_space<vmem>>)
        tpu.yield
      }) : () -> ()
      %mul3A_47 = arith.constant 4096 : i32
      %mul3A_48 = arith.muli %scan3A_42, %mul3A_47 : i32
      "tpu.region"() ({
        %run_scoped3A = tpu.sem_alloc : memref<!tpu.dma_semaphore, #tpu.memory_space<semaphore_mem>>
        %dma_start3A = tpu.memref_slice %arg3[%mul3A_48] : memref<16384xi32, #tpu.memory_space<hbm>> -> memref<4096xi32, #tpu.memory_space<hbm>>
        %dma_start3A_55 = tpu.memref_slice %arg3[%mul3A_48] : memref<16384xi32, #tpu.memory_space<hbm>> -> memref<4096xi32, #tpu.memory_space<hbm>>
        tpu.enqueue_dma source(%dma_start3A_55 : memref<4096xi32, #tpu.memory_space<hbm>>) target(%arg11 : memref<4096xi32, #tpu.memory_space<vmem>>) target_semaphore(%run_scoped3A : memref<!tpu.dma_semaphore, #tpu.memory_space<semaphore_mem>>)
        %dma_wait3A = tpu.memref_slice %arg3[%mul3A_48] : memref<16384xi32, #tpu.memory_space<hbm>> -> memref<4096xi32, #tpu.memory_space<hbm>>
        %dma_wait3A_56 = tpu.memref_slice %arg3[%mul3A_48] : memref<16384xi32, #tpu.memory_space<hbm>> -> memref<4096xi32, #tpu.memory_space<hbm>>
        tpu.wait_dma2 semaphore(%run_scoped3A : memref<!tpu.dma_semaphore, #tpu.memory_space<semaphore_mem>>) src(%dma_wait3A_56 : memref<4096xi32, #tpu.memory_space<hbm>>) dst(%arg11 : memref<4096xi32, #tpu.memory_space<vmem>>)
        tpu.yield
      }) : () -> ()
      %scan3A_49 = arith.constant 0 : i32
      %scan3A_50 = arith.constant 256 : i32
      %scan3A_51 = arith.addi %scan3A_49, %scan3A_50 : i32
      %scan3A_52 = arith.constant 1 : i32
      %scan3A_53:2 = scf.for %scan3A_55 = %scan3A_49 to %scan3A_51 step %scan3A_52 iter_args(%scan3A_56 = %scan3A_43, %scan3A_57 = %scan3A_44) -> (i32, i32)  : i32 {
        %mul3A_58 = arith.constant 4096 : i32
        %mul3A_59 = arith.muli %scan3A_42, %mul3A_58 : i32
        %mul3A_60 = arith.constant 16 : i32
        %mul3A_61 = arith.muli %scan3A_55, %mul3A_60 : i32
        %add3A_62 = arith.addi %mul3A_59, %mul3A_61 : i32
        %add3A_63 = vector.broadcast %add3A_62 : i32 to vector<16xi32>
        %add3A_64 = arith.addi %add3A_63, %iota3A : vector<16xi32>
        %mul3A_65 = arith.constant 16 : i32
        %mul3A_66 = arith.muli %scan3A_55, %mul3A_65 : i32
        %get3A = arith.index_cast %mul3A_66 : i32 to index
        %get3A_67 = tpu.vector_load %arg10[%get3A] {strides = array<i32>} : memref<4096xi32, #tpu.memory_space<vmem>>, vector<16xi32>,
        %shift_right_arithmetic3A = arith.constant 9 : i32
        %shift_right_arithmetic3A_68 = vector.broadcast %shift_right_arithmetic3A : i32 to vector<16xi32>
        %shift_right_arithmetic3A_69 = arith.shrsi %get3A_67, %shift_right_arithmetic3A_68 : vector<16xi32>
        %and3A = arith.constant 31 : i32
        %and3A_70 = vector.broadcast %and3A : i32 to vector<16xi32>
        %and3A_71 = arith.andi %shift_right_arithmetic3A_69, %and3A_70 : vector<16xi32>
        %eq3A_72 = vector.broadcast %add3A : i32 to vector<16xi32>
        %eq3A_73 = arith.cmpi eq, %and3A_71, %eq3A_72 : vector<16xi32>
        %jit3A = arith.constant 1 : i32
        %jit3A_74 = arith.constant 0 : i32
        %broadcast_in_dim3A_75 = vector.broadcast %jit3A : i32 to vector<16xi32>
        %broadcast_in_dim3A_76 = vector.broadcast %jit3A_74 : i32 to vector<16xi32>
        %select_n3A = arith.select %eq3A_73, %broadcast_in_dim3A_75, %broadcast_in_dim3A_76 : vector<16xi1>, vector<16xi32>
        %broadcast_in_dim3A_77 = arith.constant true
        %broadcast_in_dim3A_78 = vector.broadcast %broadcast_in_dim3A_77 : i1 to vector<16xi1>
        %masked_cumsum3A = tpu.scan <sum>, %select_n3A masked %broadcast_in_dim3A_78 : vector<16xi32>, vector<16xi1> -> vector<16xi32>
        %add3A_79 = vector.broadcast %scan3A_56 : i32 to vector<16xi32>
        %add3A_80 = arith.addi %add3A_79, %masked_cumsum3A : vector<16xi32>
        %sub3A = arith.constant 1 : i32
        %sub3A_81 = vector.broadcast %sub3A : i32 to vector<16xi32>
        %sub3A_82 = arith.subi %add3A_80, %sub3A_81 : vector<16xi32>
        tpu.vector_store_idx %arg12[%sub3A_82], %get3A_67 masked %eq3A_73 : memref<16400xi32, #tpu.memory_space<vmem>>[vector<16xi32>], vector<16xi32>, vector<16xi1>
        tpu.vector_store_idx %arg13[%sub3A_82], %add3A_64 masked %eq3A_73 : memref<16400xi32, #tpu.memory_space<vmem>>[vector<16xi32>], vector<16xi32>, vector<16xi1>
        %mul3A_83 = arith.constant 16 : i32
        %mul3A_84 = arith.muli %scan3A_55, %mul3A_83 : i32
        %get3A_85 = arith.index_cast %mul3A_84 : i32 to index
        %get3A_86 = tpu.vector_load %arg11[%get3A_85] {strides = array<i32>} : memref<4096xi32, #tpu.memory_space<vmem>>, vector<16xi32>,
        %shift_right_arithmetic3A_87 = arith.constant 9 : i32
        %shift_right_arithmetic3A_88 = vector.broadcast %shift_right_arithmetic3A_87 : i32 to vector<16xi32>
        %shift_right_arithmetic3A_89 = arith.shrsi %get3A_86, %shift_right_arithmetic3A_88 : vector<16xi32>
        %and3A_90 = arith.constant 31 : i32
        %and3A_91 = vector.broadcast %and3A_90 : i32 to vector<16xi32>
        %and3A_92 = arith.andi %shift_right_arithmetic3A_89, %and3A_91 : vector<16xi32>
        %eq3A_93 = vector.broadcast %add3A : i32 to vector<16xi32>
        %eq3A_94 = arith.cmpi eq, %and3A_92, %eq3A_93 : vector<16xi32>
        %jit3A_95 = arith.constant 1 : i32
        %jit3A_96 = arith.constant 0 : i32
        %broadcast_in_dim3A_97 = vector.broadcast %jit3A_95 : i32 to vector<16xi32>
        %broadcast_in_dim3A_98 = vector.broadcast %jit3A_96 : i32 to vector<16xi32>
        %select_n3A_99 = arith.select %eq3A_94, %broadcast_in_dim3A_97, %broadcast_in_dim3A_98 : vector<16xi1>, vector<16xi32>
        %broadcast_in_dim3A_100 = arith.constant true
        %broadcast_in_dim3A_101 = vector.broadcast %broadcast_in_dim3A_100 : i1 to vector<16xi1>
        %masked_cumsum3A_102 = tpu.scan <sum>, %select_n3A_99 masked %broadcast_in_dim3A_101 : vector<16xi32>, vector<16xi1> -> vector<16xi32>
        %add3A_103 = vector.broadcast %scan3A_57 : i32 to vector<16xi32>
        %add3A_104 = arith.addi %add3A_103, %masked_cumsum3A_102 : vector<16xi32>
        %sub3A_105 = arith.constant 1 : i32
        %sub3A_106 = vector.broadcast %sub3A_105 : i32 to vector<16xi32>
        %sub3A_107 = arith.subi %add3A_104, %sub3A_106 : vector<16xi32>
        tpu.vector_store_idx %arg14[%sub3A_107], %get3A_86 masked %eq3A_94 : memref<16400xi32, #tpu.memory_space<vmem>>[vector<16xi32>], vector<16xi32>, vector<16xi1>
        tpu.vector_store_idx %arg15[%sub3A_107], %add3A_64 masked %eq3A_94 : memref<16400xi32, #tpu.memory_space<vmem>>[vector<16xi32>], vector<16xi32>, vector<16xi1>
        %reduce_sum3A = arith.constant true
        %reduce_sum3A_108 = vector.broadcast %reduce_sum3A : i1 to vector<16xi1>
        %reduce_sum3A_109 = tpu.scan <sum>, %select_n3A masked %reduce_sum3A_108 : vector<16xi32>, vector<16xi1> -> vector<16xi32>
        %reduce_sum3A_110 = vector.extract %reduce_sum3A_109[15] : i32 from vector<16xi32>
        %add3A_111 = arith.addi %scan3A_56, %reduce_sum3A_110 : i32
        %reduce_sum3A_112 = arith.constant true
        %reduce_sum3A_113 = vector.broadcast %reduce_sum3A_112 : i1 to vector<16xi1>
        %reduce_sum3A_114 = tpu.scan <sum>, %select_n3A_99 masked %reduce_sum3A_113 : vector<16xi32>, vector<16xi1> -> vector<16xi32>
        %reduce_sum3A_115 = vector.extract %reduce_sum3A_114[15] : i32 from vector<16xi32>
        %add3A_116 = arith.addi %scan3A_57, %reduce_sum3A_115 : i32
        scf.yield %add3A_111, %add3A_116 : i32, i32
      }
      %scan3A_54 = arith.constant 256 : i32
      scf.yield %scan3A_53#0, %scan3A_53#1 : i32, i32
    }
    %scan3A_8 = arith.constant 4 : i32
    %add3A_9 = vector.broadcast %scan3A_7#0 : i32 to vector<16xi32>
    %add3A_10 = arith.addi %add3A_9, %iota3A : vector<16xi32>
    tpu.vector_store_idx %arg12[%add3A_10], %broadcast_in_dim3A_1 : memref<16400xi32, #tpu.memory_space<vmem>>[vector<16xi32>], vector<16xi32>,
    %add3A_11 = vector.broadcast %scan3A_7#1 : i32 to vector<16xi32>
    %add3A_12 = arith.addi %add3A_11, %iota3A : vector<16xi32>
    tpu.vector_store_idx %arg14[%add3A_12], %broadcast_in_dim3A_1 : memref<16400xi32, #tpu.memory_space<vmem>>[vector<16xi32>], vector<16xi32>,
    %scan3A_13 = arith.constant 0 : i32
    %scan3A_14 = arith.constant 0 : i32
    %scan3A_15 = arith.constant 0 : i32
    %scan3A_16 = arith.constant 62 : i32
    %scan3A_17 = arith.addi %scan3A_15, %scan3A_16 : i32
    %scan3A_18 = arith.constant 1 : i32
    %scan3A_19:2 = scf.for %scan3A_42 = %scan3A_15 to %scan3A_17 step %scan3A_18 iter_args(%scan3A_43 = %scan3A_13, %scan3A_44 = %scan3A_14) -> (i32, i32)  : i32 {
      %mul3A_45 = arith.constant 32 : i32
      %mul3A_46 = arith.muli %mul3A_45, %scan3A_42 : i32
      %add3A_47 = arith.addi %add3A, %mul3A_46 : i32
      %mul3A_48 = arith.constant 512 : i32
      %mul3A_49 = arith.muli %add3A_47, %mul3A_48 : i32
      %multiple_of3A = tpu.assume_multiple %mul3A_49, 512 : i32
      %lt3A = arith.constant 1953 : i32
      %lt3A_50 = arith.cmpi slt, %add3A_47, %lt3A : i32
      %convert_element_type3A_51 = arith.extui %lt3A_50 : i1 to i32
      %cond3A_52 = arith.constant 0 : i32
      %cond3A_53 = arith.cmpi ne, %convert_element_type3A_51, %cond3A_52 : i32
      %cond3A_54:2 = scf.if %cond3A_53 -> (i32, i32) {
        "tpu.region"() ({
          %run_scoped3A = tpu.sem_alloc : memref<!tpu.dma_semaphore, #tpu.memory_space<semaphore_mem>>
          %dma_start3A = arith.constant 0 : i32
          %dma_start3A_83 = arith.constant 0 : i32
          %dma_start3A_84 = tpu.memref_slice %arg16[%dma_start3A, %dma_start3A_83] : memref<64x512xf32, #tpu.memory_space<vmem>> -> memref<64x512xf32, #tpu.memory_space<vmem>>
          %dma_start3A_85 = arith.constant 0 : i32
          %dma_start3A_86 = tpu.memref_slice %arg4[%dma_start3A_85, %multiple_of3A] : memref<64x1000000xf32, #tpu.memory_space<hbm>> -> memref<64x512xf32, #tpu.memory_space<hbm>>
          %dma_start3A_87 = arith.constant 0 : i32
          %dma_start3A_88 = arith.constant 0 : i32
          %dma_start3A_89 = tpu.memref_slice %arg16[%dma_start3A_87, %dma_start3A_88] : memref<64x512xf32, #tpu.memory_space<vmem>> -> memref<64x512xf32, #tpu.memory_space<vmem>>
          %dma_start3A_90 = arith.constant 0 : i32
          %dma_start3A_91 = tpu.memref_slice %arg4[%dma_start3A_90, %multiple_of3A] : memref<64x1000000xf32, #tpu.memory_space<hbm>> -> memref<64x512xf32, #tpu.memory_space<hbm>>
          tpu.enqueue_dma source(%dma_start3A_91 : memref<64x512xf32, #tpu.memory_space<hbm>>) target(%dma_start3A_89 : memref<64x512xf32, #tpu.memory_space<vmem>>) target_semaphore(%run_scoped3A : memref<!tpu.dma_semaphore, #tpu.memory_space<semaphore_mem>>)
          %dma_wait3A = arith.constant 0 : i32
          %dma_wait3A_92 = arith.constant 0 : i32
          %dma_wait3A_93 = tpu.memref_slice %arg16[%dma_wait3A, %dma_wait3A_92] : memref<64x512xf32, #tpu.memory_space<vmem>> -> memref<64x512xf32, #tpu.memory_space<vmem>>
          %dma_wait3A_94 = arith.constant 0 : i32
          %dma_wait3A_95 = tpu.memref_slice %arg4[%dma_wait3A_94, %multiple_of3A] : memref<64x1000000xf32, #tpu.memory_space<hbm>> -> memref<64x512xf32, #tpu.memory_space<hbm>>
          %dma_wait3A_96 = arith.constant 0 : i32
          %dma_wait3A_97 = arith.constant 0 : i32
          %dma_wait3A_98 = tpu.memref_slice %arg16[%dma_wait3A_96, %dma_wait3A_97] : memref<64x512xf32, #tpu.memory_space<vmem>> -> memref<64x512xf32, #tpu.memory_space<vmem>>
          %dma_wait3A_99 = arith.constant 0 : i32
          %dma_wait3A_100 = tpu.memref_slice %arg4[%dma_wait3A_99, %multiple_of3A] : memref<64x1000000xf32, #tpu.memory_space<hbm>> -> memref<64x512xf32, #tpu.memory_space<hbm>>
          tpu.wait_dma2 semaphore(%run_scoped3A : memref<!tpu.dma_semaphore, #tpu.memory_space<semaphore_mem>>) src(%dma_wait3A_100 : memref<64x512xf32, #tpu.memory_space<hbm>>) dst(%dma_wait3A_98 : memref<64x512xf32, #tpu.memory_space<vmem>>)
          tpu.yield
        }) : () -> ()
        %add3A_55 = arith.constant 15 : i32
        %add3A_56 = arith.addi %scan3A_7#0, %add3A_55 : i32
        %jit3A = arith.constant 16 : i32
        %div3A = arith.divsi %add3A_56, %jit3A : i32
        %sign3A = arith.constant 0 : i32
        %sign3A_57 = arith.cmpi sgt, %add3A_56, %sign3A : i32
        %sign3A_58 = arith.extui %sign3A_57 : i1 to i32
        %sign3A_59 = arith.constant 0 : i32
        %sign3A_60 = arith.cmpi slt, %add3A_56, %sign3A_59 : i32
        %sign3A_61 = arith.extui %sign3A_60 : i1 to i32
        %sign3A_62 = arith.subi %sign3A_58, %sign3A_61 : i32
        %sign3A_63 = arith.constant 0 : i32
        %sign3A_64 = arith.cmpi sgt, %jit3A, %sign3A_63 : i32
        %sign3A_65 = arith.extui %sign3A_64 : i1 to i32
        %sign3A_66 = arith.constant 0 : i32
        %sign3A_67 = arith.cmpi slt, %jit3A, %sign3A_66 : i32
        %sign3A_68 = arith.extui %sign3A_67 : i1 to i32
        %sign3A_69 = arith.subi %sign3A_65, %sign3A_68 : i32
        %ne3A = arith.cmpi ne, %sign3A_62, %sign3A_69 : i32
        %rem3A = arith.remsi %add3A_56, %jit3A : i32
        %ne3A_70 = arith.constant 0 : i32
        %ne3A_71 = arith.cmpi ne, %rem3A, %ne3A_70 : i32
        %and3A = arith.andi %ne3A, %ne3A_71 : i1
        %sub3A = arith.constant 1 : i32
        %sub3A_72 = arith.subi %div3A, %sub3A : i32
        %select_n3A = arith.select %and3A, %sub3A_72, %div3A : i32
        %while3A = arith.constant 0 : i32
        %while3A_73 = arith.subi %select_n3A, %while3A : i32
        %while3A_74 = arith.addi %while3A, %while3A_73 : i32
        %while3A_75 = arith.constant 1 : i32
        %while3A_76 = arith.divsi %while3A_73, %while3A_75 : i32
        %while3A_77 = arith.muli %while3A_76, %while3A_75 : i32
        %while3A_78 = arith.addi %while3A, %while3A_77 : i32
        %while3A_79 = arith.constant 1 : i32
        %while3A_80:2 = scf.for %while3A_83 = %while3A to %while3A_78 step %while3A_79 iter_args(%while3A_84 = %scan3A_43, %while3A_85 = %scan3A_44) -> (i32, i32)  : i32 {
          %mul3A_86 = arith.constant 16 : i32
          %mul3A_87 = arith.muli %while3A_83, %mul3A_86 : i32
          %get3A = arith.index_cast %mul3A_87 : i32 to index
          %get3A_88 = tpu.vector_load %arg12[%get3A] {strides = array<i32>} : memref<16400xi32, #tpu.memory_space<vmem>>, vector<16xi32>,
          %shift_right_arithmetic3A = arith.constant 9 : i32
          %shift_right_arithmetic3A_89 = vector.broadcast %shift_right_arithmetic3A : i32 to vector<16xi32>
          %shift_right_arithmetic3A_90 = arith.shrsi %get3A_88, %shift_right_arithmetic3A_89 : vector<16xi32>
          %eq3A_91 = vector.broadcast %add3A_47 : i32 to vector<16xi32>
          %eq3A_92 = arith.cmpi eq, %shift_right_arithmetic3A_90, %eq3A_91 : vector<16xi32>
          %jit3A_93 = arith.constant 1 : i32
          %jit3A_94 = arith.constant 0 : i32
          %broadcast_in_dim3A_95 = vector.broadcast %jit3A_93 : i32 to vector<16xi32>
          %broadcast_in_dim3A_96 = vector.broadcast %jit3A_94 : i32 to vector<16xi32>
          %select_n3A_97 = arith.select %eq3A_92, %broadcast_in_dim3A_95, %broadcast_in_dim3A_96 : vector<16xi1>, vector<16xi32>
          %reduce_sum3A = arith.constant true
          %reduce_sum3A_98 = vector.broadcast %reduce_sum3A : i1 to vector<16xi1>
          %reduce_sum3A_99 = tpu.scan <sum>, %select_n3A_97 masked %reduce_sum3A_98 : vector<16xi32>, vector<16xi1> -> vector<16xi32>
          %reduce_sum3A_100 = vector.extract %reduce_sum3A_99[15] : i32 from vector<16xi32>
          %gt3A = arith.constant 0 : i32
          %gt3A_101 = arith.cmpi sgt, %reduce_sum3A_100, %gt3A : i32
          %ge3A = arith.constant 8 : i32
          %ge3A_102 = arith.cmpi sge, %while3A_85, %ge3A : i32
          %and3A_103 = arith.andi %gt3A_101, %ge3A_102 : i1
          %convert_element_type3A_104 = arith.extui %and3A_103 : i1 to i32
          %cond3A_105 = arith.constant 0 : i32
          %cond3A_106 = arith.cmpi ne, %convert_element_type3A_104, %cond3A_105 : i32
          scf.if %cond3A_106 {
            %dma_wait3A = arith.constant 0 : i32
            %dma_wait3A_150 = arith.constant 0 : i32
            %dma_wait3A_151 = arith.constant 0 : i32
            %dma_wait3A_152 = tpu.memref_slice %arg17[%dma_wait3A, %dma_wait3A_150, %dma_wait3A_151] : memref<8x16x128xf32, #tpu.memory_space<vmem>> -> memref<1x16x128xf32, #tpu.memory_space<vmem>>
            %dma_wait3A_153 = tpu.memref_squeeze %dma_wait3A_152 : memref<1x16x128xf32, #tpu.memory_space<vmem>> -> memref<16x128xf32, #tpu.memory_space<vmem>>
            %dma_wait3A_154 = arith.constant 0 : i32
            %dma_wait3A_155 = arith.constant 0 : i32
            %dma_wait3A_156 = tpu.memref_slice %arg8[%dma_wait3A_154, %dma_wait3A_155] : memref<16400x128xf32, #tpu.memory_space<hbm>> -> memref<16x128xf32, #tpu.memory_space<hbm>>
            %dma_wait3A_157 = arith.constant 0 : i32
            %dma_wait3A_158 = arith.constant 0 : i32
            %dma_wait3A_159 = tpu.memref_slice %arg17[%dma_wait3A, %dma_wait3A_157, %dma_wait3A_158] : memref<8x16x128xf32, #tpu.memory_space<vmem>> -> memref<1x16x128xf32, #tpu.memory_space<vmem>>
            %dma_wait3A_160 = tpu.memref_squeeze %dma_wait3A_159 : memref<1x16x128xf32, #tpu.memory_space<vmem>> -> memref<16x128xf32, #tpu.memory_space<vmem>>
            %dma_wait3A_161 = arith.constant 0 : i32
            %dma_wait3A_162 = arith.constant 0 : i32
            %dma_wait3A_163 = tpu.memref_slice %arg8[%dma_wait3A_161, %dma_wait3A_162] : memref<16400x128xf32, #tpu.memory_space<hbm>> -> memref<16x128xf32, #tpu.memory_space<hbm>>
            tpu.wait_dma2 semaphore(%arg19 : memref<!tpu.dma_semaphore, #tpu.memory_space<semaphore_mem>>) src(%dma_wait3A_163 : memref<16x128xf32, #tpu.memory_space<hbm>>) dst(%dma_wait3A_160 : memref<16x128xf32, #tpu.memory_space<vmem>>)
          } else {
          }
          %broadcast_in_dim3A_107 = vector.broadcast %while3A_84 : i32 to vector<16xi32>
          %convert_element_type3A_108 = arith.extui %gt3A_101 : i1 to i32
          %cond3A_109 = arith.constant 0 : i32
          %cond3A_110 = arith.cmpi ne, %convert_element_type3A_108, %cond3A_109 : i32
          scf.if %cond3A_110 {
            %mul3A_150 = arith.constant 16 : i32
            %mul3A_151 = arith.muli %while3A_83, %mul3A_150 : i32
            %get3A_152 = arith.index_cast %mul3A_151 : i32 to index
            %get3A_153 = tpu.vector_load %arg13[%get3A_152] {strides = array<i32>} : memref<16400xi32, #tpu.memory_space<vmem>>, vector<16xi32>,
            %add3A_154 = arith.constant 16384 : i32
            %add3A_155 = vector.broadcast %add3A_154 : i32 to vector<16xi32>
            %add3A_156 = arith.addi %add3A_155, %iota3A : vector<16xi32>
            %select_n3A_157 = arith.select %eq3A_92, %get3A_153, %add3A_156 : vector<16xi1>, vector<16xi32>
            tpu.vector_store_idx %arg18[%broadcast_in_dim3A_107, %iota3A], %select_n3A_157 : memref<8x16xi32, #tpu.memory_space<vmem>>[vector<16xi32>, vector<16xi32>], vector<16xi32>,
          } else {
          }
          %sub3A_111 = vector.broadcast %multiple_of3A : i32 to vector<16xi32>
          %sub3A_112 = arith.subi %get3A_88, %sub3A_111 : vector<16xi32>
          %while3A_113 = arith.constant 0 : i32
          %while3A_114 = arith.subi %reduce_sum3A_100, %while3A_113 : i32
          %while3A_115 = arith.addi %while3A_113, %while3A_114 : i32
          %while3A_116 = arith.constant 1 : i32
          %while3A_117 = arith.divsi %while3A_114, %while3A_116 : i32
          %while3A_118 = arith.muli %while3A_117, %while3A_116 : i32
          %while3A_119 = arith.addi %while3A_113, %while3A_118 : i32
          %while3A_120 = arith.constant 1 : i32
          %while3A_121 = scf.for %while3A_150 = %while3A_113 to %while3A_119 step %while3A_120 iter_args(%while3A_151 = %eq3A_92) -> (vector<16xi1>)  : i32 {
            %all_reduce_ffs3A = tpu.all_reduce %while3A_151 {dim = 0 : i64, kind = #tpu.reduction_kind<find_first_set>} : vector<16xi1> -> vector<16xi32>
            %broadcast_in_dim3A_152 = vector.shape_cast %all_reduce_ffs3A : vector<16xi32> to vector<16x1xi32>
            %gather3A = vector.shape_cast %broadcast_in_dim3A_152 : vector<16x1xi32> to vector<16xi32>
            %gather3A_153 = tpu.dynamic_gather %sub3A_112[%gather3A] in [0] : vector<16xi32>, vector<16xi32> -> vector<16xi32>
            %add3A_154 = arith.constant 0 : i32
            %add3A_155 = vector.broadcast %add3A_154 : i32 to vector<16xi32>
            %add3A_156 = arith.addi %add3A_155, %iota3A : vector<16xi32>
            %gather3A_157 = tpu.vector_load_idx %arg16[%add3A_156, %gather3A_153] : memref<64x512xf32, #tpu.memory_space<vmem>>[vector<16xi32>, vector<16xi32>], vector<16xf32>,
            %add3A_158 = arith.constant 0 : i32
            %add3A_159 = vector.broadcast %add3A_158 : i32 to vector<16xi32>
            %add3A_160 = arith.addi %add3A_159, %iota3A : vector<16xi32>
            tpu.vector_store_idx %arg17[%broadcast_in_dim3A_107, %all_reduce_ffs3A, %add3A_160], %gather3A_157 : memref<8x16x128xf32, #tpu.memory_space<vmem>>[vector<16xi32>, vector<16xi32>, vector<16xi32>], vector<16xf32>,
            %add3A_161 = arith.constant 16 : i32
            %add3A_162 = vector.broadcast %add3A_161 : i32 to vector<16xi32>
            %add3A_163 = arith.addi %add3A_162, %iota3A : vector<16xi32>
            %gather3A_164 = tpu.vector_load_idx %arg16[%add3A_163, %gather3A_153] : memref<64x512xf32, #tpu.memory_space<vmem>>[vector<16xi32>, vector<16xi32>], vector<16xf32>,
            %add3A_165 = arith.constant 16 : i32
            %add3A_166 = vector.broadcast %add3A_165 : i32 to vector<16xi32>
            %add3A_167 = arith.addi %add3A_166, %iota3A : vector<16xi32>
            tpu.vector_store_idx %arg17[%broadcast_in_dim3A_107, %all_reduce_ffs3A, %add3A_167], %gather3A_164 : memref<8x16x128xf32, #tpu.memory_space<vmem>>[vector<16xi32>, vector<16xi32>, vector<16xi32>], vector<16xf32>,
            %add3A_168 = arith.constant 32 : i32
            %add3A_169 = vector.broadcast %add3A_168 : i32 to vector<16xi32>
            %add3A_170 = arith.addi %add3A_169, %iota3A : vector<16xi32>
            %gather3A_171 = tpu.vector_load_idx %arg16[%add3A_170, %gather3A_153] : memref<64x512xf32, #tpu.memory_space<vmem>>[vector<16xi32>, vector<16xi32>], vector<16xf32>,
            %add3A_172 = arith.constant 32 : i32
            %add3A_173 = vector.broadcast %add3A_172 : i32 to vector<16xi32>
            %add3A_174 = arith.addi %add3A_173, %iota3A : vector<16xi32>
            tpu.vector_store_idx %arg17[%broadcast_in_dim3A_107, %all_reduce_ffs3A, %add3A_174], %gather3A_171 : memref<8x16x128xf32, #tpu.memory_space<vmem>>[vector<16xi32>, vector<16xi32>, vector<16xi32>], vector<16xf32>,
            %add3A_175 = arith.constant 48 : i32
            %add3A_176 = vector.broadcast %add3A_175 : i32 to vector<16xi32>
            %add3A_177 = arith.addi %add3A_176, %iota3A : vector<16xi32>
            %gather3A_178 = tpu.vector_load_idx %arg16[%add3A_177, %gather3A_153] : memref<64x512xf32, #tpu.memory_space<vmem>>[vector<16xi32>, vector<16xi32>], vector<16xf32>,
            %add3A_179 = arith.constant 48 : i32
            %add3A_180 = vector.broadcast %add3A_179 : i32 to vector<16xi32>
            %add3A_181 = arith.addi %add3A_180, %iota3A : vector<16xi32>
            tpu.vector_store_idx %arg17[%broadcast_in_dim3A_107, %all_reduce_ffs3A, %add3A_181], %gather3A_178 : memref<8x16x128xf32, #tpu.memory_space<vmem>>[vector<16xi32>, vector<16xi32>, vector<16xi32>], vector<16xf32>,
            %ne3A_182 = arith.cmpi ne, %iota3A, %all_reduce_ffs3A : vector<16xi32>
            %and3A_183 = arith.andi %while3A_151, %ne3A_182 : vector<16xi1>
            scf.yield %and3A_183 : vector<16xi1>
          }
          %while3A_122 = arith.constant 1 : i32
          %while3A_123 = scf.for %while3A_150 = %while3A_119 to %while3A_115 step %while3A_122 iter_args(%while3A_151 = %while3A_121) -> (vector<16xi1>)  : i32 {
            %all_reduce_ffs3A = tpu.all_reduce %while3A_151 {dim = 0 : i64, kind = #tpu.reduction_kind<find_first_set>} : vector<16xi1> -> vector<16xi32>
            %broadcast_in_dim3A_152 = vector.shape_cast %all_reduce_ffs3A : vector<16xi32> to vector<16x1xi32>
            %gather3A = vector.shape_cast %broadcast_in_dim3A_152 : vector<16x1xi32> to vector<16xi32>
            %gather3A_153 = tpu.dynamic_gather %sub3A_112[%gather3A] in [0] : vector<16xi32>, vector<16xi32> -> vector<16xi32>
            %add3A_154 = arith.constant 0 : i32
            %add3A_155 = vector.broadcast %add3A_154 : i32 to vector<16xi32>
            %add3A_156 = arith.addi %add3A_155, %iota3A : vector<16xi32>
            %gather3A_157 = tpu.vector_load_idx %arg16[%add3A_156, %gather3A_153] : memref<64x512xf32, #tpu.memory_space<vmem>>[vector<16xi32>, vector<16xi32>], vector<16xf32>,
            %add3A_158 = arith.constant 0 : i32
            %add3A_159 = vector.broadcast %add3A_158 : i32 to vector<16xi32>
            %add3A_160 = arith.addi %add3A_159, %iota3A : vector<16xi32>
            tpu.vector_store_idx %arg17[%broadcast_in_dim3A_107, %all_reduce_ffs3A, %add3A_160], %gather3A_157 : memref<8x16x128xf32, #tpu.memory_space<vmem>>[vector<16xi32>, vector<16xi32>, vector<16xi32>], vector<16xf32>,
            %add3A_161 = arith.constant 16 : i32
            %add3A_162 = vector.broadcast %add3A_161 : i32 to vector<16xi32>
            %add3A_163 = arith.addi %add3A_162, %iota3A : vector<16xi32>
            %gather3A_164 = tpu.vector_load_idx %arg16[%add3A_163, %gather3A_153] : memref<64x512xf32, #tpu.memory_space<vmem>>[vector<16xi32>, vector<16xi32>], vector<16xf32>,
            %add3A_165 = arith.constant 16 : i32
            %add3A_166 = vector.broadcast %add3A_165 : i32 to vector<16xi32>
            %add3A_167 = arith.addi %add3A_166, %iota3A : vector<16xi32>
            tpu.vector_store_idx %arg17[%broadcast_in_dim3A_107, %all_reduce_ffs3A, %add3A_167], %gather3A_164 : memref<8x16x128xf32, #tpu.memory_space<vmem>>[vector<16xi32>, vector<16xi32>, vector<16xi32>], vector<16xf32>,
            %add3A_168 = arith.constant 32 : i32
            %add3A_169 = vector.broadcast %add3A_168 : i32 to vector<16xi32>
            %add3A_170 = arith.addi %add3A_169, %iota3A : vector<16xi32>
            %gather3A_171 = tpu.vector_load_idx %arg16[%add3A_170, %gather3A_153] : memref<64x512xf32, #tpu.memory_space<vmem>>[vector<16xi32>, vector<16xi32>], vector<16xf32>,
            %add3A_172 = arith.constant 32 : i32
            %add3A_173 = vector.broadcast %add3A_172 : i32 to vector<16xi32>
            %add3A_174 = arith.addi %add3A_173, %iota3A : vector<16xi32>
            tpu.vector_store_idx %arg17[%broadcast_in_dim3A_107, %all_reduce_ffs3A, %add3A_174], %gather3A_171 : memref<8x16x128xf32, #tpu.memory_space<vmem>>[vector<16xi32>, vector<16xi32>, vector<16xi32>], vector<16xf32>,
            %add3A_175 = arith.constant 48 : i32
            %add3A_176 = vector.broadcast %add3A_175 : i32 to vector<16xi32>
            %add3A_177 = arith.addi %add3A_176, %iota3A : vector<16xi32>
            %gather3A_178 = tpu.vector_load_idx %arg16[%add3A_177, %gather3A_153] : memref<64x512xf32, #tpu.memory_space<vmem>>[vector<16xi32>, vector<16xi32>], vector<16xf32>,
            %add3A_179 = arith.constant 48 : i32
            %add3A_180 = vector.broadcast %add3A_179 : i32 to vector<16xi32>
            %add3A_181 = arith.addi %add3A_180, %iota3A : vector<16xi32>
            tpu.vector_store_idx %arg17[%broadcast_in_dim3A_107, %all_reduce_ffs3A, %add3A_181], %gather3A_178 : memref<8x16x128xf32, #tpu.memory_space<vmem>>[vector<16xi32>, vector<16xi32>, vector<16xi32>], vector<16xf32>,
            %ne3A_182 = arith.cmpi ne, %iota3A, %all_reduce_ffs3A : vector<16xi32>
            %and3A_183 = arith.andi %while3A_151, %ne3A_182 : vector<16xi1>
            scf.yield %and3A_183 : vector<16xi1>
          }
          %convert_element_type3A_124 = arith.extui %gt3A_101 : i1 to i32
          %cond3A_125 = arith.constant 0 : i32
          %cond3A_126 = arith.cmpi ne, %convert_element_type3A_124, %cond3A_125 : i32
          scf.if %cond3A_126 {
            %dma_start3A = arith.constant 0 : i32
            %dma_start3A_150 = arith.constant 0 : i32
            %dma_start3A_151 = tpu.memref_slice %arg17[%while3A_84, %dma_start3A, %dma_start3A_150] : memref<8x16x128xf32, #tpu.memory_space<vmem>> -> memref<1x16x128xf32, #tpu.memory_space<vmem>>
            %dma_start3A_152 = tpu.memref_squeeze %dma_start3A_151 : memref<1x16x128xf32, #tpu.memory_space<vmem>> -> memref<16x128xf32, #tpu.memory_space<vmem>>
            %dma_start3A_153 = arith.constant 0 : i32
            %dma_start3A_154 = tpu.memref_slice %arg18[%while3A_84, %dma_start3A_153] : memref<8x16xi32, #tpu.memory_space<vmem>> -> memref<1x16xi32, #tpu.memory_space<vmem>>
            %dma_start3A_155 = tpu.memref_squeeze %dma_start3A_154 : memref<1x16xi32, #tpu.memory_space<vmem>> -> memref<16xi32, #tpu.memory_space<vmem>>
            %dma_start3A_156 = arith.constant 0 : i32
            %dma_start3A_157 = arith.constant 0 : i32
            %dma_start3A_158 = tpu.memref_slice %arg8[%dma_start3A_156, %dma_start3A_157] : memref<16400x128xf32, #tpu.memory_space<hbm>> -> memref<16400x128xf32, #tpu.memory_space<hbm>>
            tpu.enqueue_indirect_dma source(%dma_start3A_152 : memref<16x128xf32, #tpu.memory_space<vmem>>) target(%dma_start3A_158 : memref<16400x128xf32, #tpu.memory_space<hbm>>) offsets(%dma_start3A_155 : memref<16xi32, #tpu.memory_space<vmem>>) semaphore(%arg19 : memref<!tpu.dma_semaphore, #tpu.memory_space<semaphore_mem>>)
          } else {
          }
          %add3A_127 = arith.constant 1 : i32
          %add3A_128 = arith.addi %while3A_84, %add3A_127 : i32
          %jit3A_129 = arith.constant 8 : i32
          %eq3A_130 = arith.constant 0 : i32
          %eq3A_131 = arith.cmpi eq, %jit3A_129, %eq3A_130 : i32
          %jit3A_132 = arith.constant 1 : i32
          %select_n3A_133 = arith.select %eq3A_131, %jit3A_132, %jit3A_129 : i32
          %rem3A_134 = arith.remsi %add3A_128, %select_n3A_133 : i32
          %ne3A_135 = arith.constant 0 : i32
          %ne3A_136 = arith.cmpi ne, %rem3A_134, %ne3A_135 : i32
          %lt3A_137 = arith.constant 0 : i32
          %lt3A_138 = arith.cmpi slt, %rem3A_134, %lt3A_137 : i32
          %lt3A_139 = arith.constant 0 : i32
          %lt3A_140 = arith.cmpi slt, %select_n3A_133, %lt3A_139 : i32
          %ne3A_141 = arith.xori %lt3A_138, %lt3A_140 : i1
          %and3A_142 = arith.andi %ne3A_141, %ne3A_136 : i1
          %add3A_143 = arith.addi %rem3A_134, %select_n3A_133 : i32
          %select_n3A_144 = arith.select %and3A_142, %add3A_143, %rem3A_134 : i32
          %select_n3A_145 = arith.select %gt3A_101, %select_n3A_144, %while3A_84 : i32
          %add3A_146 = arith.constant 1 : i32
          %add3A_147 = arith.addi %while3A_85, %add3A_146 : i32
          %min3A = arith.constant 8 : i32
          %min3A_148 = arith.minsi %add3A_147, %min3A : i32
          %select_n3A_149 = arith.select %gt3A_101, %min3A_148, %while3A_85 : i32
          scf.yield %select_n3A_145, %select_n3A_149 : i32, i32
        }
        %while3A_81 = arith.constant 1 : i32
        %while3A_82:2 = scf.for %while3A_83 = %while3A_78 to %while3A_74 step %while3A_81 iter_args(%while3A_84 = %while3A_80#0, %while3A_85 = %while3A_80#1) -> (i32, i32)  : i32 {
          %mul3A_86 = arith.constant 16 : i32
          %mul3A_87 = arith.muli %while3A_83, %mul3A_86 : i32
          %get3A = arith.index_cast %mul3A_87 : i32 to index
          %get3A_88 = tpu.vector_load %arg12[%get3A] {strides = array<i32>} : memref<16400xi32, #tpu.memory_space<vmem>>, vector<16xi32>,
          %shift_right_arithmetic3A = arith.constant 9 : i32
          %shift_right_arithmetic3A_89 = vector.broadcast %shift_right_arithmetic3A : i32 to vector<16xi32>
          %shift_right_arithmetic3A_90 = arith.shrsi %get3A_88, %shift_right_arithmetic3A_89 : vector<16xi32>
          %eq3A_91 = vector.broadcast %add3A_47 : i32 to vector<16xi32>
          %eq3A_92 = arith.cmpi eq, %shift_right_arithmetic3A_90, %eq3A_91 : vector<16xi32>
          %jit3A_93 = arith.constant 1 : i32
          %jit3A_94 = arith.constant 0 : i32
          %broadcast_in_dim3A_95 = vector.broadcast %jit3A_93 : i32 to vector<16xi32>
          %broadcast_in_dim3A_96 = vector.broadcast %jit3A_94 : i32 to vector<16xi32>
          %select_n3A_97 = arith.select %eq3A_92, %broadcast_in_dim3A_95, %broadcast_in_dim3A_96 : vector<16xi1>, vector<16xi32>
          %reduce_sum3A = arith.constant true
          %reduce_sum3A_98 = vector.broadcast %reduce_sum3A : i1 to vector<16xi1>
          %reduce_sum3A_99 = tpu.scan <sum>, %select_n3A_97 masked %reduce_sum3A_98 : vector<16xi32>, vector<16xi1> -> vector<16xi32>
          %reduce_sum3A_100 = vector.extract %reduce_sum3A_99[15] : i32 from vector<16xi32>
          %gt3A = arith.constant 0 : i32
          %gt3A_101 = arith.cmpi sgt, %reduce_sum3A_100, %gt3A : i32
          %ge3A = arith.constant 8 : i32
          %ge3A_102 = arith.cmpi sge, %while3A_85, %ge3A : i32
          %and3A_103 = arith.andi %gt3A_101, %ge3A_102 : i1
          %convert_element_type3A_104 = arith.extui %and3A_103 : i1 to i32
          %cond3A_105 = arith.constant 0 : i32
          %cond3A_106 = arith.cmpi ne, %convert_element_type3A_104, %cond3A_105 : i32
          scf.if %cond3A_106 {
            %dma_wait3A = arith.constant 0 : i32
            %dma_wait3A_150 = arith.constant 0 : i32
            %dma_wait3A_151 = arith.constant 0 : i32
            %dma_wait3A_152 = tpu.memref_slice %arg17[%dma_wait3A, %dma_wait3A_150, %dma_wait3A_151] : memref<8x16x128xf32, #tpu.memory_space<vmem>> -> memref<1x16x128xf32, #tpu.memory_space<vmem>>
            %dma_wait3A_153 = tpu.memref_squeeze %dma_wait3A_152 : memref<1x16x128xf32, #tpu.memory_space<vmem>> -> memref<16x128xf32, #tpu.memory_space<vmem>>
            %dma_wait3A_154 = arith.constant 0 : i32
            %dma_wait3A_155 = arith.constant 0 : i32
            %dma_wait3A_156 = tpu.memref_slice %arg8[%dma_wait3A_154, %dma_wait3A_155] : memref<16400x128xf32, #tpu.memory_space<hbm>> -> memref<16x128xf32, #tpu.memory_space<hbm>>
            %dma_wait3A_157 = arith.constant 0 : i32
            %dma_wait3A_158 = arith.constant 0 : i32
            %dma_wait3A_159 = tpu.memref_slice %arg17[%dma_wait3A, %dma_wait3A_157, %dma_wait3A_158] : memref<8x16x128xf32, #tpu.memory_space<vmem>> -> memref<1x16x128xf32, #tpu.memory_space<vmem>>
            %dma_wait3A_160 = tpu.memref_squeeze %dma_wait3A_159 : memref<1x16x128xf32, #tpu.memory_space<vmem>> -> memref<16x128xf32, #tpu.memory_space<vmem>>
            %dma_wait3A_161 = arith.constant 0 : i32
            %dma_wait3A_162 = arith.constant 0 : i32
            %dma_wait3A_163 = tpu.memref_slice %arg8[%dma_wait3A_161, %dma_wait3A_162] : memref<16400x128xf32, #tpu.memory_space<hbm>> -> memref<16x128xf32, #tpu.memory_space<hbm>>
            tpu.wait_dma2 semaphore(%arg19 : memref<!tpu.dma_semaphore, #tpu.memory_space<semaphore_mem>>) src(%dma_wait3A_163 : memref<16x128xf32, #tpu.memory_space<hbm>>) dst(%dma_wait3A_160 : memref<16x128xf32, #tpu.memory_space<vmem>>)
          } else {
          }
          %broadcast_in_dim3A_107 = vector.broadcast %while3A_84 : i32 to vector<16xi32>
          %convert_element_type3A_108 = arith.extui %gt3A_101 : i1 to i32
          %cond3A_109 = arith.constant 0 : i32
          %cond3A_110 = arith.cmpi ne, %convert_element_type3A_108, %cond3A_109 : i32
          scf.if %cond3A_110 {
            %mul3A_150 = arith.constant 16 : i32
            %mul3A_151 = arith.muli %while3A_83, %mul3A_150 : i32
            %get3A_152 = arith.index_cast %mul3A_151 : i32 to index
            %get3A_153 = tpu.vector_load %arg13[%get3A_152] {strides = array<i32>} : memref<16400xi32, #tpu.memory_space<vmem>>, vector<16xi32>,
            %add3A_154 = arith.constant 16384 : i32
            %add3A_155 = vector.broadcast %add3A_154 : i32 to vector<16xi32>
            %add3A_156 = arith.addi %add3A_155, %iota3A : vector<16xi32>
            %select_n3A_157 = arith.select %eq3A_92, %get3A_153, %add3A_156 : vector<16xi1>, vector<16xi32>
            tpu.vector_store_idx %arg18[%broadcast_in_dim3A_107, %iota3A], %select_n3A_157 : memref<8x16xi32, #tpu.memory_space<vmem>>[vector<16xi32>, vector<16xi32>], vector<16xi32>,
          } else {
          }
          %sub3A_111 = vector.broadcast %multiple_of3A : i32 to vector<16xi32>
          %sub3A_112 = arith.subi %get3A_88, %sub3A_111 : vector<16xi32>
          %while3A_113 = arith.constant 0 : i32
          %while3A_114 = arith.subi %reduce_sum3A_100, %while3A_113 : i32
          %while3A_115 = arith.addi %while3A_113, %while3A_114 : i32
          %while3A_116 = arith.constant 1 : i32
          %while3A_117 = arith.divsi %while3A_114, %while3A_116 : i32
          %while3A_118 = arith.muli %while3A_117, %while3A_116 : i32
          %while3A_119 = arith.addi %while3A_113, %while3A_118 : i32
          %while3A_120 = arith.constant 1 : i32
          %while3A_121 = scf.for %while3A_150 = %while3A_113 to %while3A_119 step %while3A_120 iter_args(%while3A_151 = %eq3A_92) -> (vector<16xi1>)  : i32 {
            %all_reduce_ffs3A = tpu.all_reduce %while3A_151 {dim = 0 : i64, kind = #tpu.reduction_kind<find_first_set>} : vector<16xi1> -> vector<16xi32>
            %broadcast_in_dim3A_152 = vector.shape_cast %all_reduce_ffs3A : vector<16xi32> to vector<16x1xi32>
            %gather3A = vector.shape_cast %broadcast_in_dim3A_152 : vector<16x1xi32> to vector<16xi32>
            %gather3A_153 = tpu.dynamic_gather %sub3A_112[%gather3A] in [0] : vector<16xi32>, vector<16xi32> -> vector<16xi32>
            %add3A_154 = arith.constant 0 : i32
            %add3A_155 = vector.broadcast %add3A_154 : i32 to vector<16xi32>
            %add3A_156 = arith.addi %add3A_155, %iota3A : vector<16xi32>
            %gather3A_157 = tpu.vector_load_idx %arg16[%add3A_156, %gather3A_153] : memref<64x512xf32, #tpu.memory_space<vmem>>[vector<16xi32>, vector<16xi32>], vector<16xf32>,
            %add3A_158 = arith.constant 0 : i32
            %add3A_159 = vector.broadcast %add3A_158 : i32 to vector<16xi32>
            %add3A_160 = arith.addi %add3A_159, %iota3A : vector<16xi32>
            tpu.vector_store_idx %arg17[%broadcast_in_dim3A_107, %all_reduce_ffs3A, %add3A_160], %gather3A_157 : memref<8x16x128xf32, #tpu.memory_space<vmem>>[vector<16xi32>, vector<16xi32>, vector<16xi32>], vector<16xf32>,
            %add3A_161 = arith.constant 16 : i32
            %add3A_162 = vector.broadcast %add3A_161 : i32 to vector<16xi32>
            %add3A_163 = arith.addi %add3A_162, %iota3A : vector<16xi32>
            %gather3A_164 = tpu.vector_load_idx %arg16[%add3A_163, %gather3A_153] : memref<64x512xf32, #tpu.memory_space<vmem>>[vector<16xi32>, vector<16xi32>], vector<16xf32>,
            %add3A_165 = arith.constant 16 : i32
            %add3A_166 = vector.broadcast %add3A_165 : i32 to vector<16xi32>
            %add3A_167 = arith.addi %add3A_166, %iota3A : vector<16xi32>
            tpu.vector_store_idx %arg17[%broadcast_in_dim3A_107, %all_reduce_ffs3A, %add3A_167], %gather3A_164 : memref<8x16x128xf32, #tpu.memory_space<vmem>>[vector<16xi32>, vector<16xi32>, vector<16xi32>], vector<16xf32>,
            %add3A_168 = arith.constant 32 : i32
            %add3A_169 = vector.broadcast %add3A_168 : i32 to vector<16xi32>
            %add3A_170 = arith.addi %add3A_169, %iota3A : vector<16xi32>
            %gather3A_171 = tpu.vector_load_idx %arg16[%add3A_170, %gather3A_153] : memref<64x512xf32, #tpu.memory_space<vmem>>[vector<16xi32>, vector<16xi32>], vector<16xf32>,
            %add3A_172 = arith.constant 32 : i32
            %add3A_173 = vector.broadcast %add3A_172 : i32 to vector<16xi32>
            %add3A_174 = arith.addi %add3A_173, %iota3A : vector<16xi32>
            tpu.vector_store_idx %arg17[%broadcast_in_dim3A_107, %all_reduce_ffs3A, %add3A_174], %gather3A_171 : memref<8x16x128xf32, #tpu.memory_space<vmem>>[vector<16xi32>, vector<16xi32>, vector<16xi32>], vector<16xf32>,
            %add3A_175 = arith.constant 48 : i32
            %add3A_176 = vector.broadcast %add3A_175 : i32 to vector<16xi32>
            %add3A_177 = arith.addi %add3A_176, %iota3A : vector<16xi32>
            %gather3A_178 = tpu.vector_load_idx %arg16[%add3A_177, %gather3A_153] : memref<64x512xf32, #tpu.memory_space<vmem>>[vector<16xi32>, vector<16xi32>], vector<16xf32>,
            %add3A_179 = arith.constant 48 : i32
            %add3A_180 = vector.broadcast %add3A_179 : i32 to vector<16xi32>
            %add3A_181 = arith.addi %add3A_180, %iota3A : vector<16xi32>
            tpu.vector_store_idx %arg17[%broadcast_in_dim3A_107, %all_reduce_ffs3A, %add3A_181], %gather3A_178 : memref<8x16x128xf32, #tpu.memory_space<vmem>>[vector<16xi32>, vector<16xi32>, vector<16xi32>], vector<16xf32>,
            %ne3A_182 = arith.cmpi ne, %iota3A, %all_reduce_ffs3A : vector<16xi32>
            %and3A_183 = arith.andi %while3A_151, %ne3A_182 : vector<16xi1>
            scf.yield %and3A_183 : vector<16xi1>
          }
          %while3A_122 = arith.constant 1 : i32
          %while3A_123 = scf.for %while3A_150 = %while3A_119 to %while3A_115 step %while3A_122 iter_args(%while3A_151 = %while3A_121) -> (vector<16xi1>)  : i32 {
            %all_reduce_ffs3A = tpu.all_reduce %while3A_151 {dim = 0 : i64, kind = #tpu.reduction_kind<find_first_set>} : vector<16xi1> -> vector<16xi32>
            %broadcast_in_dim3A_152 = vector.shape_cast %all_reduce_ffs3A : vector<16xi32> to vector<16x1xi32>
            %gather3A = vector.shape_cast %broadcast_in_dim3A_152 : vector<16x1xi32> to vector<16xi32>
            %gather3A_153 = tpu.dynamic_gather %sub3A_112[%gather3A] in [0] : vector<16xi32>, vector<16xi32> -> vector<16xi32>
            %add3A_154 = arith.constant 0 : i32
            %add3A_155 = vector.broadcast %add3A_154 : i32 to vector<16xi32>
            %add3A_156 = arith.addi %add3A_155, %iota3A : vector<16xi32>
            %gather3A_157 = tpu.vector_load_idx %arg16[%add3A_156, %gather3A_153] : memref<64x512xf32, #tpu.memory_space<vmem>>[vector<16xi32>, vector<16xi32>], vector<16xf32>,
            %add3A_158 = arith.constant 0 : i32
            %add3A_159 = vector.broadcast %add3A_158 : i32 to vector<16xi32>
            %add3A_160 = arith.addi %add3A_159, %iota3A : vector<16xi32>
            tpu.vector_store_idx %arg17[%broadcast_in_dim3A_107, %all_reduce_ffs3A, %add3A_160], %gather3A_157 : memref<8x16x128xf32, #tpu.memory_space<vmem>>[vector<16xi32>, vector<16xi32>, vector<16xi32>], vector<16xf32>,
            %add3A_161 = arith.constant 16 : i32
            %add3A_162 = vector.broadcast %add3A_161 : i32 to vector<16xi32>
            %add3A_163 = arith.addi %add3A_162, %iota3A : vector<16xi32>
            %gather3A_164 = tpu.vector_load_idx %arg16[%add3A_163, %gather3A_153] : memref<64x512xf32, #tpu.memory_space<vmem>>[vector<16xi32>, vector<16xi32>], vector<16xf32>,
            %add3A_165 = arith.constant 16 : i32
            %add3A_166 = vector.broadcast %add3A_165 : i32 to vector<16xi32>
            %add3A_167 = arith.addi %add3A_166, %iota3A : vector<16xi32>
            tpu.vector_store_idx %arg17[%broadcast_in_dim3A_107, %all_reduce_ffs3A, %add3A_167], %gather3A_164 : memref<8x16x128xf32, #tpu.memory_space<vmem>>[vector<16xi32>, vector<16xi32>, vector<16xi32>], vector<16xf32>,
            %add3A_168 = arith.constant 32 : i32
            %add3A_169 = vector.broadcast %add3A_168 : i32 to vector<16xi32>
            %add3A_170 = arith.addi %add3A_169, %iota3A : vector<16xi32>
            %gather3A_171 = tpu.vector_load_idx %arg16[%add3A_170, %gather3A_153] : memref<64x512xf32, #tpu.memory_space<vmem>>[vector<16xi32>, vector<16xi32>], vector<16xf32>,
            %add3A_172 = arith.constant 32 : i32
            %add3A_173 = vector.broadcast %add3A_172 : i32 to vector<16xi32>
            %add3A_174 = arith.addi %add3A_173, %iota3A : vector<16xi32>
            tpu.vector_store_idx %arg17[%broadcast_in_dim3A_107, %all_reduce_ffs3A, %add3A_174], %gather3A_171 : memref<8x16x128xf32, #tpu.memory_space<vmem>>[vector<16xi32>, vector<16xi32>, vector<16xi32>], vector<16xf32>,
            %add3A_175 = arith.constant 48 : i32
            %add3A_176 = vector.broadcast %add3A_175 : i32 to vector<16xi32>
            %add3A_177 = arith.addi %add3A_176, %iota3A : vector<16xi32>
            %gather3A_178 = tpu.vector_load_idx %arg16[%add3A_177, %gather3A_153] : memref<64x512xf32, #tpu.memory_space<vmem>>[vector<16xi32>, vector<16xi32>], vector<16xf32>,
            %add3A_179 = arith.constant 48 : i32
            %add3A_180 = vector.broadcast %add3A_179 : i32 to vector<16xi32>
            %add3A_181 = arith.addi %add3A_180, %iota3A : vector<16xi32>
            tpu.vector_store_idx %arg17[%broadcast_in_dim3A_107, %all_reduce_ffs3A, %add3A_181], %gather3A_178 : memref<8x16x128xf32, #tpu.memory_space<vmem>>[vector<16xi32>, vector<16xi32>, vector<16xi32>], vector<16xf32>,
            %ne3A_182 = arith.cmpi ne, %iota3A, %all_reduce_ffs3A : vector<16xi32>
            %and3A_183 = arith.andi %while3A_151, %ne3A_182 : vector<16xi1>
            scf.yield %and3A_183 : vector<16xi1>
          }
          %convert_element_type3A_124 = arith.extui %gt3A_101 : i1 to i32
          %cond3A_125 = arith.constant 0 : i32
          %cond3A_126 = arith.cmpi ne, %convert_element_type3A_124, %cond3A_125 : i32
          scf.if %cond3A_126 {
            %dma_start3A = arith.constant 0 : i32
            %dma_start3A_150 = arith.constant 0 : i32
            %dma_start3A_151 = tpu.memref_slice %arg17[%while3A_84, %dma_start3A, %dma_start3A_150] : memref<8x16x128xf32, #tpu.memory_space<vmem>> -> memref<1x16x128xf32, #tpu.memory_space<vmem>>
            %dma_start3A_152 = tpu.memref_squeeze %dma_start3A_151 : memref<1x16x128xf32, #tpu.memory_space<vmem>> -> memref<16x128xf32, #tpu.memory_space<vmem>>
            %dma_start3A_153 = arith.constant 0 : i32
            %dma_start3A_154 = tpu.memref_slice %arg18[%while3A_84, %dma_start3A_153] : memref<8x16xi32, #tpu.memory_space<vmem>> -> memref<1x16xi32, #tpu.memory_space<vmem>>
            %dma_start3A_155 = tpu.memref_squeeze %dma_start3A_154 : memref<1x16xi32, #tpu.memory_space<vmem>> -> memref<16xi32, #tpu.memory_space<vmem>>
            %dma_start3A_156 = arith.constant 0 : i32
            %dma_start3A_157 = arith.constant 0 : i32
            %dma_start3A_158 = tpu.memref_slice %arg8[%dma_start3A_156, %dma_start3A_157] : memref<16400x128xf32, #tpu.memory_space<hbm>> -> memref<16400x128xf32, #tpu.memory_space<hbm>>
            tpu.enqueue_indirect_dma source(%dma_start3A_152 : memref<16x128xf32, #tpu.memory_space<vmem>>) target(%dma_start3A_158 : memref<16400x128xf32, #tpu.memory_space<hbm>>) offsets(%dma_start3A_155 : memref<16xi32, #tpu.memory_space<vmem>>) semaphore(%arg19 : memref<!tpu.dma_semaphore, #tpu.memory_space<semaphore_mem>>)
          } else {
          }
          %add3A_127 = arith.constant 1 : i32
          %add3A_128 = arith.addi %while3A_84, %add3A_127 : i32
          %jit3A_129 = arith.constant 8 : i32
          %eq3A_130 = arith.constant 0 : i32
          %eq3A_131 = arith.cmpi eq, %jit3A_129, %eq3A_130 : i32
          %jit3A_132 = arith.constant 1 : i32
          %select_n3A_133 = arith.select %eq3A_131, %jit3A_132, %jit3A_129 : i32
          %rem3A_134 = arith.remsi %add3A_128, %select_n3A_133 : i32
          %ne3A_135 = arith.constant 0 : i32
          %ne3A_136 = arith.cmpi ne, %rem3A_134, %ne3A_135 : i32
          %lt3A_137 = arith.constant 0 : i32
          %lt3A_138 = arith.cmpi slt, %rem3A_134, %lt3A_137 : i32
          %lt3A_139 = arith.constant 0 : i32
          %lt3A_140 = arith.cmpi slt, %select_n3A_133, %lt3A_139 : i32
          %ne3A_141 = arith.xori %lt3A_138, %lt3A_140 : i1
          %and3A_142 = arith.andi %ne3A_141, %ne3A_136 : i1
          %add3A_143 = arith.addi %rem3A_134, %select_n3A_133 : i32
          %select_n3A_144 = arith.select %and3A_142, %add3A_143, %rem3A_134 : i32
          %select_n3A_145 = arith.select %gt3A_101, %select_n3A_144, %while3A_84 : i32
          %add3A_146 = arith.constant 1 : i32
          %add3A_147 = arith.addi %while3A_85, %add3A_146 : i32
          %min3A = arith.constant 8 : i32
          %min3A_148 = arith.minsi %add3A_147, %min3A : i32
          %select_n3A_149 = arith.select %gt3A_101, %min3A_148, %while3A_85 : i32
          scf.yield %select_n3A_145, %select_n3A_149 : i32, i32
        }
        scf.yield %while3A_82#0, %while3A_82#1 : i32, i32
      } else {
        scf.yield %scan3A_43, %scan3A_44 : i32, i32
      }
      scf.yield %cond3A_54#0, %cond3A_54#1 : i32, i32
    }
    %scan3A_20 = arith.constant 62 : i32
    %eq3A = arith.constant 1 : i32
    %eq3A_21 = arith.cmpi eq, %add3A, %eq3A : i32
    %convert_element_type3A = arith.extui %eq3A_21 : i1 to i32
    %cond3A = arith.constant 0 : i32
    %cond3A_22 = arith.cmpi ne, %convert_element_type3A, %cond3A : i32
    %cond3A_23:2 = scf.if %cond3A_22 -> (i32, i32) {
      "tpu.region"() ({
        %run_scoped3A = tpu.sem_alloc : memref<!tpu.dma_semaphore, #tpu.memory_space<semaphore_mem>>
        %dma_start3A = arith.constant 0 : i32
        %dma_start3A_71 = arith.constant 0 : i32
        %dma_start3A_72 = tpu.memref_slice %arg16[%dma_start3A, %dma_start3A_71] : memref<64x512xf32, #tpu.memory_space<vmem>> -> memref<64x512xf32, #tpu.memory_space<vmem>>
        %dma_start3A_73 = arith.constant 0 : i32
        %dma_start3A_74 = arith.constant 0 : i32
        %dma_start3A_75 = tpu.memref_slice %arg6[%dma_start3A_73, %dma_start3A_74] : memref<64x512xf32, #tpu.memory_space<hbm>> -> memref<64x512xf32, #tpu.memory_space<hbm>>
        %dma_start3A_76 = arith.constant 0 : i32
        %dma_start3A_77 = arith.constant 0 : i32
        %dma_start3A_78 = tpu.memref_slice %arg16[%dma_start3A_76, %dma_start3A_77] : memref<64x512xf32, #tpu.memory_space<vmem>> -> memref<64x512xf32, #tpu.memory_space<vmem>>
        %dma_start3A_79 = arith.constant 0 : i32
        %dma_start3A_80 = arith.constant 0 : i32
        %dma_start3A_81 = tpu.memref_slice %arg6[%dma_start3A_79, %dma_start3A_80] : memref<64x512xf32, #tpu.memory_space<hbm>> -> memref<64x512xf32, #tpu.memory_space<hbm>>
        tpu.enqueue_dma source(%dma_start3A_81 : memref<64x512xf32, #tpu.memory_space<hbm>>) target(%dma_start3A_78 : memref<64x512xf32, #tpu.memory_space<vmem>>) target_semaphore(%run_scoped3A : memref<!tpu.dma_semaphore, #tpu.memory_space<semaphore_mem>>)
        %dma_wait3A = arith.constant 0 : i32
        %dma_wait3A_82 = arith.constant 0 : i32
        %dma_wait3A_83 = tpu.memref_slice %arg16[%dma_wait3A, %dma_wait3A_82] : memref<64x512xf32, #tpu.memory_space<vmem>> -> memref<64x512xf32, #tpu.memory_space<vmem>>
        %dma_wait3A_84 = arith.constant 0 : i32
        %dma_wait3A_85 = arith.constant 0 : i32
        %dma_wait3A_86 = tpu.memref_slice %arg6[%dma_wait3A_84, %dma_wait3A_85] : memref<64x512xf32, #tpu.memory_space<hbm>> -> memref<64x512xf32, #tpu.memory_space<hbm>>
        %dma_wait3A_87 = arith.constant 0 : i32
        %dma_wait3A_88 = arith.constant 0 : i32
        %dma_wait3A_89 = tpu.memref_slice %arg16[%dma_wait3A_87, %dma_wait3A_88] : memref<64x512xf32, #tpu.memory_space<vmem>> -> memref<64x512xf32, #tpu.memory_space<vmem>>
        %dma_wait3A_90 = arith.constant 0 : i32
        %dma_wait3A_91 = arith.constant 0 : i32
        %dma_wait3A_92 = tpu.memref_slice %arg6[%dma_wait3A_90, %dma_wait3A_91] : memref<64x512xf32, #tpu.memory_space<hbm>> -> memref<64x512xf32, #tpu.memory_space<hbm>>
        tpu.wait_dma2 semaphore(%run_scoped3A : memref<!tpu.dma_semaphore, #tpu.memory_space<semaphore_mem>>) src(%dma_wait3A_92 : memref<64x512xf32, #tpu.memory_space<hbm>>) dst(%dma_wait3A_89 : memref<64x512xf32, #tpu.memory_space<vmem>>)
        tpu.yield
      }) : () -> ()
      %add3A_42 = arith.constant 15 : i32
      %add3A_43 = arith.addi %scan3A_7#0, %add3A_42 : i32
      %jit3A = arith.constant 16 : i32
      %div3A = arith.divsi %add3A_43, %jit3A : i32
      %sign3A = arith.constant 0 : i32
      %sign3A_44 = arith.cmpi sgt, %add3A_43, %sign3A : i32
      %sign3A_45 = arith.extui %sign3A_44 : i1 to i32
      %sign3A_46 = arith.constant 0 : i32
      %sign3A_47 = arith.cmpi slt, %add3A_43, %sign3A_46 : i32
      %sign3A_48 = arith.extui %sign3A_47 : i1 to i32
      %sign3A_49 = arith.subi %sign3A_45, %sign3A_48 : i32
      %sign3A_50 = arith.constant 0 : i32
      %sign3A_51 = arith.cmpi sgt, %jit3A, %sign3A_50 : i32
      %sign3A_52 = arith.extui %sign3A_51 : i1 to i32
      %sign3A_53 = arith.constant 0 : i32
      %sign3A_54 = arith.cmpi slt, %jit3A, %sign3A_53 : i32
      %sign3A_55 = arith.extui %sign3A_54 : i1 to i32
      %sign3A_56 = arith.subi %sign3A_52, %sign3A_55 : i32
      %ne3A = arith.cmpi ne, %sign3A_49, %sign3A_56 : i32
      %rem3A = arith.remsi %add3A_43, %jit3A : i32
      %ne3A_57 = arith.constant 0 : i32
      %ne3A_58 = arith.cmpi ne, %rem3A, %ne3A_57 : i32
      %and3A = arith.andi %ne3A, %ne3A_58 : i1
      %sub3A = arith.constant 1 : i32
      %sub3A_59 = arith.subi %div3A, %sub3A : i32
      %select_n3A = arith.select %and3A, %sub3A_59, %div3A : i32
      %while3A = arith.constant 1953 : i32
      %while3A_60 = arith.constant 0 : i32
      %while3A_61 = arith.subi %select_n3A, %while3A_60 : i32
      %while3A_62 = arith.addi %while3A_60, %while3A_61 : i32
      %while3A_63 = arith.constant 1 : i32
      %while3A_64 = arith.divsi %while3A_61, %while3A_63 : i32
      %while3A_65 = arith.muli %while3A_64, %while3A_63 : i32
      %while3A_66 = arith.addi %while3A_60, %while3A_65 : i32
      %while3A_67 = arith.constant 1 : i32
      %while3A_68:2 = scf.for %while3A_71 = %while3A_60 to %while3A_66 step %while3A_67 iter_args(%while3A_72 = %scan3A_19#0, %while3A_73 = %scan3A_19#1) -> (i32, i32)  : i32 {
        %mul3A_74 = arith.constant 16 : i32
        %mul3A_75 = arith.muli %while3A_71, %mul3A_74 : i32
        %get3A = arith.index_cast %mul3A_75 : i32 to index
        %get3A_76 = tpu.vector_load %arg12[%get3A] {strides = array<i32>} : memref<16400xi32, #tpu.memory_space<vmem>>, vector<16xi32>,
        %shift_right_arithmetic3A = arith.constant 9 : i32
        %shift_right_arithmetic3A_77 = vector.broadcast %shift_right_arithmetic3A : i32 to vector<16xi32>
        %shift_right_arithmetic3A_78 = arith.shrsi %get3A_76, %shift_right_arithmetic3A_77 : vector<16xi32>
        %eq3A_79 = vector.broadcast %while3A : i32 to vector<16xi32>
        %eq3A_80 = arith.cmpi eq, %shift_right_arithmetic3A_78, %eq3A_79 : vector<16xi32>
        %jit3A_81 = arith.constant 1 : i32
        %jit3A_82 = arith.constant 0 : i32
        %broadcast_in_dim3A_83 = vector.broadcast %jit3A_81 : i32 to vector<16xi32>
        %broadcast_in_dim3A_84 = vector.broadcast %jit3A_82 : i32 to vector<16xi32>
        %select_n3A_85 = arith.select %eq3A_80, %broadcast_in_dim3A_83, %broadcast_in_dim3A_84 : vector<16xi1>, vector<16xi32>
        %reduce_sum3A = arith.constant true
        %reduce_sum3A_86 = vector.broadcast %reduce_sum3A : i1 to vector<16xi1>
        %reduce_sum3A_87 = tpu.scan <sum>, %select_n3A_85 masked %reduce_sum3A_86 : vector<16xi32>, vector<16xi1> -> vector<16xi32>
        %reduce_sum3A_88 = vector.extract %reduce_sum3A_87[15] : i32 from vector<16xi32>
        %gt3A = arith.constant 0 : i32
        %gt3A_89 = arith.cmpi sgt, %reduce_sum3A_88, %gt3A : i32
        %ge3A = arith.constant 8 : i32
        %ge3A_90 = arith.cmpi sge, %while3A_73, %ge3A : i32
        %and3A_91 = arith.andi %gt3A_89, %ge3A_90 : i1
        %convert_element_type3A_92 = arith.extui %and3A_91 : i1 to i32
        %cond3A_93 = arith.constant 0 : i32
        %cond3A_94 = arith.cmpi ne, %convert_element_type3A_92, %cond3A_93 : i32
        scf.if %cond3A_94 {
          %dma_wait3A = arith.constant 0 : i32
          %dma_wait3A_138 = arith.constant 0 : i32
          %dma_wait3A_139 = arith.constant 0 : i32
          %dma_wait3A_140 = tpu.memref_slice %arg17[%dma_wait3A, %dma_wait3A_138, %dma_wait3A_139] : memref<8x16x128xf32, #tpu.memory_space<vmem>> -> memref<1x16x128xf32, #tpu.memory_space<vmem>>
          %dma_wait3A_141 = tpu.memref_squeeze %dma_wait3A_140 : memref<1x16x128xf32, #tpu.memory_space<vmem>> -> memref<16x128xf32, #tpu.memory_space<vmem>>
          %dma_wait3A_142 = arith.constant 0 : i32
          %dma_wait3A_143 = arith.constant 0 : i32
          %dma_wait3A_144 = tpu.memref_slice %arg8[%dma_wait3A_142, %dma_wait3A_143] : memref<16400x128xf32, #tpu.memory_space<hbm>> -> memref<16x128xf32, #tpu.memory_space<hbm>>
          %dma_wait3A_145 = arith.constant 0 : i32
          %dma_wait3A_146 = arith.constant 0 : i32
          %dma_wait3A_147 = tpu.memref_slice %arg17[%dma_wait3A, %dma_wait3A_145, %dma_wait3A_146] : memref<8x16x128xf32, #tpu.memory_space<vmem>> -> memref<1x16x128xf32, #tpu.memory_space<vmem>>
          %dma_wait3A_148 = tpu.memref_squeeze %dma_wait3A_147 : memref<1x16x128xf32, #tpu.memory_space<vmem>> -> memref<16x128xf32, #tpu.memory_space<vmem>>
          %dma_wait3A_149 = arith.constant 0 : i32
          %dma_wait3A_150 = arith.constant 0 : i32
          %dma_wait3A_151 = tpu.memref_slice %arg8[%dma_wait3A_149, %dma_wait3A_150] : memref<16400x128xf32, #tpu.memory_space<hbm>> -> memref<16x128xf32, #tpu.memory_space<hbm>>
          tpu.wait_dma2 semaphore(%arg19 : memref<!tpu.dma_semaphore, #tpu.memory_space<semaphore_mem>>) src(%dma_wait3A_151 : memref<16x128xf32, #tpu.memory_space<hbm>>) dst(%dma_wait3A_148 : memref<16x128xf32, #tpu.memory_space<vmem>>)
        } else {
        }
        %broadcast_in_dim3A_95 = vector.broadcast %while3A_72 : i32 to vector<16xi32>
        %convert_element_type3A_96 = arith.extui %gt3A_89 : i1 to i32
        %cond3A_97 = arith.constant 0 : i32
        %cond3A_98 = arith.cmpi ne, %convert_element_type3A_96, %cond3A_97 : i32
        scf.if %cond3A_98 {
          %mul3A_138 = arith.constant 16 : i32
          %mul3A_139 = arith.muli %while3A_71, %mul3A_138 : i32
          %get3A_140 = arith.index_cast %mul3A_139 : i32 to index
          %get3A_141 = tpu.vector_load %arg13[%get3A_140] {strides = array<i32>} : memref<16400xi32, #tpu.memory_space<vmem>>, vector<16xi32>,
          %add3A_142 = arith.constant 16384 : i32
          %add3A_143 = vector.broadcast %add3A_142 : i32 to vector<16xi32>
          %add3A_144 = arith.addi %add3A_143, %iota3A : vector<16xi32>
          %select_n3A_145 = arith.select %eq3A_80, %get3A_141, %add3A_144 : vector<16xi1>, vector<16xi32>
          tpu.vector_store_idx %arg18[%broadcast_in_dim3A_95, %iota3A], %select_n3A_145 : memref<8x16xi32, #tpu.memory_space<vmem>>[vector<16xi32>, vector<16xi32>], vector<16xi32>,
        } else {
        }
        %sub3A_99 = arith.constant 999488 : i32
        %sub3A_100 = vector.broadcast %sub3A_99 : i32 to vector<16xi32>
        %sub3A_101 = arith.subi %get3A_76, %sub3A_100 : vector<16xi32>
        %while3A_102 = arith.constant 0 : i32
        %while3A_103 = arith.subi %reduce_sum3A_88, %while3A_102 : i32
        %while3A_104 = arith.addi %while3A_102, %while3A_103 : i32
        %while3A_105 = arith.constant 1 : i32
        %while3A_106 = arith.divsi %while3A_103, %while3A_105 : i32
        %while3A_107 = arith.muli %while3A_106, %while3A_105 : i32
        %while3A_108 = arith.addi %while3A_102, %while3A_107 : i32
        %while3A_109 = arith.constant 1 : i32
        %while3A_110 = scf.for %while3A_138 = %while3A_102 to %while3A_108 step %while3A_109 iter_args(%while3A_139 = %eq3A_80) -> (vector<16xi1>)  : i32 {
          %all_reduce_ffs3A = tpu.all_reduce %while3A_139 {dim = 0 : i64, kind = #tpu.reduction_kind<find_first_set>} : vector<16xi1> -> vector<16xi32>
          %broadcast_in_dim3A_140 = vector.shape_cast %all_reduce_ffs3A : vector<16xi32> to vector<16x1xi32>
          %gather3A = vector.shape_cast %broadcast_in_dim3A_140 : vector<16x1xi32> to vector<16xi32>
          %gather3A_141 = tpu.dynamic_gather %sub3A_101[%gather3A] in [0] : vector<16xi32>, vector<16xi32> -> vector<16xi32>
          %add3A_142 = arith.constant 0 : i32
          %add3A_143 = vector.broadcast %add3A_142 : i32 to vector<16xi32>
          %add3A_144 = arith.addi %add3A_143, %iota3A : vector<16xi32>
          %gather3A_145 = tpu.vector_load_idx %arg16[%add3A_144, %gather3A_141] : memref<64x512xf32, #tpu.memory_space<vmem>>[vector<16xi32>, vector<16xi32>], vector<16xf32>,
          %add3A_146 = arith.constant 0 : i32
          %add3A_147 = vector.broadcast %add3A_146 : i32 to vector<16xi32>
          %add3A_148 = arith.addi %add3A_147, %iota3A : vector<16xi32>
          tpu.vector_store_idx %arg17[%broadcast_in_dim3A_95, %all_reduce_ffs3A, %add3A_148], %gather3A_145 : memref<8x16x128xf32, #tpu.memory_space<vmem>>[vector<16xi32>, vector<16xi32>, vector<16xi32>], vector<16xf32>,
          %add3A_149 = arith.constant 16 : i32
          %add3A_150 = vector.broadcast %add3A_149 : i32 to vector<16xi32>
          %add3A_151 = arith.addi %add3A_150, %iota3A : vector<16xi32>
          %gather3A_152 = tpu.vector_load_idx %arg16[%add3A_151, %gather3A_141] : memref<64x512xf32, #tpu.memory_space<vmem>>[vector<16xi32>, vector<16xi32>], vector<16xf32>,
          %add3A_153 = arith.constant 16 : i32
          %add3A_154 = vector.broadcast %add3A_153 : i32 to vector<16xi32>
          %add3A_155 = arith.addi %add3A_154, %iota3A : vector<16xi32>
          tpu.vector_store_idx %arg17[%broadcast_in_dim3A_95, %all_reduce_ffs3A, %add3A_155], %gather3A_152 : memref<8x16x128xf32, #tpu.memory_space<vmem>>[vector<16xi32>, vector<16xi32>, vector<16xi32>], vector<16xf32>,
          %add3A_156 = arith.constant 32 : i32
          %add3A_157 = vector.broadcast %add3A_156 : i32 to vector<16xi32>
          %add3A_158 = arith.addi %add3A_157, %iota3A : vector<16xi32>
          %gather3A_159 = tpu.vector_load_idx %arg16[%add3A_158, %gather3A_141] : memref<64x512xf32, #tpu.memory_space<vmem>>[vector<16xi32>, vector<16xi32>], vector<16xf32>,
          %add3A_160 = arith.constant 32 : i32
          %add3A_161 = vector.broadcast %add3A_160 : i32 to vector<16xi32>
          %add3A_162 = arith.addi %add3A_161, %iota3A : vector<16xi32>
          tpu.vector_store_idx %arg17[%broadcast_in_dim3A_95, %all_reduce_ffs3A, %add3A_162], %gather3A_159 : memref<8x16x128xf32, #tpu.memory_space<vmem>>[vector<16xi32>, vector<16xi32>, vector<16xi32>], vector<16xf32>,
          %add3A_163 = arith.constant 48 : i32
          %add3A_164 = vector.broadcast %add3A_163 : i32 to vector<16xi32>
          %add3A_165 = arith.addi %add3A_164, %iota3A : vector<16xi32>
          %gather3A_166 = tpu.vector_load_idx %arg16[%add3A_165, %gather3A_141] : memref<64x512xf32, #tpu.memory_space<vmem>>[vector<16xi32>, vector<16xi32>], vector<16xf32>,
          %add3A_167 = arith.constant 48 : i32
          %add3A_168 = vector.broadcast %add3A_167 : i32 to vector<16xi32>
          %add3A_169 = arith.addi %add3A_168, %iota3A : vector<16xi32>
          tpu.vector_store_idx %arg17[%broadcast_in_dim3A_95, %all_reduce_ffs3A, %add3A_169], %gather3A_166 : memref<8x16x128xf32, #tpu.memory_space<vmem>>[vector<16xi32>, vector<16xi32>, vector<16xi32>], vector<16xf32>,
          %ne3A_170 = arith.cmpi ne, %iota3A, %all_reduce_ffs3A : vector<16xi32>
          %and3A_171 = arith.andi %while3A_139, %ne3A_170 : vector<16xi1>
          scf.yield %and3A_171 : vector<16xi1>
        }
        %while3A_111 = arith.constant 1 : i32
        %while3A_112 = scf.for %while3A_138 = %while3A_108 to %while3A_104 step %while3A_111 iter_args(%while3A_139 = %while3A_110) -> (vector<16xi1>)  : i32 {
          %all_reduce_ffs3A = tpu.all_reduce %while3A_139 {dim = 0 : i64, kind = #tpu.reduction_kind<find_first_set>} : vector<16xi1> -> vector<16xi32>
          %broadcast_in_dim3A_140 = vector.shape_cast %all_reduce_ffs3A : vector<16xi32> to vector<16x1xi32>
          %gather3A = vector.shape_cast %broadcast_in_dim3A_140 : vector<16x1xi32> to vector<16xi32>
          %gather3A_141 = tpu.dynamic_gather %sub3A_101[%gather3A] in [0] : vector<16xi32>, vector<16xi32> -> vector<16xi32>
          %add3A_142 = arith.constant 0 : i32
          %add3A_143 = vector.broadcast %add3A_142 : i32 to vector<16xi32>
          %add3A_144 = arith.addi %add3A_143, %iota3A : vector<16xi32>
          %gather3A_145 = tpu.vector_load_idx %arg16[%add3A_144, %gather3A_141] : memref<64x512xf32, #tpu.memory_space<vmem>>[vector<16xi32>, vector<16xi32>], vector<16xf32>,
          %add3A_146 = arith.constant 0 : i32
          %add3A_147 = vector.broadcast %add3A_146 : i32 to vector<16xi32>
          %add3A_148 = arith.addi %add3A_147, %iota3A : vector<16xi32>
          tpu.vector_store_idx %arg17[%broadcast_in_dim3A_95, %all_reduce_ffs3A, %add3A_148], %gather3A_145 : memref<8x16x128xf32, #tpu.memory_space<vmem>>[vector<16xi32>, vector<16xi32>, vector<16xi32>], vector<16xf32>,
          %add3A_149 = arith.constant 16 : i32
          %add3A_150 = vector.broadcast %add3A_149 : i32 to vector<16xi32>
          %add3A_151 = arith.addi %add3A_150, %iota3A : vector<16xi32>
          %gather3A_152 = tpu.vector_load_idx %arg16[%add3A_151, %gather3A_141] : memref<64x512xf32, #tpu.memory_space<vmem>>[vector<16xi32>, vector<16xi32>], vector<16xf32>,
          %add3A_153 = arith.constant 16 : i32
          %add3A_154 = vector.broadcast %add3A_153 : i32 to vector<16xi32>
          %add3A_155 = arith.addi %add3A_154, %iota3A : vector<16xi32>
          tpu.vector_store_idx %arg17[%broadcast_in_dim3A_95, %all_reduce_ffs3A, %add3A_155], %gather3A_152 : memref<8x16x128xf32, #tpu.memory_space<vmem>>[vector<16xi32>, vector<16xi32>, vector<16xi32>], vector<16xf32>,
          %add3A_156 = arith.constant 32 : i32
          %add3A_157 = vector.broadcast %add3A_156 : i32 to vector<16xi32>
          %add3A_158 = arith.addi %add3A_157, %iota3A : vector<16xi32>
          %gather3A_159 = tpu.vector_load_idx %arg16[%add3A_158, %gather3A_141] : memref<64x512xf32, #tpu.memory_space<vmem>>[vector<16xi32>, vector<16xi32>], vector<16xf32>,
          %add3A_160 = arith.constant 32 : i32
          %add3A_161 = vector.broadcast %add3A_160 : i32 to vector<16xi32>
          %add3A_162 = arith.addi %add3A_161, %iota3A : vector<16xi32>
          tpu.vector_store_idx %arg17[%broadcast_in_dim3A_95, %all_reduce_ffs3A, %add3A_162], %gather3A_159 : memref<8x16x128xf32, #tpu.memory_space<vmem>>[vector<16xi32>, vector<16xi32>, vector<16xi32>], vector<16xf32>,
          %add3A_163 = arith.constant 48 : i32
          %add3A_164 = vector.broadcast %add3A_163 : i32 to vector<16xi32>
          %add3A_165 = arith.addi %add3A_164, %iota3A : vector<16xi32>
          %gather3A_166 = tpu.vector_load_idx %arg16[%add3A_165, %gather3A_141] : memref<64x512xf32, #tpu.memory_space<vmem>>[vector<16xi32>, vector<16xi32>], vector<16xf32>,
          %add3A_167 = arith.constant 48 : i32
          %add3A_168 = vector.broadcast %add3A_167 : i32 to vector<16xi32>
          %add3A_169 = arith.addi %add3A_168, %iota3A : vector<16xi32>
          tpu.vector_store_idx %arg17[%broadcast_in_dim3A_95, %all_reduce_ffs3A, %add3A_169], %gather3A_166 : memref<8x16x128xf32, #tpu.memory_space<vmem>>[vector<16xi32>, vector<16xi32>, vector<16xi32>], vector<16xf32>,
          %ne3A_170 = arith.cmpi ne, %iota3A, %all_reduce_ffs3A : vector<16xi32>
          %and3A_171 = arith.andi %while3A_139, %ne3A_170 : vector<16xi1>
          scf.yield %and3A_171 : vector<16xi1>
        }
        %convert_element_type3A_113 = arith.extui %gt3A_89 : i1 to i32
        %cond3A_114 = arith.constant 0 : i32
        %cond3A_115 = arith.cmpi ne, %convert_element_type3A_113, %cond3A_114 : i32
        scf.if %cond3A_115 {
          %dma_start3A = arith.constant 0 : i32
          %dma_start3A_138 = arith.constant 0 : i32
          %dma_start3A_139 = tpu.memref_slice %arg17[%while3A_72, %dma_start3A, %dma_start3A_138] : memref<8x16x128xf32, #tpu.memory_space<vmem>> -> memref<1x16x128xf32, #tpu.memory_space<vmem>>
          %dma_start3A_140 = tpu.memref_squeeze %dma_start3A_139 : memref<1x16x128xf32, #tpu.memory_space<vmem>> -> memref<16x128xf32, #tpu.memory_space<vmem>>
          %dma_start3A_141 = arith.constant 0 : i32
          %dma_start3A_142 = tpu.memref_slice %arg18[%while3A_72, %dma_start3A_141] : memref<8x16xi32, #tpu.memory_space<vmem>> -> memref<1x16xi32, #tpu.memory_space<vmem>>
          %dma_start3A_143 = tpu.memref_squeeze %dma_start3A_142 : memref<1x16xi32, #tpu.memory_space<vmem>> -> memref<16xi32, #tpu.memory_space<vmem>>
          %dma_start3A_144 = arith.constant 0 : i32
          %dma_start3A_145 = arith.constant 0 : i32
          %dma_start3A_146 = tpu.memref_slice %arg8[%dma_start3A_144, %dma_start3A_145] : memref<16400x128xf32, #tpu.memory_space<hbm>> -> memref<16400x128xf32, #tpu.memory_space<hbm>>
          tpu.enqueue_indirect_dma source(%dma_start3A_140 : memref<16x128xf32, #tpu.memory_space<vmem>>) target(%dma_start3A_146 : memref<16400x128xf32, #tpu.memory_space<hbm>>) offsets(%dma_start3A_143 : memref<16xi32, #tpu.memory_space<vmem>>) semaphore(%arg19 : memref<!tpu.dma_semaphore, #tpu.memory_space<semaphore_mem>>)
        } else {
        }
        %add3A_116 = arith.constant 1 : i32
        %add3A_117 = arith.addi %while3A_72, %add3A_116 : i32
        %jit3A_118 = arith.constant 8 : i32
        %eq3A_119 = arith.constant 0 : i32
        %eq3A_120 = arith.cmpi eq, %jit3A_118, %eq3A_119 : i32
        %jit3A_121 = arith.constant 1 : i32
        %select_n3A_122 = arith.select %eq3A_120, %jit3A_121, %jit3A_118 : i32
        %rem3A_123 = arith.remsi %add3A_117, %select_n3A_122 : i32
        %ne3A_124 = arith.constant 0 : i32
        %ne3A_125 = arith.cmpi ne, %rem3A_123, %ne3A_124 : i32
        %lt3A = arith.constant 0 : i32
        %lt3A_126 = arith.cmpi slt, %rem3A_123, %lt3A : i32
        %lt3A_127 = arith.constant 0 : i32
        %lt3A_128 = arith.cmpi slt, %select_n3A_122, %lt3A_127 : i32
        %ne3A_129 = arith.xori %lt3A_126, %lt3A_128 : i1
        %and3A_130 = arith.andi %ne3A_129, %ne3A_125 : i1
        %add3A_131 = arith.addi %rem3A_123, %select_n3A_122 : i32
        %select_n3A_132 = arith.select %and3A_130, %add3A_131, %rem3A_123 : i32
        %select_n3A_133 = arith.select %gt3A_89, %select_n3A_132, %while3A_72 : i32
        %add3A_134 = arith.constant 1 : i32
        %add3A_135 = arith.addi %while3A_73, %add3A_134 : i32
        %min3A = arith.constant 8 : i32
        %min3A_136 = arith.minsi %add3A_135, %min3A : i32
        %select_n3A_137 = arith.select %gt3A_89, %min3A_136, %while3A_73 : i32
        scf.yield %select_n3A_133, %select_n3A_137 : i32, i32
      }
      %while3A_69 = arith.constant 1 : i32
      %while3A_70:2 = scf.for %while3A_71 = %while3A_66 to %while3A_62 step %while3A_69 iter_args(%while3A_72 = %while3A_68#0, %while3A_73 = %while3A_68#1) -> (i32, i32)  : i32 {
        %mul3A_74 = arith.constant 16 : i32
        %mul3A_75 = arith.muli %while3A_71, %mul3A_74 : i32
        %get3A = arith.index_cast %mul3A_75 : i32 to index
        %get3A_76 = tpu.vector_load %arg12[%get3A] {strides = array<i32>} : memref<16400xi32, #tpu.memory_space<vmem>>, vector<16xi32>,
        %shift_right_arithmetic3A = arith.constant 9 : i32
        %shift_right_arithmetic3A_77 = vector.broadcast %shift_right_arithmetic3A : i32 to vector<16xi32>
        %shift_right_arithmetic3A_78 = arith.shrsi %get3A_76, %shift_right_arithmetic3A_77 : vector<16xi32>
        %eq3A_79 = vector.broadcast %while3A : i32 to vector<16xi32>
        %eq3A_80 = arith.cmpi eq, %shift_right_arithmetic3A_78, %eq3A_79 : vector<16xi32>
        %jit3A_81 = arith.constant 1 : i32
        %jit3A_82 = arith.constant 0 : i32
        %broadcast_in_dim3A_83 = vector.broadcast %jit3A_81 : i32 to vector<16xi32>
        %broadcast_in_dim3A_84 = vector.broadcast %jit3A_82 : i32 to vector<16xi32>
        %select_n3A_85 = arith.select %eq3A_80, %broadcast_in_dim3A_83, %broadcast_in_dim3A_84 : vector<16xi1>, vector<16xi32>
        %reduce_sum3A = arith.constant true
        %reduce_sum3A_86 = vector.broadcast %reduce_sum3A : i1 to vector<16xi1>
        %reduce_sum3A_87 = tpu.scan <sum>, %select_n3A_85 masked %reduce_sum3A_86 : vector<16xi32>, vector<16xi1> -> vector<16xi32>
        %reduce_sum3A_88 = vector.extract %reduce_sum3A_87[15] : i32 from vector<16xi32>
        %gt3A = arith.constant 0 : i32
        %gt3A_89 = arith.cmpi sgt, %reduce_sum3A_88, %gt3A : i32
        %ge3A = arith.constant 8 : i32
        %ge3A_90 = arith.cmpi sge, %while3A_73, %ge3A : i32
        %and3A_91 = arith.andi %gt3A_89, %ge3A_90 : i1
        %convert_element_type3A_92 = arith.extui %and3A_91 : i1 to i32
        %cond3A_93 = arith.constant 0 : i32
        %cond3A_94 = arith.cmpi ne, %convert_element_type3A_92, %cond3A_93 : i32
        scf.if %cond3A_94 {
          %dma_wait3A = arith.constant 0 : i32
          %dma_wait3A_138 = arith.constant 0 : i32
          %dma_wait3A_139 = arith.constant 0 : i32
          %dma_wait3A_140 = tpu.memref_slice %arg17[%dma_wait3A, %dma_wait3A_138, %dma_wait3A_139] : memref<8x16x128xf32, #tpu.memory_space<vmem>> -> memref<1x16x128xf32, #tpu.memory_space<vmem>>
          %dma_wait3A_141 = tpu.memref_squeeze %dma_wait3A_140 : memref<1x16x128xf32, #tpu.memory_space<vmem>> -> memref<16x128xf32, #tpu.memory_space<vmem>>
          %dma_wait3A_142 = arith.constant 0 : i32
          %dma_wait3A_143 = arith.constant 0 : i32
          %dma_wait3A_144 = tpu.memref_slice %arg8[%dma_wait3A_142, %dma_wait3A_143] : memref<16400x128xf32, #tpu.memory_space<hbm>> -> memref<16x128xf32, #tpu.memory_space<hbm>>
          %dma_wait3A_145 = arith.constant 0 : i32
          %dma_wait3A_146 = arith.constant 0 : i32
          %dma_wait3A_147 = tpu.memref_slice %arg17[%dma_wait3A, %dma_wait3A_145, %dma_wait3A_146] : memref<8x16x128xf32, #tpu.memory_space<vmem>> -> memref<1x16x128xf32, #tpu.memory_space<vmem>>
          %dma_wait3A_148 = tpu.memref_squeeze %dma_wait3A_147 : memref<1x16x128xf32, #tpu.memory_space<vmem>> -> memref<16x128xf32, #tpu.memory_space<vmem>>
          %dma_wait3A_149 = arith.constant 0 : i32
          %dma_wait3A_150 = arith.constant 0 : i32
          %dma_wait3A_151 = tpu.memref_slice %arg8[%dma_wait3A_149, %dma_wait3A_150] : memref<16400x128xf32, #tpu.memory_space<hbm>> -> memref<16x128xf32, #tpu.memory_space<hbm>>
          tpu.wait_dma2 semaphore(%arg19 : memref<!tpu.dma_semaphore, #tpu.memory_space<semaphore_mem>>) src(%dma_wait3A_151 : memref<16x128xf32, #tpu.memory_space<hbm>>) dst(%dma_wait3A_148 : memref<16x128xf32, #tpu.memory_space<vmem>>)
        } else {
        }
        %broadcast_in_dim3A_95 = vector.broadcast %while3A_72 : i32 to vector<16xi32>
        %convert_element_type3A_96 = arith.extui %gt3A_89 : i1 to i32
        %cond3A_97 = arith.constant 0 : i32
        %cond3A_98 = arith.cmpi ne, %convert_element_type3A_96, %cond3A_97 : i32
        scf.if %cond3A_98 {
          %mul3A_138 = arith.constant 16 : i32
          %mul3A_139 = arith.muli %while3A_71, %mul3A_138 : i32
          %get3A_140 = arith.index_cast %mul3A_139 : i32 to index
          %get3A_141 = tpu.vector_load %arg13[%get3A_140] {strides = array<i32>} : memref<16400xi32, #tpu.memory_space<vmem>>, vector<16xi32>,
          %add3A_142 = arith.constant 16384 : i32
          %add3A_143 = vector.broadcast %add3A_142 : i32 to vector<16xi32>
          %add3A_144 = arith.addi %add3A_143, %iota3A : vector<16xi32>
          %select_n3A_145 = arith.select %eq3A_80, %get3A_141, %add3A_144 : vector<16xi1>, vector<16xi32>
          tpu.vector_store_idx %arg18[%broadcast_in_dim3A_95, %iota3A], %select_n3A_145 : memref<8x16xi32, #tpu.memory_space<vmem>>[vector<16xi32>, vector<16xi32>], vector<16xi32>,
        } else {
        }
        %sub3A_99 = arith.constant 999488 : i32
        %sub3A_100 = vector.broadcast %sub3A_99 : i32 to vector<16xi32>
        %sub3A_101 = arith.subi %get3A_76, %sub3A_100 : vector<16xi32>
        %while3A_102 = arith.constant 0 : i32
        %while3A_103 = arith.subi %reduce_sum3A_88, %while3A_102 : i32
        %while3A_104 = arith.addi %while3A_102, %while3A_103 : i32
        %while3A_105 = arith.constant 1 : i32
        %while3A_106 = arith.divsi %while3A_103, %while3A_105 : i32
        %while3A_107 = arith.muli %while3A_106, %while3A_105 : i32
        %while3A_108 = arith.addi %while3A_102, %while3A_107 : i32
        %while3A_109 = arith.constant 1 : i32
        %while3A_110 = scf.for %while3A_138 = %while3A_102 to %while3A_108 step %while3A_109 iter_args(%while3A_139 = %eq3A_80) -> (vector<16xi1>)  : i32 {
          %all_reduce_ffs3A = tpu.all_reduce %while3A_139 {dim = 0 : i64, kind = #tpu.reduction_kind<find_first_set>} : vector<16xi1> -> vector<16xi32>
          %broadcast_in_dim3A_140 = vector.shape_cast %all_reduce_ffs3A : vector<16xi32> to vector<16x1xi32>
          %gather3A = vector.shape_cast %broadcast_in_dim3A_140 : vector<16x1xi32> to vector<16xi32>
          %gather3A_141 = tpu.dynamic_gather %sub3A_101[%gather3A] in [0] : vector<16xi32>, vector<16xi32> -> vector<16xi32>
          %add3A_142 = arith.constant 0 : i32
          %add3A_143 = vector.broadcast %add3A_142 : i32 to vector<16xi32>
          %add3A_144 = arith.addi %add3A_143, %iota3A : vector<16xi32>
          %gather3A_145 = tpu.vector_load_idx %arg16[%add3A_144, %gather3A_141] : memref<64x512xf32, #tpu.memory_space<vmem>>[vector<16xi32>, vector<16xi32>], vector<16xf32>,
          %add3A_146 = arith.constant 0 : i32
          %add3A_147 = vector.broadcast %add3A_146 : i32 to vector<16xi32>
          %add3A_148 = arith.addi %add3A_147, %iota3A : vector<16xi32>
          tpu.vector_store_idx %arg17[%broadcast_in_dim3A_95, %all_reduce_ffs3A, %add3A_148], %gather3A_145 : memref<8x16x128xf32, #tpu.memory_space<vmem>>[vector<16xi32>, vector<16xi32>, vector<16xi32>], vector<16xf32>,
          %add3A_149 = arith.constant 16 : i32
          %add3A_150 = vector.broadcast %add3A_149 : i32 to vector<16xi32>
          %add3A_151 = arith.addi %add3A_150, %iota3A : vector<16xi32>
          %gather3A_152 = tpu.vector_load_idx %arg16[%add3A_151, %gather3A_141] : memref<64x512xf32, #tpu.memory_space<vmem>>[vector<16xi32>, vector<16xi32>], vector<16xf32>,
          %add3A_153 = arith.constant 16 : i32
          %add3A_154 = vector.broadcast %add3A_153 : i32 to vector<16xi32>
          %add3A_155 = arith.addi %add3A_154, %iota3A : vector<16xi32>
          tpu.vector_store_idx %arg17[%broadcast_in_dim3A_95, %all_reduce_ffs3A, %add3A_155], %gather3A_152 : memref<8x16x128xf32, #tpu.memory_space<vmem>>[vector<16xi32>, vector<16xi32>, vector<16xi32>], vector<16xf32>,
          %add3A_156 = arith.constant 32 : i32
          %add3A_157 = vector.broadcast %add3A_156 : i32 to vector<16xi32>
          %add3A_158 = arith.addi %add3A_157, %iota3A : vector<16xi32>
          %gather3A_159 = tpu.vector_load_idx %arg16[%add3A_158, %gather3A_141] : memref<64x512xf32, #tpu.memory_space<vmem>>[vector<16xi32>, vector<16xi32>], vector<16xf32>,
          %add3A_160 = arith.constant 32 : i32
          %add3A_161 = vector.broadcast %add3A_160 : i32 to vector<16xi32>
          %add3A_162 = arith.addi %add3A_161, %iota3A : vector<16xi32>
          tpu.vector_store_idx %arg17[%broadcast_in_dim3A_95, %all_reduce_ffs3A, %add3A_162], %gather3A_159 : memref<8x16x128xf32, #tpu.memory_space<vmem>>[vector<16xi32>, vector<16xi32>, vector<16xi32>], vector<16xf32>,
          %add3A_163 = arith.constant 48 : i32
          %add3A_164 = vector.broadcast %add3A_163 : i32 to vector<16xi32>
          %add3A_165 = arith.addi %add3A_164, %iota3A : vector<16xi32>
          %gather3A_166 = tpu.vector_load_idx %arg16[%add3A_165, %gather3A_141] : memref<64x512xf32, #tpu.memory_space<vmem>>[vector<16xi32>, vector<16xi32>], vector<16xf32>,
          %add3A_167 = arith.constant 48 : i32
          %add3A_168 = vector.broadcast %add3A_167 : i32 to vector<16xi32>
          %add3A_169 = arith.addi %add3A_168, %iota3A : vector<16xi32>
          tpu.vector_store_idx %arg17[%broadcast_in_dim3A_95, %all_reduce_ffs3A, %add3A_169], %gather3A_166 : memref<8x16x128xf32, #tpu.memory_space<vmem>>[vector<16xi32>, vector<16xi32>, vector<16xi32>], vector<16xf32>,
          %ne3A_170 = arith.cmpi ne, %iota3A, %all_reduce_ffs3A : vector<16xi32>
          %and3A_171 = arith.andi %while3A_139, %ne3A_170 : vector<16xi1>
          scf.yield %and3A_171 : vector<16xi1>
        }
        %while3A_111 = arith.constant 1 : i32
        %while3A_112 = scf.for %while3A_138 = %while3A_108 to %while3A_104 step %while3A_111 iter_args(%while3A_139 = %while3A_110) -> (vector<16xi1>)  : i32 {
          %all_reduce_ffs3A = tpu.all_reduce %while3A_139 {dim = 0 : i64, kind = #tpu.reduction_kind<find_first_set>} : vector<16xi1> -> vector<16xi32>
          %broadcast_in_dim3A_140 = vector.shape_cast %all_reduce_ffs3A : vector<16xi32> to vector<16x1xi32>
          %gather3A = vector.shape_cast %broadcast_in_dim3A_140 : vector<16x1xi32> to vector<16xi32>
          %gather3A_141 = tpu.dynamic_gather %sub3A_101[%gather3A] in [0] : vector<16xi32>, vector<16xi32> -> vector<16xi32>
          %add3A_142 = arith.constant 0 : i32
          %add3A_143 = vector.broadcast %add3A_142 : i32 to vector<16xi32>
          %add3A_144 = arith.addi %add3A_143, %iota3A : vector<16xi32>
          %gather3A_145 = tpu.vector_load_idx %arg16[%add3A_144, %gather3A_141] : memref<64x512xf32, #tpu.memory_space<vmem>>[vector<16xi32>, vector<16xi32>], vector<16xf32>,
          %add3A_146 = arith.constant 0 : i32
          %add3A_147 = vector.broadcast %add3A_146 : i32 to vector<16xi32>
          %add3A_148 = arith.addi %add3A_147, %iota3A : vector<16xi32>
          tpu.vector_store_idx %arg17[%broadcast_in_dim3A_95, %all_reduce_ffs3A, %add3A_148], %gather3A_145 : memref<8x16x128xf32, #tpu.memory_space<vmem>>[vector<16xi32>, vector<16xi32>, vector<16xi32>], vector<16xf32>,
          %add3A_149 = arith.constant 16 : i32
          %add3A_150 = vector.broadcast %add3A_149 : i32 to vector<16xi32>
          %add3A_151 = arith.addi %add3A_150, %iota3A : vector<16xi32>
          %gather3A_152 = tpu.vector_load_idx %arg16[%add3A_151, %gather3A_141] : memref<64x512xf32, #tpu.memory_space<vmem>>[vector<16xi32>, vector<16xi32>], vector<16xf32>,
          %add3A_153 = arith.constant 16 : i32
          %add3A_154 = vector.broadcast %add3A_153 : i32 to vector<16xi32>
          %add3A_155 = arith.addi %add3A_154, %iota3A : vector<16xi32>
          tpu.vector_store_idx %arg17[%broadcast_in_dim3A_95, %all_reduce_ffs3A, %add3A_155], %gather3A_152 : memref<8x16x128xf32, #tpu.memory_space<vmem>>[vector<16xi32>, vector<16xi32>, vector<16xi32>], vector<16xf32>,
          %add3A_156 = arith.constant 32 : i32
          %add3A_157 = vector.broadcast %add3A_156 : i32 to vector<16xi32>
          %add3A_158 = arith.addi %add3A_157, %iota3A : vector<16xi32>
          %gather3A_159 = tpu.vector_load_idx %arg16[%add3A_158, %gather3A_141] : memref<64x512xf32, #tpu.memory_space<vmem>>[vector<16xi32>, vector<16xi32>], vector<16xf32>,
          %add3A_160 = arith.constant 32 : i32
          %add3A_161 = vector.broadcast %add3A_160 : i32 to vector<16xi32>
          %add3A_162 = arith.addi %add3A_161, %iota3A : vector<16xi32>
          tpu.vector_store_idx %arg17[%broadcast_in_dim3A_95, %all_reduce_ffs3A, %add3A_162], %gather3A_159 : memref<8x16x128xf32, #tpu.memory_space<vmem>>[vector<16xi32>, vector<16xi32>, vector<16xi32>], vector<16xf32>,
          %add3A_163 = arith.constant 48 : i32
          %add3A_164 = vector.broadcast %add3A_163 : i32 to vector<16xi32>
          %add3A_165 = arith.addi %add3A_164, %iota3A : vector<16xi32>
          %gather3A_166 = tpu.vector_load_idx %arg16[%add3A_165, %gather3A_141] : memref<64x512xf32, #tpu.memory_space<vmem>>[vector<16xi32>, vector<16xi32>], vector<16xf32>,
          %add3A_167 = arith.constant 48 : i32
          %add3A_168 = vector.broadcast %add3A_167 : i32 to vector<16xi32>
          %add3A_169 = arith.addi %add3A_168, %iota3A : vector<16xi32>
          tpu.vector_store_idx %arg17[%broadcast_in_dim3A_95, %all_reduce_ffs3A, %add3A_169], %gather3A_166 : memref<8x16x128xf32, #tpu.memory_space<vmem>>[vector<16xi32>, vector<16xi32>, vector<16xi32>], vector<16xf32>,
          %ne3A_170 = arith.cmpi ne, %iota3A, %all_reduce_ffs3A : vector<16xi32>
          %and3A_171 = arith.andi %while3A_139, %ne3A_170 : vector<16xi1>
          scf.yield %and3A_171 : vector<16xi1>
        }
        %convert_element_type3A_113 = arith.extui %gt3A_89 : i1 to i32
        %cond3A_114 = arith.constant 0 : i32
        %cond3A_115 = arith.cmpi ne, %convert_element_type3A_113, %cond3A_114 : i32
        scf.if %cond3A_115 {
          %dma_start3A = arith.constant 0 : i32
          %dma_start3A_138 = arith.constant 0 : i32
          %dma_start3A_139 = tpu.memref_slice %arg17[%while3A_72, %dma_start3A, %dma_start3A_138] : memref<8x16x128xf32, #tpu.memory_space<vmem>> -> memref<1x16x128xf32, #tpu.memory_space<vmem>>
          %dma_start3A_140 = tpu.memref_squeeze %dma_start3A_139 : memref<1x16x128xf32, #tpu.memory_space<vmem>> -> memref<16x128xf32, #tpu.memory_space<vmem>>
          %dma_start3A_141 = arith.constant 0 : i32
          %dma_start3A_142 = tpu.memref_slice %arg18[%while3A_72, %dma_start3A_141] : memref<8x16xi32, #tpu.memory_space<vmem>> -> memref<1x16xi32, #tpu.memory_space<vmem>>
          %dma_start3A_143 = tpu.memref_squeeze %dma_start3A_142 : memref<1x16xi32, #tpu.memory_space<vmem>> -> memref<16xi32, #tpu.memory_space<vmem>>
          %dma_start3A_144 = arith.constant 0 : i32
          %dma_start3A_145 = arith.constant 0 : i32
          %dma_start3A_146 = tpu.memref_slice %arg8[%dma_start3A_144, %dma_start3A_145] : memref<16400x128xf32, #tpu.memory_space<hbm>> -> memref<16400x128xf32, #tpu.memory_space<hbm>>
          tpu.enqueue_indirect_dma source(%dma_start3A_140 : memref<16x128xf32, #tpu.memory_space<vmem>>) target(%dma_start3A_146 : memref<16400x128xf32, #tpu.memory_space<hbm>>) offsets(%dma_start3A_143 : memref<16xi32, #tpu.memory_space<vmem>>) semaphore(%arg19 : memref<!tpu.dma_semaphore, #tpu.memory_space<semaphore_mem>>)
        } else {
        }
        %add3A_116 = arith.constant 1 : i32
        %add3A_117 = arith.addi %while3A_72, %add3A_116 : i32
        %jit3A_118 = arith.constant 8 : i32
        %eq3A_119 = arith.constant 0 : i32
        %eq3A_120 = arith.cmpi eq, %jit3A_118, %eq3A_119 : i32
        %jit3A_121 = arith.constant 1 : i32
        %select_n3A_122 = arith.select %eq3A_120, %jit3A_121, %jit3A_118 : i32
        %rem3A_123 = arith.remsi %add3A_117, %select_n3A_122 : i32
        %ne3A_124 = arith.constant 0 : i32
        %ne3A_125 = arith.cmpi ne, %rem3A_123, %ne3A_124 : i32
        %lt3A = arith.constant 0 : i32
        %lt3A_126 = arith.cmpi slt, %rem3A_123, %lt3A : i32
        %lt3A_127 = arith.constant 0 : i32
        %lt3A_128 = arith.cmpi slt, %select_n3A_122, %lt3A_127 : i32
        %ne3A_129 = arith.xori %lt3A_126, %lt3A_128 : i1
        %and3A_130 = arith.andi %ne3A_129, %ne3A_125 : i1
        %add3A_131 = arith.addi %rem3A_123, %select_n3A_122 : i32
        %select_n3A_132 = arith.select %and3A_130, %add3A_131, %rem3A_123 : i32
        %select_n3A_133 = arith.select %gt3A_89, %select_n3A_132, %while3A_72 : i32
        %add3A_134 = arith.constant 1 : i32
        %add3A_135 = arith.addi %while3A_73, %add3A_134 : i32
        %min3A = arith.constant 8 : i32
        %min3A_136 = arith.minsi %add3A_135, %min3A : i32
        %select_n3A_137 = arith.select %gt3A_89, %min3A_136, %while3A_73 : i32
        scf.yield %select_n3A_133, %select_n3A_137 : i32, i32
      }
      scf.yield %while3A_70#0, %while3A_70#1 : i32, i32
    } else {
      scf.yield %scan3A_19#0, %scan3A_19#1 : i32, i32
    }
    %scan3A_24 = arith.constant 0 : i32
    %scan3A_25 = arith.constant 7 : i32
    %scan3A_26 = arith.addi %scan3A_24, %scan3A_25 : i32
    %scan3A_27 = arith.constant 1 : i32
    %scan3A_28:2 = scf.for %scan3A_42 = %scan3A_24 to %scan3A_26 step %scan3A_27 iter_args(%scan3A_43 = %cond3A_23#0, %scan3A_44 = %cond3A_23#1) -> (i32, i32)  : i32 {
      %mul3A_45 = arith.constant 32 : i32
      %mul3A_46 = arith.muli %mul3A_45, %scan3A_42 : i32
      %add3A_47 = arith.addi %add3A, %mul3A_46 : i32
      %mul3A_48 = arith.constant 512 : i32
      %mul3A_49 = arith.muli %add3A_47, %mul3A_48 : i32
      %multiple_of3A = tpu.assume_multiple %mul3A_49, 512 : i32
      %lt3A = arith.constant 195 : i32
      %lt3A_50 = arith.cmpi slt, %add3A_47, %lt3A : i32
      %convert_element_type3A_51 = arith.extui %lt3A_50 : i1 to i32
      %cond3A_52 = arith.constant 0 : i32
      %cond3A_53 = arith.cmpi ne, %convert_element_type3A_51, %cond3A_52 : i32
      %cond3A_54:2 = scf.if %cond3A_53 -> (i32, i32) {
        "tpu.region"() ({
          %run_scoped3A = tpu.sem_alloc : memref<!tpu.dma_semaphore, #tpu.memory_space<semaphore_mem>>
          %dma_start3A = arith.constant 0 : i32
          %dma_start3A_83 = arith.constant 0 : i32
          %dma_start3A_84 = tpu.memref_slice %arg16[%dma_start3A, %dma_start3A_83] : memref<64x512xf32, #tpu.memory_space<vmem>> -> memref<64x512xf32, #tpu.memory_space<vmem>>
          %dma_start3A_85 = arith.constant 0 : i32
          %dma_start3A_86 = tpu.memref_slice %arg5[%dma_start3A_85, %multiple_of3A] : memref<64x100000xf32, #tpu.memory_space<hbm>> -> memref<64x512xf32, #tpu.memory_space<hbm>>
          %dma_start3A_87 = arith.constant 0 : i32
          %dma_start3A_88 = arith.constant 0 : i32
          %dma_start3A_89 = tpu.memref_slice %arg16[%dma_start3A_87, %dma_start3A_88] : memref<64x512xf32, #tpu.memory_space<vmem>> -> memref<64x512xf32, #tpu.memory_space<vmem>>
          %dma_start3A_90 = arith.constant 0 : i32
          %dma_start3A_91 = tpu.memref_slice %arg5[%dma_start3A_90, %multiple_of3A] : memref<64x100000xf32, #tpu.memory_space<hbm>> -> memref<64x512xf32, #tpu.memory_space<hbm>>
          tpu.enqueue_dma source(%dma_start3A_91 : memref<64x512xf32, #tpu.memory_space<hbm>>) target(%dma_start3A_89 : memref<64x512xf32, #tpu.memory_space<vmem>>) target_semaphore(%run_scoped3A : memref<!tpu.dma_semaphore, #tpu.memory_space<semaphore_mem>>)
          %dma_wait3A = arith.constant 0 : i32
          %dma_wait3A_92 = arith.constant 0 : i32
          %dma_wait3A_93 = tpu.memref_slice %arg16[%dma_wait3A, %dma_wait3A_92] : memref<64x512xf32, #tpu.memory_space<vmem>> -> memref<64x512xf32, #tpu.memory_space<vmem>>
          %dma_wait3A_94 = arith.constant 0 : i32
          %dma_wait3A_95 = tpu.memref_slice %arg5[%dma_wait3A_94, %multiple_of3A] : memref<64x100000xf32, #tpu.memory_space<hbm>> -> memref<64x512xf32, #tpu.memory_space<hbm>>
          %dma_wait3A_96 = arith.constant 0 : i32
          %dma_wait3A_97 = arith.constant 0 : i32
          %dma_wait3A_98 = tpu.memref_slice %arg16[%dma_wait3A_96, %dma_wait3A_97] : memref<64x512xf32, #tpu.memory_space<vmem>> -> memref<64x512xf32, #tpu.memory_space<vmem>>
          %dma_wait3A_99 = arith.constant 0 : i32
          %dma_wait3A_100 = tpu.memref_slice %arg5[%dma_wait3A_99, %multiple_of3A] : memref<64x100000xf32, #tpu.memory_space<hbm>> -> memref<64x512xf32, #tpu.memory_space<hbm>>
          tpu.wait_dma2 semaphore(%run_scoped3A : memref<!tpu.dma_semaphore, #tpu.memory_space<semaphore_mem>>) src(%dma_wait3A_100 : memref<64x512xf32, #tpu.memory_space<hbm>>) dst(%dma_wait3A_98 : memref<64x512xf32, #tpu.memory_space<vmem>>)
          tpu.yield
        }) : () -> ()
        %add3A_55 = arith.constant 15 : i32
        %add3A_56 = arith.addi %scan3A_7#1, %add3A_55 : i32
        %jit3A = arith.constant 16 : i32
        %div3A = arith.divsi %add3A_56, %jit3A : i32
        %sign3A = arith.constant 0 : i32
        %sign3A_57 = arith.cmpi sgt, %add3A_56, %sign3A : i32
        %sign3A_58 = arith.extui %sign3A_57 : i1 to i32
        %sign3A_59 = arith.constant 0 : i32
        %sign3A_60 = arith.cmpi slt, %add3A_56, %sign3A_59 : i32
        %sign3A_61 = arith.extui %sign3A_60 : i1 to i32
        %sign3A_62 = arith.subi %sign3A_58, %sign3A_61 : i32
        %sign3A_63 = arith.constant 0 : i32
        %sign3A_64 = arith.cmpi sgt, %jit3A, %sign3A_63 : i32
        %sign3A_65 = arith.extui %sign3A_64 : i1 to i32
        %sign3A_66 = arith.constant 0 : i32
        %sign3A_67 = arith.cmpi slt, %jit3A, %sign3A_66 : i32
        %sign3A_68 = arith.extui %sign3A_67 : i1 to i32
        %sign3A_69 = arith.subi %sign3A_65, %sign3A_68 : i32
        %ne3A = arith.cmpi ne, %sign3A_62, %sign3A_69 : i32
        %rem3A = arith.remsi %add3A_56, %jit3A : i32
        %ne3A_70 = arith.constant 0 : i32
        %ne3A_71 = arith.cmpi ne, %rem3A, %ne3A_70 : i32
        %and3A = arith.andi %ne3A, %ne3A_71 : i1
        %sub3A = arith.constant 1 : i32
        %sub3A_72 = arith.subi %div3A, %sub3A : i32
        %select_n3A = arith.select %and3A, %sub3A_72, %div3A : i32
        %while3A = arith.constant 0 : i32
        %while3A_73 = arith.subi %select_n3A, %while3A : i32
        %while3A_74 = arith.addi %while3A, %while3A_73 : i32
        %while3A_75 = arith.constant 1 : i32
        %while3A_76 = arith.divsi %while3A_73, %while3A_75 : i32
        %while3A_77 = arith.muli %while3A_76, %while3A_75 : i32
        %while3A_78 = arith.addi %while3A, %while3A_77 : i32
        %while3A_79 = arith.constant 1 : i32
        %while3A_80:2 = scf.for %while3A_83 = %while3A to %while3A_78 step %while3A_79 iter_args(%while3A_84 = %scan3A_43, %while3A_85 = %scan3A_44) -> (i32, i32)  : i32 {
          %mul3A_86 = arith.constant 16 : i32
          %mul3A_87 = arith.muli %while3A_83, %mul3A_86 : i32
          %get3A = arith.index_cast %mul3A_87 : i32 to index
          %get3A_88 = tpu.vector_load %arg14[%get3A] {strides = array<i32>} : memref<16400xi32, #tpu.memory_space<vmem>>, vector<16xi32>,
          %shift_right_arithmetic3A = arith.constant 9 : i32
          %shift_right_arithmetic3A_89 = vector.broadcast %shift_right_arithmetic3A : i32 to vector<16xi32>
          %shift_right_arithmetic3A_90 = arith.shrsi %get3A_88, %shift_right_arithmetic3A_89 : vector<16xi32>
          %eq3A_91 = vector.broadcast %add3A_47 : i32 to vector<16xi32>
          %eq3A_92 = arith.cmpi eq, %shift_right_arithmetic3A_90, %eq3A_91 : vector<16xi32>
          %jit3A_93 = arith.constant 1 : i32
          %jit3A_94 = arith.constant 0 : i32
          %broadcast_in_dim3A_95 = vector.broadcast %jit3A_93 : i32 to vector<16xi32>
          %broadcast_in_dim3A_96 = vector.broadcast %jit3A_94 : i32 to vector<16xi32>
          %select_n3A_97 = arith.select %eq3A_92, %broadcast_in_dim3A_95, %broadcast_in_dim3A_96 : vector<16xi1>, vector<16xi32>
          %reduce_sum3A = arith.constant true
          %reduce_sum3A_98 = vector.broadcast %reduce_sum3A : i1 to vector<16xi1>
          %reduce_sum3A_99 = tpu.scan <sum>, %select_n3A_97 masked %reduce_sum3A_98 : vector<16xi32>, vector<16xi1> -> vector<16xi32>
          %reduce_sum3A_100 = vector.extract %reduce_sum3A_99[15] : i32 from vector<16xi32>
          %gt3A = arith.constant 0 : i32
          %gt3A_101 = arith.cmpi sgt, %reduce_sum3A_100, %gt3A : i32
          %ge3A = arith.constant 8 : i32
          %ge3A_102 = arith.cmpi sge, %while3A_85, %ge3A : i32
          %and3A_103 = arith.andi %gt3A_101, %ge3A_102 : i1
          %convert_element_type3A_104 = arith.extui %and3A_103 : i1 to i32
          %cond3A_105 = arith.constant 0 : i32
          %cond3A_106 = arith.cmpi ne, %convert_element_type3A_104, %cond3A_105 : i32
          scf.if %cond3A_106 {
            %dma_wait3A = arith.constant 0 : i32
            %dma_wait3A_150 = arith.constant 0 : i32
            %dma_wait3A_151 = arith.constant 0 : i32
            %dma_wait3A_152 = tpu.memref_slice %arg17[%dma_wait3A, %dma_wait3A_150, %dma_wait3A_151] : memref<8x16x128xf32, #tpu.memory_space<vmem>> -> memref<1x16x128xf32, #tpu.memory_space<vmem>>
            %dma_wait3A_153 = tpu.memref_squeeze %dma_wait3A_152 : memref<1x16x128xf32, #tpu.memory_space<vmem>> -> memref<16x128xf32, #tpu.memory_space<vmem>>
            %dma_wait3A_154 = arith.constant 0 : i32
            %dma_wait3A_155 = arith.constant 0 : i32
            %dma_wait3A_156 = tpu.memref_slice %arg9[%dma_wait3A_154, %dma_wait3A_155] : memref<16400x128xf32, #tpu.memory_space<hbm>> -> memref<16x128xf32, #tpu.memory_space<hbm>>
            %dma_wait3A_157 = arith.constant 0 : i32
            %dma_wait3A_158 = arith.constant 0 : i32
            %dma_wait3A_159 = tpu.memref_slice %arg17[%dma_wait3A, %dma_wait3A_157, %dma_wait3A_158] : memref<8x16x128xf32, #tpu.memory_space<vmem>> -> memref<1x16x128xf32, #tpu.memory_space<vmem>>
            %dma_wait3A_160 = tpu.memref_squeeze %dma_wait3A_159 : memref<1x16x128xf32, #tpu.memory_space<vmem>> -> memref<16x128xf32, #tpu.memory_space<vmem>>
            %dma_wait3A_161 = arith.constant 0 : i32
            %dma_wait3A_162 = arith.constant 0 : i32
            %dma_wait3A_163 = tpu.memref_slice %arg9[%dma_wait3A_161, %dma_wait3A_162] : memref<16400x128xf32, #tpu.memory_space<hbm>> -> memref<16x128xf32, #tpu.memory_space<hbm>>
            tpu.wait_dma2 semaphore(%arg19 : memref<!tpu.dma_semaphore, #tpu.memory_space<semaphore_mem>>) src(%dma_wait3A_163 : memref<16x128xf32, #tpu.memory_space<hbm>>) dst(%dma_wait3A_160 : memref<16x128xf32, #tpu.memory_space<vmem>>)
          } else {
          }
          %broadcast_in_dim3A_107 = vector.broadcast %while3A_84 : i32 to vector<16xi32>
          %convert_element_type3A_108 = arith.extui %gt3A_101 : i1 to i32
          %cond3A_109 = arith.constant 0 : i32
          %cond3A_110 = arith.cmpi ne, %convert_element_type3A_108, %cond3A_109 : i32
          scf.if %cond3A_110 {
            %mul3A_150 = arith.constant 16 : i32
            %mul3A_151 = arith.muli %while3A_83, %mul3A_150 : i32
            %get3A_152 = arith.index_cast %mul3A_151 : i32 to index
            %get3A_153 = tpu.vector_load %arg15[%get3A_152] {strides = array<i32>} : memref<16400xi32, #tpu.memory_space<vmem>>, vector<16xi32>,
            %add3A_154 = arith.constant 16384 : i32
            %add3A_155 = vector.broadcast %add3A_154 : i32 to vector<16xi32>
            %add3A_156 = arith.addi %add3A_155, %iota3A : vector<16xi32>
            %select_n3A_157 = arith.select %eq3A_92, %get3A_153, %add3A_156 : vector<16xi1>, vector<16xi32>
            tpu.vector_store_idx %arg18[%broadcast_in_dim3A_107, %iota3A], %select_n3A_157 : memref<8x16xi32, #tpu.memory_space<vmem>>[vector<16xi32>, vector<16xi32>], vector<16xi32>,
          } else {
          }
          %sub3A_111 = vector.broadcast %multiple_of3A : i32 to vector<16xi32>
          %sub3A_112 = arith.subi %get3A_88, %sub3A_111 : vector<16xi32>
          %while3A_113 = arith.constant 0 : i32
          %while3A_114 = arith.subi %reduce_sum3A_100, %while3A_113 : i32
          %while3A_115 = arith.addi %while3A_113, %while3A_114 : i32
          %while3A_116 = arith.constant 1 : i32
          %while3A_117 = arith.divsi %while3A_114, %while3A_116 : i32
          %while3A_118 = arith.muli %while3A_117, %while3A_116 : i32
          %while3A_119 = arith.addi %while3A_113, %while3A_118 : i32
          %while3A_120 = arith.constant 1 : i32
          %while3A_121 = scf.for %while3A_150 = %while3A_113 to %while3A_119 step %while3A_120 iter_args(%while3A_151 = %eq3A_92) -> (vector<16xi1>)  : i32 {
            %all_reduce_ffs3A = tpu.all_reduce %while3A_151 {dim = 0 : i64, kind = #tpu.reduction_kind<find_first_set>} : vector<16xi1> -> vector<16xi32>
            %broadcast_in_dim3A_152 = vector.shape_cast %all_reduce_ffs3A : vector<16xi32> to vector<16x1xi32>
            %gather3A = vector.shape_cast %broadcast_in_dim3A_152 : vector<16x1xi32> to vector<16xi32>
            %gather3A_153 = tpu.dynamic_gather %sub3A_112[%gather3A] in [0] : vector<16xi32>, vector<16xi32> -> vector<16xi32>
            %add3A_154 = arith.constant 0 : i32
            %add3A_155 = vector.broadcast %add3A_154 : i32 to vector<16xi32>
            %add3A_156 = arith.addi %add3A_155, %iota3A : vector<16xi32>
            %gather3A_157 = tpu.vector_load_idx %arg16[%add3A_156, %gather3A_153] : memref<64x512xf32, #tpu.memory_space<vmem>>[vector<16xi32>, vector<16xi32>], vector<16xf32>,
            %add3A_158 = arith.constant 0 : i32
            %add3A_159 = vector.broadcast %add3A_158 : i32 to vector<16xi32>
            %add3A_160 = arith.addi %add3A_159, %iota3A : vector<16xi32>
            tpu.vector_store_idx %arg17[%broadcast_in_dim3A_107, %all_reduce_ffs3A, %add3A_160], %gather3A_157 : memref<8x16x128xf32, #tpu.memory_space<vmem>>[vector<16xi32>, vector<16xi32>, vector<16xi32>], vector<16xf32>,
            %add3A_161 = arith.constant 16 : i32
            %add3A_162 = vector.broadcast %add3A_161 : i32 to vector<16xi32>
            %add3A_163 = arith.addi %add3A_162, %iota3A : vector<16xi32>
            %gather3A_164 = tpu.vector_load_idx %arg16[%add3A_163, %gather3A_153] : memref<64x512xf32, #tpu.memory_space<vmem>>[vector<16xi32>, vector<16xi32>], vector<16xf32>,
            %add3A_165 = arith.constant 16 : i32
            %add3A_166 = vector.broadcast %add3A_165 : i32 to vector<16xi32>
            %add3A_167 = arith.addi %add3A_166, %iota3A : vector<16xi32>
            tpu.vector_store_idx %arg17[%broadcast_in_dim3A_107, %all_reduce_ffs3A, %add3A_167], %gather3A_164 : memref<8x16x128xf32, #tpu.memory_space<vmem>>[vector<16xi32>, vector<16xi32>, vector<16xi32>], vector<16xf32>,
            %add3A_168 = arith.constant 32 : i32
            %add3A_169 = vector.broadcast %add3A_168 : i32 to vector<16xi32>
            %add3A_170 = arith.addi %add3A_169, %iota3A : vector<16xi32>
            %gather3A_171 = tpu.vector_load_idx %arg16[%add3A_170, %gather3A_153] : memref<64x512xf32, #tpu.memory_space<vmem>>[vector<16xi32>, vector<16xi32>], vector<16xf32>,
            %add3A_172 = arith.constant 32 : i32
            %add3A_173 = vector.broadcast %add3A_172 : i32 to vector<16xi32>
            %add3A_174 = arith.addi %add3A_173, %iota3A : vector<16xi32>
            tpu.vector_store_idx %arg17[%broadcast_in_dim3A_107, %all_reduce_ffs3A, %add3A_174], %gather3A_171 : memref<8x16x128xf32, #tpu.memory_space<vmem>>[vector<16xi32>, vector<16xi32>, vector<16xi32>], vector<16xf32>,
            %add3A_175 = arith.constant 48 : i32
            %add3A_176 = vector.broadcast %add3A_175 : i32 to vector<16xi32>
            %add3A_177 = arith.addi %add3A_176, %iota3A : vector<16xi32>
            %gather3A_178 = tpu.vector_load_idx %arg16[%add3A_177, %gather3A_153] : memref<64x512xf32, #tpu.memory_space<vmem>>[vector<16xi32>, vector<16xi32>], vector<16xf32>,
            %add3A_179 = arith.constant 48 : i32
            %add3A_180 = vector.broadcast %add3A_179 : i32 to vector<16xi32>
            %add3A_181 = arith.addi %add3A_180, %iota3A : vector<16xi32>
            tpu.vector_store_idx %arg17[%broadcast_in_dim3A_107, %all_reduce_ffs3A, %add3A_181], %gather3A_178 : memref<8x16x128xf32, #tpu.memory_space<vmem>>[vector<16xi32>, vector<16xi32>, vector<16xi32>], vector<16xf32>,
            %ne3A_182 = arith.cmpi ne, %iota3A, %all_reduce_ffs3A : vector<16xi32>
            %and3A_183 = arith.andi %while3A_151, %ne3A_182 : vector<16xi1>
            scf.yield %and3A_183 : vector<16xi1>
          }
          %while3A_122 = arith.constant 1 : i32
          %while3A_123 = scf.for %while3A_150 = %while3A_119 to %while3A_115 step %while3A_122 iter_args(%while3A_151 = %while3A_121) -> (vector<16xi1>)  : i32 {
            %all_reduce_ffs3A = tpu.all_reduce %while3A_151 {dim = 0 : i64, kind = #tpu.reduction_kind<find_first_set>} : vector<16xi1> -> vector<16xi32>
            %broadcast_in_dim3A_152 = vector.shape_cast %all_reduce_ffs3A : vector<16xi32> to vector<16x1xi32>
            %gather3A = vector.shape_cast %broadcast_in_dim3A_152 : vector<16x1xi32> to vector<16xi32>
            %gather3A_153 = tpu.dynamic_gather %sub3A_112[%gather3A] in [0] : vector<16xi32>, vector<16xi32> -> vector<16xi32>
            %add3A_154 = arith.constant 0 : i32
            %add3A_155 = vector.broadcast %add3A_154 : i32 to vector<16xi32>
            %add3A_156 = arith.addi %add3A_155, %iota3A : vector<16xi32>
            %gather3A_157 = tpu.vector_load_idx %arg16[%add3A_156, %gather3A_153] : memref<64x512xf32, #tpu.memory_space<vmem>>[vector<16xi32>, vector<16xi32>], vector<16xf32>,
            %add3A_158 = arith.constant 0 : i32
            %add3A_159 = vector.broadcast %add3A_158 : i32 to vector<16xi32>
            %add3A_160 = arith.addi %add3A_159, %iota3A : vector<16xi32>
            tpu.vector_store_idx %arg17[%broadcast_in_dim3A_107, %all_reduce_ffs3A, %add3A_160], %gather3A_157 : memref<8x16x128xf32, #tpu.memory_space<vmem>>[vector<16xi32>, vector<16xi32>, vector<16xi32>], vector<16xf32>,
            %add3A_161 = arith.constant 16 : i32
            %add3A_162 = vector.broadcast %add3A_161 : i32 to vector<16xi32>
            %add3A_163 = arith.addi %add3A_162, %iota3A : vector<16xi32>
            %gather3A_164 = tpu.vector_load_idx %arg16[%add3A_163, %gather3A_153] : memref<64x512xf32, #tpu.memory_space<vmem>>[vector<16xi32>, vector<16xi32>], vector<16xf32>,
            %add3A_165 = arith.constant 16 : i32
            %add3A_166 = vector.broadcast %add3A_165 : i32 to vector<16xi32>
            %add3A_167 = arith.addi %add3A_166, %iota3A : vector<16xi32>
            tpu.vector_store_idx %arg17[%broadcast_in_dim3A_107, %all_reduce_ffs3A, %add3A_167], %gather3A_164 : memref<8x16x128xf32, #tpu.memory_space<vmem>>[vector<16xi32>, vector<16xi32>, vector<16xi32>], vector<16xf32>,
            %add3A_168 = arith.constant 32 : i32
            %add3A_169 = vector.broadcast %add3A_168 : i32 to vector<16xi32>
            %add3A_170 = arith.addi %add3A_169, %iota3A : vector<16xi32>
            %gather3A_171 = tpu.vector_load_idx %arg16[%add3A_170, %gather3A_153] : memref<64x512xf32, #tpu.memory_space<vmem>>[vector<16xi32>, vector<16xi32>], vector<16xf32>,
            %add3A_172 = arith.constant 32 : i32
            %add3A_173 = vector.broadcast %add3A_172 : i32 to vector<16xi32>
            %add3A_174 = arith.addi %add3A_173, %iota3A : vector<16xi32>
            tpu.vector_store_idx %arg17[%broadcast_in_dim3A_107, %all_reduce_ffs3A, %add3A_174], %gather3A_171 : memref<8x16x128xf32, #tpu.memory_space<vmem>>[vector<16xi32>, vector<16xi32>, vector<16xi32>], vector<16xf32>,
            %add3A_175 = arith.constant 48 : i32
            %add3A_176 = vector.broadcast %add3A_175 : i32 to vector<16xi32>
            %add3A_177 = arith.addi %add3A_176, %iota3A : vector<16xi32>
            %gather3A_178 = tpu.vector_load_idx %arg16[%add3A_177, %gather3A_153] : memref<64x512xf32, #tpu.memory_space<vmem>>[vector<16xi32>, vector<16xi32>], vector<16xf32>,
            %add3A_179 = arith.constant 48 : i32
            %add3A_180 = vector.broadcast %add3A_179 : i32 to vector<16xi32>
            %add3A_181 = arith.addi %add3A_180, %iota3A : vector<16xi32>
            tpu.vector_store_idx %arg17[%broadcast_in_dim3A_107, %all_reduce_ffs3A, %add3A_181], %gather3A_178 : memref<8x16x128xf32, #tpu.memory_space<vmem>>[vector<16xi32>, vector<16xi32>, vector<16xi32>], vector<16xf32>,
            %ne3A_182 = arith.cmpi ne, %iota3A, %all_reduce_ffs3A : vector<16xi32>
            %and3A_183 = arith.andi %while3A_151, %ne3A_182 : vector<16xi1>
            scf.yield %and3A_183 : vector<16xi1>
          }
          %convert_element_type3A_124 = arith.extui %gt3A_101 : i1 to i32
          %cond3A_125 = arith.constant 0 : i32
          %cond3A_126 = arith.cmpi ne, %convert_element_type3A_124, %cond3A_125 : i32
          scf.if %cond3A_126 {
            %dma_start3A = arith.constant 0 : i32
            %dma_start3A_150 = arith.constant 0 : i32
            %dma_start3A_151 = tpu.memref_slice %arg17[%while3A_84, %dma_start3A, %dma_start3A_150] : memref<8x16x128xf32, #tpu.memory_space<vmem>> -> memref<1x16x128xf32, #tpu.memory_space<vmem>>
            %dma_start3A_152 = tpu.memref_squeeze %dma_start3A_151 : memref<1x16x128xf32, #tpu.memory_space<vmem>> -> memref<16x128xf32, #tpu.memory_space<vmem>>
            %dma_start3A_153 = arith.constant 0 : i32
            %dma_start3A_154 = tpu.memref_slice %arg18[%while3A_84, %dma_start3A_153] : memref<8x16xi32, #tpu.memory_space<vmem>> -> memref<1x16xi32, #tpu.memory_space<vmem>>
            %dma_start3A_155 = tpu.memref_squeeze %dma_start3A_154 : memref<1x16xi32, #tpu.memory_space<vmem>> -> memref<16xi32, #tpu.memory_space<vmem>>
            %dma_start3A_156 = arith.constant 0 : i32
            %dma_start3A_157 = arith.constant 0 : i32
            %dma_start3A_158 = tpu.memref_slice %arg9[%dma_start3A_156, %dma_start3A_157] : memref<16400x128xf32, #tpu.memory_space<hbm>> -> memref<16400x128xf32, #tpu.memory_space<hbm>>
            tpu.enqueue_indirect_dma source(%dma_start3A_152 : memref<16x128xf32, #tpu.memory_space<vmem>>) target(%dma_start3A_158 : memref<16400x128xf32, #tpu.memory_space<hbm>>) offsets(%dma_start3A_155 : memref<16xi32, #tpu.memory_space<vmem>>) semaphore(%arg19 : memref<!tpu.dma_semaphore, #tpu.memory_space<semaphore_mem>>)
          } else {
          }
          %add3A_127 = arith.constant 1 : i32
          %add3A_128 = arith.addi %while3A_84, %add3A_127 : i32
          %jit3A_129 = arith.constant 8 : i32
          %eq3A_130 = arith.constant 0 : i32
          %eq3A_131 = arith.cmpi eq, %jit3A_129, %eq3A_130 : i32
          %jit3A_132 = arith.constant 1 : i32
          %select_n3A_133 = arith.select %eq3A_131, %jit3A_132, %jit3A_129 : i32
          %rem3A_134 = arith.remsi %add3A_128, %select_n3A_133 : i32
          %ne3A_135 = arith.constant 0 : i32
          %ne3A_136 = arith.cmpi ne, %rem3A_134, %ne3A_135 : i32
          %lt3A_137 = arith.constant 0 : i32
          %lt3A_138 = arith.cmpi slt, %rem3A_134, %lt3A_137 : i32
          %lt3A_139 = arith.constant 0 : i32
          %lt3A_140 = arith.cmpi slt, %select_n3A_133, %lt3A_139 : i32
          %ne3A_141 = arith.xori %lt3A_138, %lt3A_140 : i1
          %and3A_142 = arith.andi %ne3A_141, %ne3A_136 : i1
          %add3A_143 = arith.addi %rem3A_134, %select_n3A_133 : i32
          %select_n3A_144 = arith.select %and3A_142, %add3A_143, %rem3A_134 : i32
          %select_n3A_145 = arith.select %gt3A_101, %select_n3A_144, %while3A_84 : i32
          %add3A_146 = arith.constant 1 : i32
          %add3A_147 = arith.addi %while3A_85, %add3A_146 : i32
          %min3A = arith.constant 8 : i32
          %min3A_148 = arith.minsi %add3A_147, %min3A : i32
          %select_n3A_149 = arith.select %gt3A_101, %min3A_148, %while3A_85 : i32
          scf.yield %select_n3A_145, %select_n3A_149 : i32, i32
        }
        %while3A_81 = arith.constant 1 : i32
        %while3A_82:2 = scf.for %while3A_83 = %while3A_78 to %while3A_74 step %while3A_81 iter_args(%while3A_84 = %while3A_80#0, %while3A_85 = %while3A_80#1) -> (i32, i32)  : i32 {
          %mul3A_86 = arith.constant 16 : i32
          %mul3A_87 = arith.muli %while3A_83, %mul3A_86 : i32
          %get3A = arith.index_cast %mul3A_87 : i32 to index
          %get3A_88 = tpu.vector_load %arg14[%get3A] {strides = array<i32>} : memref<16400xi32, #tpu.memory_space<vmem>>, vector<16xi32>,
          %shift_right_arithmetic3A = arith.constant 9 : i32
          %shift_right_arithmetic3A_89 = vector.broadcast %shift_right_arithmetic3A : i32 to vector<16xi32>
          %shift_right_arithmetic3A_90 = arith.shrsi %get3A_88, %shift_right_arithmetic3A_89 : vector<16xi32>
          %eq3A_91 = vector.broadcast %add3A_47 : i32 to vector<16xi32>
          %eq3A_92 = arith.cmpi eq, %shift_right_arithmetic3A_90, %eq3A_91 : vector<16xi32>
          %jit3A_93 = arith.constant 1 : i32
          %jit3A_94 = arith.constant 0 : i32
          %broadcast_in_dim3A_95 = vector.broadcast %jit3A_93 : i32 to vector<16xi32>
          %broadcast_in_dim3A_96 = vector.broadcast %jit3A_94 : i32 to vector<16xi32>
          %select_n3A_97 = arith.select %eq3A_92, %broadcast_in_dim3A_95, %broadcast_in_dim3A_96 : vector<16xi1>, vector<16xi32>
          %reduce_sum3A = arith.constant true
          %reduce_sum3A_98 = vector.broadcast %reduce_sum3A : i1 to vector<16xi1>
          %reduce_sum3A_99 = tpu.scan <sum>, %select_n3A_97 masked %reduce_sum3A_98 : vector<16xi32>, vector<16xi1> -> vector<16xi32>
          %reduce_sum3A_100 = vector.extract %reduce_sum3A_99[15] : i32 from vector<16xi32>
          %gt3A = arith.constant 0 : i32
          %gt3A_101 = arith.cmpi sgt, %reduce_sum3A_100, %gt3A : i32
          %ge3A = arith.constant 8 : i32
          %ge3A_102 = arith.cmpi sge, %while3A_85, %ge3A : i32
          %and3A_103 = arith.andi %gt3A_101, %ge3A_102 : i1
          %convert_element_type3A_104 = arith.extui %and3A_103 : i1 to i32
          %cond3A_105 = arith.constant 0 : i32
          %cond3A_106 = arith.cmpi ne, %convert_element_type3A_104, %cond3A_105 : i32
          scf.if %cond3A_106 {
            %dma_wait3A = arith.constant 0 : i32
            %dma_wait3A_150 = arith.constant 0 : i32
            %dma_wait3A_151 = arith.constant 0 : i32
            %dma_wait3A_152 = tpu.memref_slice %arg17[%dma_wait3A, %dma_wait3A_150, %dma_wait3A_151] : memref<8x16x128xf32, #tpu.memory_space<vmem>> -> memref<1x16x128xf32, #tpu.memory_space<vmem>>
            %dma_wait3A_153 = tpu.memref_squeeze %dma_wait3A_152 : memref<1x16x128xf32, #tpu.memory_space<vmem>> -> memref<16x128xf32, #tpu.memory_space<vmem>>
            %dma_wait3A_154 = arith.constant 0 : i32
            %dma_wait3A_155 = arith.constant 0 : i32
            %dma_wait3A_156 = tpu.memref_slice %arg9[%dma_wait3A_154, %dma_wait3A_155] : memref<16400x128xf32, #tpu.memory_space<hbm>> -> memref<16x128xf32, #tpu.memory_space<hbm>>
            %dma_wait3A_157 = arith.constant 0 : i32
            %dma_wait3A_158 = arith.constant 0 : i32
            %dma_wait3A_159 = tpu.memref_slice %arg17[%dma_wait3A, %dma_wait3A_157, %dma_wait3A_158] : memref<8x16x128xf32, #tpu.memory_space<vmem>> -> memref<1x16x128xf32, #tpu.memory_space<vmem>>
            %dma_wait3A_160 = tpu.memref_squeeze %dma_wait3A_159 : memref<1x16x128xf32, #tpu.memory_space<vmem>> -> memref<16x128xf32, #tpu.memory_space<vmem>>
            %dma_wait3A_161 = arith.constant 0 : i32
            %dma_wait3A_162 = arith.constant 0 : i32
            %dma_wait3A_163 = tpu.memref_slice %arg9[%dma_wait3A_161, %dma_wait3A_162] : memref<16400x128xf32, #tpu.memory_space<hbm>> -> memref<16x128xf32, #tpu.memory_space<hbm>>
            tpu.wait_dma2 semaphore(%arg19 : memref<!tpu.dma_semaphore, #tpu.memory_space<semaphore_mem>>) src(%dma_wait3A_163 : memref<16x128xf32, #tpu.memory_space<hbm>>) dst(%dma_wait3A_160 : memref<16x128xf32, #tpu.memory_space<vmem>>)
          } else {
          }
          %broadcast_in_dim3A_107 = vector.broadcast %while3A_84 : i32 to vector<16xi32>
          %convert_element_type3A_108 = arith.extui %gt3A_101 : i1 to i32
          %cond3A_109 = arith.constant 0 : i32
          %cond3A_110 = arith.cmpi ne, %convert_element_type3A_108, %cond3A_109 : i32
          scf.if %cond3A_110 {
            %mul3A_150 = arith.constant 16 : i32
            %mul3A_151 = arith.muli %while3A_83, %mul3A_150 : i32
            %get3A_152 = arith.index_cast %mul3A_151 : i32 to index
            %get3A_153 = tpu.vector_load %arg15[%get3A_152] {strides = array<i32>} : memref<16400xi32, #tpu.memory_space<vmem>>, vector<16xi32>,
            %add3A_154 = arith.constant 16384 : i32
            %add3A_155 = vector.broadcast %add3A_154 : i32 to vector<16xi32>
            %add3A_156 = arith.addi %add3A_155, %iota3A : vector<16xi32>
            %select_n3A_157 = arith.select %eq3A_92, %get3A_153, %add3A_156 : vector<16xi1>, vector<16xi32>
            tpu.vector_store_idx %arg18[%broadcast_in_dim3A_107, %iota3A], %select_n3A_157 : memref<8x16xi32, #tpu.memory_space<vmem>>[vector<16xi32>, vector<16xi32>], vector<16xi32>,
          } else {
          }
          %sub3A_111 = vector.broadcast %multiple_of3A : i32 to vector<16xi32>
          %sub3A_112 = arith.subi %get3A_88, %sub3A_111 : vector<16xi32>
          %while3A_113 = arith.constant 0 : i32
          %while3A_114 = arith.subi %reduce_sum3A_100, %while3A_113 : i32
          %while3A_115 = arith.addi %while3A_113, %while3A_114 : i32
          %while3A_116 = arith.constant 1 : i32
          %while3A_117 = arith.divsi %while3A_114, %while3A_116 : i32
          %while3A_118 = arith.muli %while3A_117, %while3A_116 : i32
          %while3A_119 = arith.addi %while3A_113, %while3A_118 : i32
          %while3A_120 = arith.constant 1 : i32
          %while3A_121 = scf.for %while3A_150 = %while3A_113 to %while3A_119 step %while3A_120 iter_args(%while3A_151 = %eq3A_92) -> (vector<16xi1>)  : i32 {
            %all_reduce_ffs3A = tpu.all_reduce %while3A_151 {dim = 0 : i64, kind = #tpu.reduction_kind<find_first_set>} : vector<16xi1> -> vector<16xi32>
            %broadcast_in_dim3A_152 = vector.shape_cast %all_reduce_ffs3A : vector<16xi32> to vector<16x1xi32>
            %gather3A = vector.shape_cast %broadcast_in_dim3A_152 : vector<16x1xi32> to vector<16xi32>
            %gather3A_153 = tpu.dynamic_gather %sub3A_112[%gather3A] in [0] : vector<16xi32>, vector<16xi32> -> vector<16xi32>
            %add3A_154 = arith.constant 0 : i32
            %add3A_155 = vector.broadcast %add3A_154 : i32 to vector<16xi32>
            %add3A_156 = arith.addi %add3A_155, %iota3A : vector<16xi32>
            %gather3A_157 = tpu.vector_load_idx %arg16[%add3A_156, %gather3A_153] : memref<64x512xf32, #tpu.memory_space<vmem>>[vector<16xi32>, vector<16xi32>], vector<16xf32>,
            %add3A_158 = arith.constant 0 : i32
            %add3A_159 = vector.broadcast %add3A_158 : i32 to vector<16xi32>
            %add3A_160 = arith.addi %add3A_159, %iota3A : vector<16xi32>
            tpu.vector_store_idx %arg17[%broadcast_in_dim3A_107, %all_reduce_ffs3A, %add3A_160], %gather3A_157 : memref<8x16x128xf32, #tpu.memory_space<vmem>>[vector<16xi32>, vector<16xi32>, vector<16xi32>], vector<16xf32>,
            %add3A_161 = arith.constant 16 : i32
            %add3A_162 = vector.broadcast %add3A_161 : i32 to vector<16xi32>
            %add3A_163 = arith.addi %add3A_162, %iota3A : vector<16xi32>
            %gather3A_164 = tpu.vector_load_idx %arg16[%add3A_163, %gather3A_153] : memref<64x512xf32, #tpu.memory_space<vmem>>[vector<16xi32>, vector<16xi32>], vector<16xf32>,
            %add3A_165 = arith.constant 16 : i32
            %add3A_166 = vector.broadcast %add3A_165 : i32 to vector<16xi32>
            %add3A_167 = arith.addi %add3A_166, %iota3A : vector<16xi32>
            tpu.vector_store_idx %arg17[%broadcast_in_dim3A_107, %all_reduce_ffs3A, %add3A_167], %gather3A_164 : memref<8x16x128xf32, #tpu.memory_space<vmem>>[vector<16xi32>, vector<16xi32>, vector<16xi32>], vector<16xf32>,
            %add3A_168 = arith.constant 32 : i32
            %add3A_169 = vector.broadcast %add3A_168 : i32 to vector<16xi32>
            %add3A_170 = arith.addi %add3A_169, %iota3A : vector<16xi32>
            %gather3A_171 = tpu.vector_load_idx %arg16[%add3A_170, %gather3A_153] : memref<64x512xf32, #tpu.memory_space<vmem>>[vector<16xi32>, vector<16xi32>], vector<16xf32>,
            %add3A_172 = arith.constant 32 : i32
            %add3A_173 = vector.broadcast %add3A_172 : i32 to vector<16xi32>
            %add3A_174 = arith.addi %add3A_173, %iota3A : vector<16xi32>
            tpu.vector_store_idx %arg17[%broadcast_in_dim3A_107, %all_reduce_ffs3A, %add3A_174], %gather3A_171 : memref<8x16x128xf32, #tpu.memory_space<vmem>>[vector<16xi32>, vector<16xi32>, vector<16xi32>], vector<16xf32>,
            %add3A_175 = arith.constant 48 : i32
            %add3A_176 = vector.broadcast %add3A_175 : i32 to vector<16xi32>
            %add3A_177 = arith.addi %add3A_176, %iota3A : vector<16xi32>
            %gather3A_178 = tpu.vector_load_idx %arg16[%add3A_177, %gather3A_153] : memref<64x512xf32, #tpu.memory_space<vmem>>[vector<16xi32>, vector<16xi32>], vector<16xf32>,
            %add3A_179 = arith.constant 48 : i32
            %add3A_180 = vector.broadcast %add3A_179 : i32 to vector<16xi32>
            %add3A_181 = arith.addi %add3A_180, %iota3A : vector<16xi32>
            tpu.vector_store_idx %arg17[%broadcast_in_dim3A_107, %all_reduce_ffs3A, %add3A_181], %gather3A_178 : memref<8x16x128xf32, #tpu.memory_space<vmem>>[vector<16xi32>, vector<16xi32>, vector<16xi32>], vector<16xf32>,
            %ne3A_182 = arith.cmpi ne, %iota3A, %all_reduce_ffs3A : vector<16xi32>
            %and3A_183 = arith.andi %while3A_151, %ne3A_182 : vector<16xi1>
            scf.yield %and3A_183 : vector<16xi1>
          }
          %while3A_122 = arith.constant 1 : i32
          %while3A_123 = scf.for %while3A_150 = %while3A_119 to %while3A_115 step %while3A_122 iter_args(%while3A_151 = %while3A_121) -> (vector<16xi1>)  : i32 {
            %all_reduce_ffs3A = tpu.all_reduce %while3A_151 {dim = 0 : i64, kind = #tpu.reduction_kind<find_first_set>} : vector<16xi1> -> vector<16xi32>
            %broadcast_in_dim3A_152 = vector.shape_cast %all_reduce_ffs3A : vector<16xi32> to vector<16x1xi32>
            %gather3A = vector.shape_cast %broadcast_in_dim3A_152 : vector<16x1xi32> to vector<16xi32>
            %gather3A_153 = tpu.dynamic_gather %sub3A_112[%gather3A] in [0] : vector<16xi32>, vector<16xi32> -> vector<16xi32>
            %add3A_154 = arith.constant 0 : i32
            %add3A_155 = vector.broadcast %add3A_154 : i32 to vector<16xi32>
            %add3A_156 = arith.addi %add3A_155, %iota3A : vector<16xi32>
            %gather3A_157 = tpu.vector_load_idx %arg16[%add3A_156, %gather3A_153] : memref<64x512xf32, #tpu.memory_space<vmem>>[vector<16xi32>, vector<16xi32>], vector<16xf32>,
            %add3A_158 = arith.constant 0 : i32
            %add3A_159 = vector.broadcast %add3A_158 : i32 to vector<16xi32>
            %add3A_160 = arith.addi %add3A_159, %iota3A : vector<16xi32>
            tpu.vector_store_idx %arg17[%broadcast_in_dim3A_107, %all_reduce_ffs3A, %add3A_160], %gather3A_157 : memref<8x16x128xf32, #tpu.memory_space<vmem>>[vector<16xi32>, vector<16xi32>, vector<16xi32>], vector<16xf32>,
            %add3A_161 = arith.constant 16 : i32
            %add3A_162 = vector.broadcast %add3A_161 : i32 to vector<16xi32>
            %add3A_163 = arith.addi %add3A_162, %iota3A : vector<16xi32>
            %gather3A_164 = tpu.vector_load_idx %arg16[%add3A_163, %gather3A_153] : memref<64x512xf32, #tpu.memory_space<vmem>>[vector<16xi32>, vector<16xi32>], vector<16xf32>,
            %add3A_165 = arith.constant 16 : i32
            %add3A_166 = vector.broadcast %add3A_165 : i32 to vector<16xi32>
            %add3A_167 = arith.addi %add3A_166, %iota3A : vector<16xi32>
            tpu.vector_store_idx %arg17[%broadcast_in_dim3A_107, %all_reduce_ffs3A, %add3A_167], %gather3A_164 : memref<8x16x128xf32, #tpu.memory_space<vmem>>[vector<16xi32>, vector<16xi32>, vector<16xi32>], vector<16xf32>,
            %add3A_168 = arith.constant 32 : i32
            %add3A_169 = vector.broadcast %add3A_168 : i32 to vector<16xi32>
            %add3A_170 = arith.addi %add3A_169, %iota3A : vector<16xi32>
            %gather3A_171 = tpu.vector_load_idx %arg16[%add3A_170, %gather3A_153] : memref<64x512xf32, #tpu.memory_space<vmem>>[vector<16xi32>, vector<16xi32>], vector<16xf32>,
            %add3A_172 = arith.constant 32 : i32
            %add3A_173 = vector.broadcast %add3A_172 : i32 to vector<16xi32>
            %add3A_174 = arith.addi %add3A_173, %iota3A : vector<16xi32>
            tpu.vector_store_idx %arg17[%broadcast_in_dim3A_107, %all_reduce_ffs3A, %add3A_174], %gather3A_171 : memref<8x16x128xf32, #tpu.memory_space<vmem>>[vector<16xi32>, vector<16xi32>, vector<16xi32>], vector<16xf32>,
            %add3A_175 = arith.constant 48 : i32
            %add3A_176 = vector.broadcast %add3A_175 : i32 to vector<16xi32>
            %add3A_177 = arith.addi %add3A_176, %iota3A : vector<16xi32>
            %gather3A_178 = tpu.vector_load_idx %arg16[%add3A_177, %gather3A_153] : memref<64x512xf32, #tpu.memory_space<vmem>>[vector<16xi32>, vector<16xi32>], vector<16xf32>,
            %add3A_179 = arith.constant 48 : i32
            %add3A_180 = vector.broadcast %add3A_179 : i32 to vector<16xi32>
            %add3A_181 = arith.addi %add3A_180, %iota3A : vector<16xi32>
            tpu.vector_store_idx %arg17[%broadcast_in_dim3A_107, %all_reduce_ffs3A, %add3A_181], %gather3A_178 : memref<8x16x128xf32, #tpu.memory_space<vmem>>[vector<16xi32>, vector<16xi32>, vector<16xi32>], vector<16xf32>,
            %ne3A_182 = arith.cmpi ne, %iota3A, %all_reduce_ffs3A : vector<16xi32>
            %and3A_183 = arith.andi %while3A_151, %ne3A_182 : vector<16xi1>
            scf.yield %and3A_183 : vector<16xi1>
          }
          %convert_element_type3A_124 = arith.extui %gt3A_101 : i1 to i32
          %cond3A_125 = arith.constant 0 : i32
          %cond3A_126 = arith.cmpi ne, %convert_element_type3A_124, %cond3A_125 : i32
          scf.if %cond3A_126 {
            %dma_start3A = arith.constant 0 : i32
            %dma_start3A_150 = arith.constant 0 : i32
            %dma_start3A_151 = tpu.memref_slice %arg17[%while3A_84, %dma_start3A, %dma_start3A_150] : memref<8x16x128xf32, #tpu.memory_space<vmem>> -> memref<1x16x128xf32, #tpu.memory_space<vmem>>
            %dma_start3A_152 = tpu.memref_squeeze %dma_start3A_151 : memref<1x16x128xf32, #tpu.memory_space<vmem>> -> memref<16x128xf32, #tpu.memory_space<vmem>>
            %dma_start3A_153 = arith.constant 0 : i32
            %dma_start3A_154 = tpu.memref_slice %arg18[%while3A_84, %dma_start3A_153] : memref<8x16xi32, #tpu.memory_space<vmem>> -> memref<1x16xi32, #tpu.memory_space<vmem>>
            %dma_start3A_155 = tpu.memref_squeeze %dma_start3A_154 : memref<1x16xi32, #tpu.memory_space<vmem>> -> memref<16xi32, #tpu.memory_space<vmem>>
            %dma_start3A_156 = arith.constant 0 : i32
            %dma_start3A_157 = arith.constant 0 : i32
            %dma_start3A_158 = tpu.memref_slice %arg9[%dma_start3A_156, %dma_start3A_157] : memref<16400x128xf32, #tpu.memory_space<hbm>> -> memref<16400x128xf32, #tpu.memory_space<hbm>>
            tpu.enqueue_indirect_dma source(%dma_start3A_152 : memref<16x128xf32, #tpu.memory_space<vmem>>) target(%dma_start3A_158 : memref<16400x128xf32, #tpu.memory_space<hbm>>) offsets(%dma_start3A_155 : memref<16xi32, #tpu.memory_space<vmem>>) semaphore(%arg19 : memref<!tpu.dma_semaphore, #tpu.memory_space<semaphore_mem>>)
          } else {
          }
          %add3A_127 = arith.constant 1 : i32
          %add3A_128 = arith.addi %while3A_84, %add3A_127 : i32
          %jit3A_129 = arith.constant 8 : i32
          %eq3A_130 = arith.constant 0 : i32
          %eq3A_131 = arith.cmpi eq, %jit3A_129, %eq3A_130 : i32
          %jit3A_132 = arith.constant 1 : i32
          %select_n3A_133 = arith.select %eq3A_131, %jit3A_132, %jit3A_129 : i32
          %rem3A_134 = arith.remsi %add3A_128, %select_n3A_133 : i32
          %ne3A_135 = arith.constant 0 : i32
          %ne3A_136 = arith.cmpi ne, %rem3A_134, %ne3A_135 : i32
          %lt3A_137 = arith.constant 0 : i32
          %lt3A_138 = arith.cmpi slt, %rem3A_134, %lt3A_137 : i32
          %lt3A_139 = arith.constant 0 : i32
          %lt3A_140 = arith.cmpi slt, %select_n3A_133, %lt3A_139 : i32
          %ne3A_141 = arith.xori %lt3A_138, %lt3A_140 : i1
          %and3A_142 = arith.andi %ne3A_141, %ne3A_136 : i1
          %add3A_143 = arith.addi %rem3A_134, %select_n3A_133 : i32
          %select_n3A_144 = arith.select %and3A_142, %add3A_143, %rem3A_134 : i32
          %select_n3A_145 = arith.select %gt3A_101, %select_n3A_144, %while3A_84 : i32
          %add3A_146 = arith.constant 1 : i32
          %add3A_147 = arith.addi %while3A_85, %add3A_146 : i32
          %min3A = arith.constant 8 : i32
          %min3A_148 = arith.minsi %add3A_147, %min3A : i32
          %select_n3A_149 = arith.select %gt3A_101, %min3A_148, %while3A_85 : i32
          scf.yield %select_n3A_145, %select_n3A_149 : i32, i32
        }
        scf.yield %while3A_82#0, %while3A_82#1 : i32, i32
      } else {
        scf.yield %scan3A_43, %scan3A_44 : i32, i32
      }
      scf.yield %cond3A_54#0, %cond3A_54#1 : i32, i32
    }
    %scan3A_29 = arith.constant 7 : i32
    %eq3A_30 = arith.constant 3 : i32
    %eq3A_31 = arith.cmpi eq, %add3A, %eq3A_30 : i32
    %convert_element_type3A_32 = arith.extui %eq3A_31 : i1 to i32
    %cond3A_33 = arith.constant 0 : i32
    %cond3A_34 = arith.cmpi ne, %convert_element_type3A_32, %cond3A_33 : i32
    %cond3A_35:2 = scf.if %cond3A_34 -> (i32, i32) {
      "tpu.region"() ({
        %run_scoped3A = tpu.sem_alloc : memref<!tpu.dma_semaphore, #tpu.memory_space<semaphore_mem>>
        %dma_start3A = arith.constant 0 : i32
        %dma_start3A_71 = arith.constant 0 : i32
        %dma_start3A_72 = tpu.memref_slice %arg16[%dma_start3A, %dma_start3A_71] : memref<64x512xf32, #tpu.memory_space<vmem>> -> memref<64x512xf32, #tpu.memory_space<vmem>>
        %dma_start3A_73 = arith.constant 0 : i32
        %dma_start3A_74 = arith.constant 0 : i32
        %dma_start3A_75 = tpu.memref_slice %arg7[%dma_start3A_73, %dma_start3A_74] : memref<64x512xf32, #tpu.memory_space<hbm>> -> memref<64x512xf32, #tpu.memory_space<hbm>>
        %dma_start3A_76 = arith.constant 0 : i32
        %dma_start3A_77 = arith.constant 0 : i32
        %dma_start3A_78 = tpu.memref_slice %arg16[%dma_start3A_76, %dma_start3A_77] : memref<64x512xf32, #tpu.memory_space<vmem>> -> memref<64x512xf32, #tpu.memory_space<vmem>>
        %dma_start3A_79 = arith.constant 0 : i32
        %dma_start3A_80 = arith.constant 0 : i32
        %dma_start3A_81 = tpu.memref_slice %arg7[%dma_start3A_79, %dma_start3A_80] : memref<64x512xf32, #tpu.memory_space<hbm>> -> memref<64x512xf32, #tpu.memory_space<hbm>>
        tpu.enqueue_dma source(%dma_start3A_81 : memref<64x512xf32, #tpu.memory_space<hbm>>) target(%dma_start3A_78 : memref<64x512xf32, #tpu.memory_space<vmem>>) target_semaphore(%run_scoped3A : memref<!tpu.dma_semaphore, #tpu.memory_space<semaphore_mem>>)
        %dma_wait3A = arith.constant 0 : i32
        %dma_wait3A_82 = arith.constant 0 : i32
        %dma_wait3A_83 = tpu.memref_slice %arg16[%dma_wait3A, %dma_wait3A_82] : memref<64x512xf32, #tpu.memory_space<vmem>> -> memref<64x512xf32, #tpu.memory_space<vmem>>
        %dma_wait3A_84 = arith.constant 0 : i32
        %dma_wait3A_85 = arith.constant 0 : i32
        %dma_wait3A_86 = tpu.memref_slice %arg7[%dma_wait3A_84, %dma_wait3A_85] : memref<64x512xf32, #tpu.memory_space<hbm>> -> memref<64x512xf32, #tpu.memory_space<hbm>>
        %dma_wait3A_87 = arith.constant 0 : i32
        %dma_wait3A_88 = arith.constant 0 : i32
        %dma_wait3A_89 = tpu.memref_slice %arg16[%dma_wait3A_87, %dma_wait3A_88] : memref<64x512xf32, #tpu.memory_space<vmem>> -> memref<64x512xf32, #tpu.memory_space<vmem>>
        %dma_wait3A_90 = arith.constant 0 : i32
        %dma_wait3A_91 = arith.constant 0 : i32
        %dma_wait3A_92 = tpu.memref_slice %arg7[%dma_wait3A_90, %dma_wait3A_91] : memref<64x512xf32, #tpu.memory_space<hbm>> -> memref<64x512xf32, #tpu.memory_space<hbm>>
        tpu.wait_dma2 semaphore(%run_scoped3A : memref<!tpu.dma_semaphore, #tpu.memory_space<semaphore_mem>>) src(%dma_wait3A_92 : memref<64x512xf32, #tpu.memory_space<hbm>>) dst(%dma_wait3A_89 : memref<64x512xf32, #tpu.memory_space<vmem>>)
        tpu.yield
      }) : () -> ()
      %add3A_42 = arith.constant 15 : i32
      %add3A_43 = arith.addi %scan3A_7#1, %add3A_42 : i32
      %jit3A = arith.constant 16 : i32
      %div3A = arith.divsi %add3A_43, %jit3A : i32
      %sign3A = arith.constant 0 : i32
      %sign3A_44 = arith.cmpi sgt, %add3A_43, %sign3A : i32
      %sign3A_45 = arith.extui %sign3A_44 : i1 to i32
      %sign3A_46 = arith.constant 0 : i32
      %sign3A_47 = arith.cmpi slt, %add3A_43, %sign3A_46 : i32
      %sign3A_48 = arith.extui %sign3A_47 : i1 to i32
      %sign3A_49 = arith.subi %sign3A_45, %sign3A_48 : i32
      %sign3A_50 = arith.constant 0 : i32
      %sign3A_51 = arith.cmpi sgt, %jit3A, %sign3A_50 : i32
      %sign3A_52 = arith.extui %sign3A_51 : i1 to i32
      %sign3A_53 = arith.constant 0 : i32
      %sign3A_54 = arith.cmpi slt, %jit3A, %sign3A_53 : i32
      %sign3A_55 = arith.extui %sign3A_54 : i1 to i32
      %sign3A_56 = arith.subi %sign3A_52, %sign3A_55 : i32
      %ne3A = arith.cmpi ne, %sign3A_49, %sign3A_56 : i32
      %rem3A = arith.remsi %add3A_43, %jit3A : i32
      %ne3A_57 = arith.constant 0 : i32
      %ne3A_58 = arith.cmpi ne, %rem3A, %ne3A_57 : i32
      %and3A = arith.andi %ne3A, %ne3A_58 : i1
      %sub3A = arith.constant 1 : i32
      %sub3A_59 = arith.subi %div3A, %sub3A : i32
      %select_n3A = arith.select %and3A, %sub3A_59, %div3A : i32
      %while3A = arith.constant 195 : i32
      %while3A_60 = arith.constant 0 : i32
      %while3A_61 = arith.subi %select_n3A, %while3A_60 : i32
      %while3A_62 = arith.addi %while3A_60, %while3A_61 : i32
      %while3A_63 = arith.constant 1 : i32
      %while3A_64 = arith.divsi %while3A_61, %while3A_63 : i32
      %while3A_65 = arith.muli %while3A_64, %while3A_63 : i32
      %while3A_66 = arith.addi %while3A_60, %while3A_65 : i32
      %while3A_67 = arith.constant 1 : i32
      %while3A_68:2 = scf.for %while3A_71 = %while3A_60 to %while3A_66 step %while3A_67 iter_args(%while3A_72 = %scan3A_28#0, %while3A_73 = %scan3A_28#1) -> (i32, i32)  : i32 {
        %mul3A_74 = arith.constant 16 : i32
        %mul3A_75 = arith.muli %while3A_71, %mul3A_74 : i32
        %get3A = arith.index_cast %mul3A_75 : i32 to index
        %get3A_76 = tpu.vector_load %arg14[%get3A] {strides = array<i32>} : memref<16400xi32, #tpu.memory_space<vmem>>, vector<16xi32>,
        %shift_right_arithmetic3A = arith.constant 9 : i32
        %shift_right_arithmetic3A_77 = vector.broadcast %shift_right_arithmetic3A : i32 to vector<16xi32>
        %shift_right_arithmetic3A_78 = arith.shrsi %get3A_76, %shift_right_arithmetic3A_77 : vector<16xi32>
        %eq3A_79 = vector.broadcast %while3A : i32 to vector<16xi32>
        %eq3A_80 = arith.cmpi eq, %shift_right_arithmetic3A_78, %eq3A_79 : vector<16xi32>
        %jit3A_81 = arith.constant 1 : i32
        %jit3A_82 = arith.constant 0 : i32
        %broadcast_in_dim3A_83 = vector.broadcast %jit3A_81 : i32 to vector<16xi32>
        %broadcast_in_dim3A_84 = vector.broadcast %jit3A_82 : i32 to vector<16xi32>
        %select_n3A_85 = arith.select %eq3A_80, %broadcast_in_dim3A_83, %broadcast_in_dim3A_84 : vector<16xi1>, vector<16xi32>
        %reduce_sum3A = arith.constant true
        %reduce_sum3A_86 = vector.broadcast %reduce_sum3A : i1 to vector<16xi1>
        %reduce_sum3A_87 = tpu.scan <sum>, %select_n3A_85 masked %reduce_sum3A_86 : vector<16xi32>, vector<16xi1> -> vector<16xi32>
        %reduce_sum3A_88 = vector.extract %reduce_sum3A_87[15] : i32 from vector<16xi32>
        %gt3A = arith.constant 0 : i32
        %gt3A_89 = arith.cmpi sgt, %reduce_sum3A_88, %gt3A : i32
        %ge3A = arith.constant 8 : i32
        %ge3A_90 = arith.cmpi sge, %while3A_73, %ge3A : i32
        %and3A_91 = arith.andi %gt3A_89, %ge3A_90 : i1
        %convert_element_type3A_92 = arith.extui %and3A_91 : i1 to i32
        %cond3A_93 = arith.constant 0 : i32
        %cond3A_94 = arith.cmpi ne, %convert_element_type3A_92, %cond3A_93 : i32
        scf.if %cond3A_94 {
          %dma_wait3A = arith.constant 0 : i32
          %dma_wait3A_138 = arith.constant 0 : i32
          %dma_wait3A_139 = arith.constant 0 : i32
          %dma_wait3A_140 = tpu.memref_slice %arg17[%dma_wait3A, %dma_wait3A_138, %dma_wait3A_139] : memref<8x16x128xf32, #tpu.memory_space<vmem>> -> memref<1x16x128xf32, #tpu.memory_space<vmem>>
          %dma_wait3A_141 = tpu.memref_squeeze %dma_wait3A_140 : memref<1x16x128xf32, #tpu.memory_space<vmem>> -> memref<16x128xf32, #tpu.memory_space<vmem>>
          %dma_wait3A_142 = arith.constant 0 : i32
          %dma_wait3A_143 = arith.constant 0 : i32
          %dma_wait3A_144 = tpu.memref_slice %arg9[%dma_wait3A_142, %dma_wait3A_143] : memref<16400x128xf32, #tpu.memory_space<hbm>> -> memref<16x128xf32, #tpu.memory_space<hbm>>
          %dma_wait3A_145 = arith.constant 0 : i32
          %dma_wait3A_146 = arith.constant 0 : i32
          %dma_wait3A_147 = tpu.memref_slice %arg17[%dma_wait3A, %dma_wait3A_145, %dma_wait3A_146] : memref<8x16x128xf32, #tpu.memory_space<vmem>> -> memref<1x16x128xf32, #tpu.memory_space<vmem>>
          %dma_wait3A_148 = tpu.memref_squeeze %dma_wait3A_147 : memref<1x16x128xf32, #tpu.memory_space<vmem>> -> memref<16x128xf32, #tpu.memory_space<vmem>>
          %dma_wait3A_149 = arith.constant 0 : i32
          %dma_wait3A_150 = arith.constant 0 : i32
          %dma_wait3A_151 = tpu.memref_slice %arg9[%dma_wait3A_149, %dma_wait3A_150] : memref<16400x128xf32, #tpu.memory_space<hbm>> -> memref<16x128xf32, #tpu.memory_space<hbm>>
          tpu.wait_dma2 semaphore(%arg19 : memref<!tpu.dma_semaphore, #tpu.memory_space<semaphore_mem>>) src(%dma_wait3A_151 : memref<16x128xf32, #tpu.memory_space<hbm>>) dst(%dma_wait3A_148 : memref<16x128xf32, #tpu.memory_space<vmem>>)
        } else {
        }
        %broadcast_in_dim3A_95 = vector.broadcast %while3A_72 : i32 to vector<16xi32>
        %convert_element_type3A_96 = arith.extui %gt3A_89 : i1 to i32
        %cond3A_97 = arith.constant 0 : i32
        %cond3A_98 = arith.cmpi ne, %convert_element_type3A_96, %cond3A_97 : i32
        scf.if %cond3A_98 {
          %mul3A_138 = arith.constant 16 : i32
          %mul3A_139 = arith.muli %while3A_71, %mul3A_138 : i32
          %get3A_140 = arith.index_cast %mul3A_139 : i32 to index
          %get3A_141 = tpu.vector_load %arg15[%get3A_140] {strides = array<i32>} : memref<16400xi32, #tpu.memory_space<vmem>>, vector<16xi32>,
          %add3A_142 = arith.constant 16384 : i32
          %add3A_143 = vector.broadcast %add3A_142 : i32 to vector<16xi32>
          %add3A_144 = arith.addi %add3A_143, %iota3A : vector<16xi32>
          %select_n3A_145 = arith.select %eq3A_80, %get3A_141, %add3A_144 : vector<16xi1>, vector<16xi32>
          tpu.vector_store_idx %arg18[%broadcast_in_dim3A_95, %iota3A], %select_n3A_145 : memref<8x16xi32, #tpu.memory_space<vmem>>[vector<16xi32>, vector<16xi32>], vector<16xi32>,
        } else {
        }
        %sub3A_99 = arith.constant 99488 : i32
        %sub3A_100 = vector.broadcast %sub3A_99 : i32 to vector<16xi32>
        %sub3A_101 = arith.subi %get3A_76, %sub3A_100 : vector<16xi32>
        %while3A_102 = arith.constant 0 : i32
        %while3A_103 = arith.subi %reduce_sum3A_88, %while3A_102 : i32
        %while3A_104 = arith.addi %while3A_102, %while3A_103 : i32
        %while3A_105 = arith.constant 1 : i32
        %while3A_106 = arith.divsi %while3A_103, %while3A_105 : i32
        %while3A_107 = arith.muli %while3A_106, %while3A_105 : i32
        %while3A_108 = arith.addi %while3A_102, %while3A_107 : i32
        %while3A_109 = arith.constant 1 : i32
        %while3A_110 = scf.for %while3A_138 = %while3A_102 to %while3A_108 step %while3A_109 iter_args(%while3A_139 = %eq3A_80) -> (vector<16xi1>)  : i32 {
          %all_reduce_ffs3A = tpu.all_reduce %while3A_139 {dim = 0 : i64, kind = #tpu.reduction_kind<find_first_set>} : vector<16xi1> -> vector<16xi32>
          %broadcast_in_dim3A_140 = vector.shape_cast %all_reduce_ffs3A : vector<16xi32> to vector<16x1xi32>
          %gather3A = vector.shape_cast %broadcast_in_dim3A_140 : vector<16x1xi32> to vector<16xi32>
          %gather3A_141 = tpu.dynamic_gather %sub3A_101[%gather3A] in [0] : vector<16xi32>, vector<16xi32> -> vector<16xi32>
          %add3A_142 = arith.constant 0 : i32
          %add3A_143 = vector.broadcast %add3A_142 : i32 to vector<16xi32>
          %add3A_144 = arith.addi %add3A_143, %iota3A : vector<16xi32>
          %gather3A_145 = tpu.vector_load_idx %arg16[%add3A_144, %gather3A_141] : memref<64x512xf32, #tpu.memory_space<vmem>>[vector<16xi32>, vector<16xi32>], vector<16xf32>,
          %add3A_146 = arith.constant 0 : i32
          %add3A_147 = vector.broadcast %add3A_146 : i32 to vector<16xi32>
          %add3A_148 = arith.addi %add3A_147, %iota3A : vector<16xi32>
          tpu.vector_store_idx %arg17[%broadcast_in_dim3A_95, %all_reduce_ffs3A, %add3A_148], %gather3A_145 : memref<8x16x128xf32, #tpu.memory_space<vmem>>[vector<16xi32>, vector<16xi32>, vector<16xi32>], vector<16xf32>,
          %add3A_149 = arith.constant 16 : i32
          %add3A_150 = vector.broadcast %add3A_149 : i32 to vector<16xi32>
          %add3A_151 = arith.addi %add3A_150, %iota3A : vector<16xi32>
          %gather3A_152 = tpu.vector_load_idx %arg16[%add3A_151, %gather3A_141] : memref<64x512xf32, #tpu.memory_space<vmem>>[vector<16xi32>, vector<16xi32>], vector<16xf32>,
          %add3A_153 = arith.constant 16 : i32
          %add3A_154 = vector.broadcast %add3A_153 : i32 to vector<16xi32>
          %add3A_155 = arith.addi %add3A_154, %iota3A : vector<16xi32>
          tpu.vector_store_idx %arg17[%broadcast_in_dim3A_95, %all_reduce_ffs3A, %add3A_155], %gather3A_152 : memref<8x16x128xf32, #tpu.memory_space<vmem>>[vector<16xi32>, vector<16xi32>, vector<16xi32>], vector<16xf32>,
          %add3A_156 = arith.constant 32 : i32
          %add3A_157 = vector.broadcast %add3A_156 : i32 to vector<16xi32>
          %add3A_158 = arith.addi %add3A_157, %iota3A : vector<16xi32>
          %gather3A_159 = tpu.vector_load_idx %arg16[%add3A_158, %gather3A_141] : memref<64x512xf32, #tpu.memory_space<vmem>>[vector<16xi32>, vector<16xi32>], vector<16xf32>,
          %add3A_160 = arith.constant 32 : i32
          %add3A_161 = vector.broadcast %add3A_160 : i32 to vector<16xi32>
          %add3A_162 = arith.addi %add3A_161, %iota3A : vector<16xi32>
          tpu.vector_store_idx %arg17[%broadcast_in_dim3A_95, %all_reduce_ffs3A, %add3A_162], %gather3A_159 : memref<8x16x128xf32, #tpu.memory_space<vmem>>[vector<16xi32>, vector<16xi32>, vector<16xi32>], vector<16xf32>,
          %add3A_163 = arith.constant 48 : i32
          %add3A_164 = vector.broadcast %add3A_163 : i32 to vector<16xi32>
          %add3A_165 = arith.addi %add3A_164, %iota3A : vector<16xi32>
          %gather3A_166 = tpu.vector_load_idx %arg16[%add3A_165, %gather3A_141] : memref<64x512xf32, #tpu.memory_space<vmem>>[vector<16xi32>, vector<16xi32>], vector<16xf32>,
          %add3A_167 = arith.constant 48 : i32
          %add3A_168 = vector.broadcast %add3A_167 : i32 to vector<16xi32>
          %add3A_169 = arith.addi %add3A_168, %iota3A : vector<16xi32>
          tpu.vector_store_idx %arg17[%broadcast_in_dim3A_95, %all_reduce_ffs3A, %add3A_169], %gather3A_166 : memref<8x16x128xf32, #tpu.memory_space<vmem>>[vector<16xi32>, vector<16xi32>, vector<16xi32>], vector<16xf32>,
          %ne3A_170 = arith.cmpi ne, %iota3A, %all_reduce_ffs3A : vector<16xi32>
          %and3A_171 = arith.andi %while3A_139, %ne3A_170 : vector<16xi1>
          scf.yield %and3A_171 : vector<16xi1>
        }
        %while3A_111 = arith.constant 1 : i32
        %while3A_112 = scf.for %while3A_138 = %while3A_108 to %while3A_104 step %while3A_111 iter_args(%while3A_139 = %while3A_110) -> (vector<16xi1>)  : i32 {
          %all_reduce_ffs3A = tpu.all_reduce %while3A_139 {dim = 0 : i64, kind = #tpu.reduction_kind<find_first_set>} : vector<16xi1> -> vector<16xi32>
          %broadcast_in_dim3A_140 = vector.shape_cast %all_reduce_ffs3A : vector<16xi32> to vector<16x1xi32>
          %gather3A = vector.shape_cast %broadcast_in_dim3A_140 : vector<16x1xi32> to vector<16xi32>
          %gather3A_141 = tpu.dynamic_gather %sub3A_101[%gather3A] in [0] : vector<16xi32>, vector<16xi32> -> vector<16xi32>
          %add3A_142 = arith.constant 0 : i32
          %add3A_143 = vector.broadcast %add3A_142 : i32 to vector<16xi32>
          %add3A_144 = arith.addi %add3A_143, %iota3A : vector<16xi32>
          %gather3A_145 = tpu.vector_load_idx %arg16[%add3A_144, %gather3A_141] : memref<64x512xf32, #tpu.memory_space<vmem>>[vector<16xi32>, vector<16xi32>], vector<16xf32>,
          %add3A_146 = arith.constant 0 : i32
          %add3A_147 = vector.broadcast %add3A_146 : i32 to vector<16xi32>
          %add3A_148 = arith.addi %add3A_147, %iota3A : vector<16xi32>
          tpu.vector_store_idx %arg17[%broadcast_in_dim3A_95, %all_reduce_ffs3A, %add3A_148], %gather3A_145 : memref<8x16x128xf32, #tpu.memory_space<vmem>>[vector<16xi32>, vector<16xi32>, vector<16xi32>], vector<16xf32>,
          %add3A_149 = arith.constant 16 : i32
          %add3A_150 = vector.broadcast %add3A_149 : i32 to vector<16xi32>
          %add3A_151 = arith.addi %add3A_150, %iota3A : vector<16xi32>
          %gather3A_152 = tpu.vector_load_idx %arg16[%add3A_151, %gather3A_141] : memref<64x512xf32, #tpu.memory_space<vmem>>[vector<16xi32>, vector<16xi32>], vector<16xf32>,
          %add3A_153 = arith.constant 16 : i32
          %add3A_154 = vector.broadcast %add3A_153 : i32 to vector<16xi32>
          %add3A_155 = arith.addi %add3A_154, %iota3A : vector<16xi32>
          tpu.vector_store_idx %arg17[%broadcast_in_dim3A_95, %all_reduce_ffs3A, %add3A_155], %gather3A_152 : memref<8x16x128xf32, #tpu.memory_space<vmem>>[vector<16xi32>, vector<16xi32>, vector<16xi32>], vector<16xf32>,
          %add3A_156 = arith.constant 32 : i32
          %add3A_157 = vector.broadcast %add3A_156 : i32 to vector<16xi32>
          %add3A_158 = arith.addi %add3A_157, %iota3A : vector<16xi32>
          %gather3A_159 = tpu.vector_load_idx %arg16[%add3A_158, %gather3A_141] : memref<64x512xf32, #tpu.memory_space<vmem>>[vector<16xi32>, vector<16xi32>], vector<16xf32>,
          %add3A_160 = arith.constant 32 : i32
          %add3A_161 = vector.broadcast %add3A_160 : i32 to vector<16xi32>
          %add3A_162 = arith.addi %add3A_161, %iota3A : vector<16xi32>
          tpu.vector_store_idx %arg17[%broadcast_in_dim3A_95, %all_reduce_ffs3A, %add3A_162], %gather3A_159 : memref<8x16x128xf32, #tpu.memory_space<vmem>>[vector<16xi32>, vector<16xi32>, vector<16xi32>], vector<16xf32>,
          %add3A_163 = arith.constant 48 : i32
          %add3A_164 = vector.broadcast %add3A_163 : i32 to vector<16xi32>
          %add3A_165 = arith.addi %add3A_164, %iota3A : vector<16xi32>
          %gather3A_166 = tpu.vector_load_idx %arg16[%add3A_165, %gather3A_141] : memref<64x512xf32, #tpu.memory_space<vmem>>[vector<16xi32>, vector<16xi32>], vector<16xf32>,
          %add3A_167 = arith.constant 48 : i32
          %add3A_168 = vector.broadcast %add3A_167 : i32 to vector<16xi32>
          %add3A_169 = arith.addi %add3A_168, %iota3A : vector<16xi32>
          tpu.vector_store_idx %arg17[%broadcast_in_dim3A_95, %all_reduce_ffs3A, %add3A_169], %gather3A_166 : memref<8x16x128xf32, #tpu.memory_space<vmem>>[vector<16xi32>, vector<16xi32>, vector<16xi32>], vector<16xf32>,
          %ne3A_170 = arith.cmpi ne, %iota3A, %all_reduce_ffs3A : vector<16xi32>
          %and3A_171 = arith.andi %while3A_139, %ne3A_170 : vector<16xi1>
          scf.yield %and3A_171 : vector<16xi1>
        }
        %convert_element_type3A_113 = arith.extui %gt3A_89 : i1 to i32
        %cond3A_114 = arith.constant 0 : i32
        %cond3A_115 = arith.cmpi ne, %convert_element_type3A_113, %cond3A_114 : i32
        scf.if %cond3A_115 {
          %dma_start3A = arith.constant 0 : i32
          %dma_start3A_138 = arith.constant 0 : i32
          %dma_start3A_139 = tpu.memref_slice %arg17[%while3A_72, %dma_start3A, %dma_start3A_138] : memref<8x16x128xf32, #tpu.memory_space<vmem>> -> memref<1x16x128xf32, #tpu.memory_space<vmem>>
          %dma_start3A_140 = tpu.memref_squeeze %dma_start3A_139 : memref<1x16x128xf32, #tpu.memory_space<vmem>> -> memref<16x128xf32, #tpu.memory_space<vmem>>
          %dma_start3A_141 = arith.constant 0 : i32
          %dma_start3A_142 = tpu.memref_slice %arg18[%while3A_72, %dma_start3A_141] : memref<8x16xi32, #tpu.memory_space<vmem>> -> memref<1x16xi32, #tpu.memory_space<vmem>>
          %dma_start3A_143 = tpu.memref_squeeze %dma_start3A_142 : memref<1x16xi32, #tpu.memory_space<vmem>> -> memref<16xi32, #tpu.memory_space<vmem>>
          %dma_start3A_144 = arith.constant 0 : i32
          %dma_start3A_145 = arith.constant 0 : i32
          %dma_start3A_146 = tpu.memref_slice %arg9[%dma_start3A_144, %dma_start3A_145] : memref<16400x128xf32, #tpu.memory_space<hbm>> -> memref<16400x128xf32, #tpu.memory_space<hbm>>
          tpu.enqueue_indirect_dma source(%dma_start3A_140 : memref<16x128xf32, #tpu.memory_space<vmem>>) target(%dma_start3A_146 : memref<16400x128xf32, #tpu.memory_space<hbm>>) offsets(%dma_start3A_143 : memref<16xi32, #tpu.memory_space<vmem>>) semaphore(%arg19 : memref<!tpu.dma_semaphore, #tpu.memory_space<semaphore_mem>>)
        } else {
        }
        %add3A_116 = arith.constant 1 : i32
        %add3A_117 = arith.addi %while3A_72, %add3A_116 : i32
        %jit3A_118 = arith.constant 8 : i32
        %eq3A_119 = arith.constant 0 : i32
        %eq3A_120 = arith.cmpi eq, %jit3A_118, %eq3A_119 : i32
        %jit3A_121 = arith.constant 1 : i32
        %select_n3A_122 = arith.select %eq3A_120, %jit3A_121, %jit3A_118 : i32
        %rem3A_123 = arith.remsi %add3A_117, %select_n3A_122 : i32
        %ne3A_124 = arith.constant 0 : i32
        %ne3A_125 = arith.cmpi ne, %rem3A_123, %ne3A_124 : i32
        %lt3A = arith.constant 0 : i32
        %lt3A_126 = arith.cmpi slt, %rem3A_123, %lt3A : i32
        %lt3A_127 = arith.constant 0 : i32
        %lt3A_128 = arith.cmpi slt, %select_n3A_122, %lt3A_127 : i32
        %ne3A_129 = arith.xori %lt3A_126, %lt3A_128 : i1
        %and3A_130 = arith.andi %ne3A_129, %ne3A_125 : i1
        %add3A_131 = arith.addi %rem3A_123, %select_n3A_122 : i32
        %select_n3A_132 = arith.select %and3A_130, %add3A_131, %rem3A_123 : i32
        %select_n3A_133 = arith.select %gt3A_89, %select_n3A_132, %while3A_72 : i32
        %add3A_134 = arith.constant 1 : i32
        %add3A_135 = arith.addi %while3A_73, %add3A_134 : i32
        %min3A = arith.constant 8 : i32
        %min3A_136 = arith.minsi %add3A_135, %min3A : i32
        %select_n3A_137 = arith.select %gt3A_89, %min3A_136, %while3A_73 : i32
        scf.yield %select_n3A_133, %select_n3A_137 : i32, i32
      }
      %while3A_69 = arith.constant 1 : i32
      %while3A_70:2 = scf.for %while3A_71 = %while3A_66 to %while3A_62 step %while3A_69 iter_args(%while3A_72 = %while3A_68#0, %while3A_73 = %while3A_68#1) -> (i32, i32)  : i32 {
        %mul3A_74 = arith.constant 16 : i32
        %mul3A_75 = arith.muli %while3A_71, %mul3A_74 : i32
        %get3A = arith.index_cast %mul3A_75 : i32 to index
        %get3A_76 = tpu.vector_load %arg14[%get3A] {strides = array<i32>} : memref<16400xi32, #tpu.memory_space<vmem>>, vector<16xi32>,
        %shift_right_arithmetic3A = arith.constant 9 : i32
        %shift_right_arithmetic3A_77 = vector.broadcast %shift_right_arithmetic3A : i32 to vector<16xi32>
        %shift_right_arithmetic3A_78 = arith.shrsi %get3A_76, %shift_right_arithmetic3A_77 : vector<16xi32>
        %eq3A_79 = vector.broadcast %while3A : i32 to vector<16xi32>
        %eq3A_80 = arith.cmpi eq, %shift_right_arithmetic3A_78, %eq3A_79 : vector<16xi32>
        %jit3A_81 = arith.constant 1 : i32
        %jit3A_82 = arith.constant 0 : i32
        %broadcast_in_dim3A_83 = vector.broadcast %jit3A_81 : i32 to vector<16xi32>
        %broadcast_in_dim3A_84 = vector.broadcast %jit3A_82 : i32 to vector<16xi32>
        %select_n3A_85 = arith.select %eq3A_80, %broadcast_in_dim3A_83, %broadcast_in_dim3A_84 : vector<16xi1>, vector<16xi32>
        %reduce_sum3A = arith.constant true
        %reduce_sum3A_86 = vector.broadcast %reduce_sum3A : i1 to vector<16xi1>
        %reduce_sum3A_87 = tpu.scan <sum>, %select_n3A_85 masked %reduce_sum3A_86 : vector<16xi32>, vector<16xi1> -> vector<16xi32>
        %reduce_sum3A_88 = vector.extract %reduce_sum3A_87[15] : i32 from vector<16xi32>
        %gt3A = arith.constant 0 : i32
        %gt3A_89 = arith.cmpi sgt, %reduce_sum3A_88, %gt3A : i32
        %ge3A = arith.constant 8 : i32
        %ge3A_90 = arith.cmpi sge, %while3A_73, %ge3A : i32
        %and3A_91 = arith.andi %gt3A_89, %ge3A_90 : i1
        %convert_element_type3A_92 = arith.extui %and3A_91 : i1 to i32
        %cond3A_93 = arith.constant 0 : i32
        %cond3A_94 = arith.cmpi ne, %convert_element_type3A_92, %cond3A_93 : i32
        scf.if %cond3A_94 {
          %dma_wait3A = arith.constant 0 : i32
          %dma_wait3A_138 = arith.constant 0 : i32
          %dma_wait3A_139 = arith.constant 0 : i32
          %dma_wait3A_140 = tpu.memref_slice %arg17[%dma_wait3A, %dma_wait3A_138, %dma_wait3A_139] : memref<8x16x128xf32, #tpu.memory_space<vmem>> -> memref<1x16x128xf32, #tpu.memory_space<vmem>>
          %dma_wait3A_141 = tpu.memref_squeeze %dma_wait3A_140 : memref<1x16x128xf32, #tpu.memory_space<vmem>> -> memref<16x128xf32, #tpu.memory_space<vmem>>
          %dma_wait3A_142 = arith.constant 0 : i32
          %dma_wait3A_143 = arith.constant 0 : i32
          %dma_wait3A_144 = tpu.memref_slice %arg9[%dma_wait3A_142, %dma_wait3A_143] : memref<16400x128xf32, #tpu.memory_space<hbm>> -> memref<16x128xf32, #tpu.memory_space<hbm>>
          %dma_wait3A_145 = arith.constant 0 : i32
          %dma_wait3A_146 = arith.constant 0 : i32
          %dma_wait3A_147 = tpu.memref_slice %arg17[%dma_wait3A, %dma_wait3A_145, %dma_wait3A_146] : memref<8x16x128xf32, #tpu.memory_space<vmem>> -> memref<1x16x128xf32, #tpu.memory_space<vmem>>
          %dma_wait3A_148 = tpu.memref_squeeze %dma_wait3A_147 : memref<1x16x128xf32, #tpu.memory_space<vmem>> -> memref<16x128xf32, #tpu.memory_space<vmem>>
          %dma_wait3A_149 = arith.constant 0 : i32
          %dma_wait3A_150 = arith.constant 0 : i32
          %dma_wait3A_151 = tpu.memref_slice %arg9[%dma_wait3A_149, %dma_wait3A_150] : memref<16400x128xf32, #tpu.memory_space<hbm>> -> memref<16x128xf32, #tpu.memory_space<hbm>>
          tpu.wait_dma2 semaphore(%arg19 : memref<!tpu.dma_semaphore, #tpu.memory_space<semaphore_mem>>) src(%dma_wait3A_151 : memref<16x128xf32, #tpu.memory_space<hbm>>) dst(%dma_wait3A_148 : memref<16x128xf32, #tpu.memory_space<vmem>>)
        } else {
        }
        %broadcast_in_dim3A_95 = vector.broadcast %while3A_72 : i32 to vector<16xi32>
        %convert_element_type3A_96 = arith.extui %gt3A_89 : i1 to i32
        %cond3A_97 = arith.constant 0 : i32
        %cond3A_98 = arith.cmpi ne, %convert_element_type3A_96, %cond3A_97 : i32
        scf.if %cond3A_98 {
          %mul3A_138 = arith.constant 16 : i32
          %mul3A_139 = arith.muli %while3A_71, %mul3A_138 : i32
          %get3A_140 = arith.index_cast %mul3A_139 : i32 to index
          %get3A_141 = tpu.vector_load %arg15[%get3A_140] {strides = array<i32>} : memref<16400xi32, #tpu.memory_space<vmem>>, vector<16xi32>,
          %add3A_142 = arith.constant 16384 : i32
          %add3A_143 = vector.broadcast %add3A_142 : i32 to vector<16xi32>
          %add3A_144 = arith.addi %add3A_143, %iota3A : vector<16xi32>
          %select_n3A_145 = arith.select %eq3A_80, %get3A_141, %add3A_144 : vector<16xi1>, vector<16xi32>
          tpu.vector_store_idx %arg18[%broadcast_in_dim3A_95, %iota3A], %select_n3A_145 : memref<8x16xi32, #tpu.memory_space<vmem>>[vector<16xi32>, vector<16xi32>], vector<16xi32>,
        } else {
        }
        %sub3A_99 = arith.constant 99488 : i32
        %sub3A_100 = vector.broadcast %sub3A_99 : i32 to vector<16xi32>
        %sub3A_101 = arith.subi %get3A_76, %sub3A_100 : vector<16xi32>
        %while3A_102 = arith.constant 0 : i32
        %while3A_103 = arith.subi %reduce_sum3A_88, %while3A_102 : i32
        %while3A_104 = arith.addi %while3A_102, %while3A_103 : i32
        %while3A_105 = arith.constant 1 : i32
        %while3A_106 = arith.divsi %while3A_103, %while3A_105 : i32
        %while3A_107 = arith.muli %while3A_106, %while3A_105 : i32
        %while3A_108 = arith.addi %while3A_102, %while3A_107 : i32
        %while3A_109 = arith.constant 1 : i32
        %while3A_110 = scf.for %while3A_138 = %while3A_102 to %while3A_108 step %while3A_109 iter_args(%while3A_139 = %eq3A_80) -> (vector<16xi1>)  : i32 {
          %all_reduce_ffs3A = tpu.all_reduce %while3A_139 {dim = 0 : i64, kind = #tpu.reduction_kind<find_first_set>} : vector<16xi1> -> vector<16xi32>
          %broadcast_in_dim3A_140 = vector.shape_cast %all_reduce_ffs3A : vector<16xi32> to vector<16x1xi32>
          %gather3A = vector.shape_cast %broadcast_in_dim3A_140 : vector<16x1xi32> to vector<16xi32>
          %gather3A_141 = tpu.dynamic_gather %sub3A_101[%gather3A] in [0] : vector<16xi32>, vector<16xi32> -> vector<16xi32>
          %add3A_142 = arith.constant 0 : i32
          %add3A_143 = vector.broadcast %add3A_142 : i32 to vector<16xi32>
          %add3A_144 = arith.addi %add3A_143, %iota3A : vector<16xi32>
          %gather3A_145 = tpu.vector_load_idx %arg16[%add3A_144, %gather3A_141] : memref<64x512xf32, #tpu.memory_space<vmem>>[vector<16xi32>, vector<16xi32>], vector<16xf32>,
          %add3A_146 = arith.constant 0 : i32
          %add3A_147 = vector.broadcast %add3A_146 : i32 to vector<16xi32>
          %add3A_148 = arith.addi %add3A_147, %iota3A : vector<16xi32>
          tpu.vector_store_idx %arg17[%broadcast_in_dim3A_95, %all_reduce_ffs3A, %add3A_148], %gather3A_145 : memref<8x16x128xf32, #tpu.memory_space<vmem>>[vector<16xi32>, vector<16xi32>, vector<16xi32>], vector<16xf32>,
          %add3A_149 = arith.constant 16 : i32
          %add3A_150 = vector.broadcast %add3A_149 : i32 to vector<16xi32>
          %add3A_151 = arith.addi %add3A_150, %iota3A : vector<16xi32>
          %gather3A_152 = tpu.vector_load_idx %arg16[%add3A_151, %gather3A_141] : memref<64x512xf32, #tpu.memory_space<vmem>>[vector<16xi32>, vector<16xi32>], vector<16xf32>,
          %add3A_153 = arith.constant 16 : i32
          %add3A_154 = vector.broadcast %add3A_153 : i32 to vector<16xi32>
          %add3A_155 = arith.addi %add3A_154, %iota3A : vector<16xi32>
          tpu.vector_store_idx %arg17[%broadcast_in_dim3A_95, %all_reduce_ffs3A, %add3A_155], %gather3A_152 : memref<8x16x128xf32, #tpu.memory_space<vmem>>[vector<16xi32>, vector<16xi32>, vector<16xi32>], vector<16xf32>,
          %add3A_156 = arith.constant 32 : i32
          %add3A_157 = vector.broadcast %add3A_156 : i32 to vector<16xi32>
          %add3A_158 = arith.addi %add3A_157, %iota3A : vector<16xi32>
          %gather3A_159 = tpu.vector_load_idx %arg16[%add3A_158, %gather3A_141] : memref<64x512xf32, #tpu.memory_space<vmem>>[vector<16xi32>, vector<16xi32>], vector<16xf32>,
          %add3A_160 = arith.constant 32 : i32
          %add3A_161 = vector.broadcast %add3A_160 : i32 to vector<16xi32>
          %add3A_162 = arith.addi %add3A_161, %iota3A : vector<16xi32>
          tpu.vector_store_idx %arg17[%broadcast_in_dim3A_95, %all_reduce_ffs3A, %add3A_162], %gather3A_159 : memref<8x16x128xf32, #tpu.memory_space<vmem>>[vector<16xi32>, vector<16xi32>, vector<16xi32>], vector<16xf32>,
          %add3A_163 = arith.constant 48 : i32
          %add3A_164 = vector.broadcast %add3A_163 : i32 to vector<16xi32>
          %add3A_165 = arith.addi %add3A_164, %iota3A : vector<16xi32>
          %gather3A_166 = tpu.vector_load_idx %arg16[%add3A_165, %gather3A_141] : memref<64x512xf32, #tpu.memory_space<vmem>>[vector<16xi32>, vector<16xi32>], vector<16xf32>,
          %add3A_167 = arith.constant 48 : i32
          %add3A_168 = vector.broadcast %add3A_167 : i32 to vector<16xi32>
          %add3A_169 = arith.addi %add3A_168, %iota3A : vector<16xi32>
          tpu.vector_store_idx %arg17[%broadcast_in_dim3A_95, %all_reduce_ffs3A, %add3A_169], %gather3A_166 : memref<8x16x128xf32, #tpu.memory_space<vmem>>[vector<16xi32>, vector<16xi32>, vector<16xi32>], vector<16xf32>,
          %ne3A_170 = arith.cmpi ne, %iota3A, %all_reduce_ffs3A : vector<16xi32>
          %and3A_171 = arith.andi %while3A_139, %ne3A_170 : vector<16xi1>
          scf.yield %and3A_171 : vector<16xi1>
        }
        %while3A_111 = arith.constant 1 : i32
        %while3A_112 = scf.for %while3A_138 = %while3A_108 to %while3A_104 step %while3A_111 iter_args(%while3A_139 = %while3A_110) -> (vector<16xi1>)  : i32 {
          %all_reduce_ffs3A = tpu.all_reduce %while3A_139 {dim = 0 : i64, kind = #tpu.reduction_kind<find_first_set>} : vector<16xi1> -> vector<16xi32>
          %broadcast_in_dim3A_140 = vector.shape_cast %all_reduce_ffs3A : vector<16xi32> to vector<16x1xi32>
          %gather3A = vector.shape_cast %broadcast_in_dim3A_140 : vector<16x1xi32> to vector<16xi32>
          %gather3A_141 = tpu.dynamic_gather %sub3A_101[%gather3A] in [0] : vector<16xi32>, vector<16xi32> -> vector<16xi32>
          %add3A_142 = arith.constant 0 : i32
          %add3A_143 = vector.broadcast %add3A_142 : i32 to vector<16xi32>
          %add3A_144 = arith.addi %add3A_143, %iota3A : vector<16xi32>
          %gather3A_145 = tpu.vector_load_idx %arg16[%add3A_144, %gather3A_141] : memref<64x512xf32, #tpu.memory_space<vmem>>[vector<16xi32>, vector<16xi32>], vector<16xf32>,
          %add3A_146 = arith.constant 0 : i32
          %add3A_147 = vector.broadcast %add3A_146 : i32 to vector<16xi32>
          %add3A_148 = arith.addi %add3A_147, %iota3A : vector<16xi32>
          tpu.vector_store_idx %arg17[%broadcast_in_dim3A_95, %all_reduce_ffs3A, %add3A_148], %gather3A_145 : memref<8x16x128xf32, #tpu.memory_space<vmem>>[vector<16xi32>, vector<16xi32>, vector<16xi32>], vector<16xf32>,
          %add3A_149 = arith.constant 16 : i32
          %add3A_150 = vector.broadcast %add3A_149 : i32 to vector<16xi32>
          %add3A_151 = arith.addi %add3A_150, %iota3A : vector<16xi32>
          %gather3A_152 = tpu.vector_load_idx %arg16[%add3A_151, %gather3A_141] : memref<64x512xf32, #tpu.memory_space<vmem>>[vector<16xi32>, vector<16xi32>], vector<16xf32>,
          %add3A_153 = arith.constant 16 : i32
          %add3A_154 = vector.broadcast %add3A_153 : i32 to vector<16xi32>
          %add3A_155 = arith.addi %add3A_154, %iota3A : vector<16xi32>
          tpu.vector_store_idx %arg17[%broadcast_in_dim3A_95, %all_reduce_ffs3A, %add3A_155], %gather3A_152 : memref<8x16x128xf32, #tpu.memory_space<vmem>>[vector<16xi32>, vector<16xi32>, vector<16xi32>], vector<16xf32>,
          %add3A_156 = arith.constant 32 : i32
          %add3A_157 = vector.broadcast %add3A_156 : i32 to vector<16xi32>
          %add3A_158 = arith.addi %add3A_157, %iota3A : vector<16xi32>
          %gather3A_159 = tpu.vector_load_idx %arg16[%add3A_158, %gather3A_141] : memref<64x512xf32, #tpu.memory_space<vmem>>[vector<16xi32>, vector<16xi32>], vector<16xf32>,
          %add3A_160 = arith.constant 32 : i32
          %add3A_161 = vector.broadcast %add3A_160 : i32 to vector<16xi32>
          %add3A_162 = arith.addi %add3A_161, %iota3A : vector<16xi32>
          tpu.vector_store_idx %arg17[%broadcast_in_dim3A_95, %all_reduce_ffs3A, %add3A_162], %gather3A_159 : memref<8x16x128xf32, #tpu.memory_space<vmem>>[vector<16xi32>, vector<16xi32>, vector<16xi32>], vector<16xf32>,
          %add3A_163 = arith.constant 48 : i32
          %add3A_164 = vector.broadcast %add3A_163 : i32 to vector<16xi32>
          %add3A_165 = arith.addi %add3A_164, %iota3A : vector<16xi32>
          %gather3A_166 = tpu.vector_load_idx %arg16[%add3A_165, %gather3A_141] : memref<64x512xf32, #tpu.memory_space<vmem>>[vector<16xi32>, vector<16xi32>], vector<16xf32>,
          %add3A_167 = arith.constant 48 : i32
          %add3A_168 = vector.broadcast %add3A_167 : i32 to vector<16xi32>
          %add3A_169 = arith.addi %add3A_168, %iota3A : vector<16xi32>
          tpu.vector_store_idx %arg17[%broadcast_in_dim3A_95, %all_reduce_ffs3A, %add3A_169], %gather3A_166 : memref<8x16x128xf32, #tpu.memory_space<vmem>>[vector<16xi32>, vector<16xi32>, vector<16xi32>], vector<16xf32>,
          %ne3A_170 = arith.cmpi ne, %iota3A, %all_reduce_ffs3A : vector<16xi32>
          %and3A_171 = arith.andi %while3A_139, %ne3A_170 : vector<16xi1>
          scf.yield %and3A_171 : vector<16xi1>
        }
        %convert_element_type3A_113 = arith.extui %gt3A_89 : i1 to i32
        %cond3A_114 = arith.constant 0 : i32
        %cond3A_115 = arith.cmpi ne, %convert_element_type3A_113, %cond3A_114 : i32
        scf.if %cond3A_115 {
          %dma_start3A = arith.constant 0 : i32
          %dma_start3A_138 = arith.constant 0 : i32
          %dma_start3A_139 = tpu.memref_slice %arg17[%while3A_72, %dma_start3A, %dma_start3A_138] : memref<8x16x128xf32, #tpu.memory_space<vmem>> -> memref<1x16x128xf32, #tpu.memory_space<vmem>>
          %dma_start3A_140 = tpu.memref_squeeze %dma_start3A_139 : memref<1x16x128xf32, #tpu.memory_space<vmem>> -> memref<16x128xf32, #tpu.memory_space<vmem>>
          %dma_start3A_141 = arith.constant 0 : i32
          %dma_start3A_142 = tpu.memref_slice %arg18[%while3A_72, %dma_start3A_141] : memref<8x16xi32, #tpu.memory_space<vmem>> -> memref<1x16xi32, #tpu.memory_space<vmem>>
          %dma_start3A_143 = tpu.memref_squeeze %dma_start3A_142 : memref<1x16xi32, #tpu.memory_space<vmem>> -> memref<16xi32, #tpu.memory_space<vmem>>
          %dma_start3A_144 = arith.constant 0 : i32
          %dma_start3A_145 = arith.constant 0 : i32
          %dma_start3A_146 = tpu.memref_slice %arg9[%dma_start3A_144, %dma_start3A_145] : memref<16400x128xf32, #tpu.memory_space<hbm>> -> memref<16400x128xf32, #tpu.memory_space<hbm>>
          tpu.enqueue_indirect_dma source(%dma_start3A_140 : memref<16x128xf32, #tpu.memory_space<vmem>>) target(%dma_start3A_146 : memref<16400x128xf32, #tpu.memory_space<hbm>>) offsets(%dma_start3A_143 : memref<16xi32, #tpu.memory_space<vmem>>) semaphore(%arg19 : memref<!tpu.dma_semaphore, #tpu.memory_space<semaphore_mem>>)
        } else {
        }
        %add3A_116 = arith.constant 1 : i32
        %add3A_117 = arith.addi %while3A_72, %add3A_116 : i32
        %jit3A_118 = arith.constant 8 : i32
        %eq3A_119 = arith.constant 0 : i32
        %eq3A_120 = arith.cmpi eq, %jit3A_118, %eq3A_119 : i32
        %jit3A_121 = arith.constant 1 : i32
        %select_n3A_122 = arith.select %eq3A_120, %jit3A_121, %jit3A_118 : i32
        %rem3A_123 = arith.remsi %add3A_117, %select_n3A_122 : i32
        %ne3A_124 = arith.constant 0 : i32
        %ne3A_125 = arith.cmpi ne, %rem3A_123, %ne3A_124 : i32
        %lt3A = arith.constant 0 : i32
        %lt3A_126 = arith.cmpi slt, %rem3A_123, %lt3A : i32
        %lt3A_127 = arith.constant 0 : i32
        %lt3A_128 = arith.cmpi slt, %select_n3A_122, %lt3A_127 : i32
        %ne3A_129 = arith.xori %lt3A_126, %lt3A_128 : i1
        %and3A_130 = arith.andi %ne3A_129, %ne3A_125 : i1
        %add3A_131 = arith.addi %rem3A_123, %select_n3A_122 : i32
        %select_n3A_132 = arith.select %and3A_130, %add3A_131, %rem3A_123 : i32
        %select_n3A_133 = arith.select %gt3A_89, %select_n3A_132, %while3A_72 : i32
        %add3A_134 = arith.constant 1 : i32
        %add3A_135 = arith.addi %while3A_73, %add3A_134 : i32
        %min3A = arith.constant 8 : i32
        %min3A_136 = arith.minsi %add3A_135, %min3A : i32
        %select_n3A_137 = arith.select %gt3A_89, %min3A_136, %while3A_73 : i32
        scf.yield %select_n3A_133, %select_n3A_137 : i32, i32
      }
      scf.yield %while3A_70#0, %while3A_70#1 : i32, i32
    } else {
      scf.yield %scan3A_28#0, %scan3A_28#1 : i32, i32
    }
    %scan3A_36 = arith.constant 0 : i32
    %scan3A_37 = arith.constant 8 : i32
    %scan3A_38 = arith.addi %scan3A_36, %scan3A_37 : i32
    %scan3A_39 = arith.constant 1 : i32
    %scan3A_40 = scf.for %scan3A_42 = %scan3A_36 to %scan3A_38 step %scan3A_39 iter_args(%scan3A_43 = %cond3A_35#1) -> (i32)  : i32 {
      %gt3A = arith.constant 0 : i32
      %gt3A_44 = arith.cmpi sgt, %scan3A_43, %gt3A : i32
      %convert_element_type3A_45 = arith.extui %gt3A_44 : i1 to i32
      %cond3A_46 = arith.constant 0 : i32
      %cond3A_47 = arith.cmpi ne, %convert_element_type3A_45, %cond3A_46 : i32
      scf.if %cond3A_47 {
        %dma_wait3A = arith.constant 0 : i32
        %dma_wait3A_50 = arith.constant 0 : i32
        %dma_wait3A_51 = arith.constant 0 : i32
        %dma_wait3A_52 = tpu.memref_slice %arg17[%dma_wait3A, %dma_wait3A_50, %dma_wait3A_51] : memref<8x16x128xf32, #tpu.memory_space<vmem>> -> memref<1x16x128xf32, #tpu.memory_space<vmem>>
        %dma_wait3A_53 = tpu.memref_squeeze %dma_wait3A_52 : memref<1x16x128xf32, #tpu.memory_space<vmem>> -> memref<16x128xf32, #tpu.memory_space<vmem>>
        %dma_wait3A_54 = arith.constant 0 : i32
        %dma_wait3A_55 = arith.constant 0 : i32
        %dma_wait3A_56 = tpu.memref_slice %arg8[%dma_wait3A_54, %dma_wait3A_55] : memref<16400x128xf32, #tpu.memory_space<hbm>> -> memref<16x128xf32, #tpu.memory_space<hbm>>
        %dma_wait3A_57 = arith.constant 0 : i32
        %dma_wait3A_58 = arith.constant 0 : i32
        %dma_wait3A_59 = tpu.memref_slice %arg17[%dma_wait3A, %dma_wait3A_57, %dma_wait3A_58] : memref<8x16x128xf32, #tpu.memory_space<vmem>> -> memref<1x16x128xf32, #tpu.memory_space<vmem>>
        %dma_wait3A_60 = tpu.memref_squeeze %dma_wait3A_59 : memref<1x16x128xf32, #tpu.memory_space<vmem>> -> memref<16x128xf32, #tpu.memory_space<vmem>>
        %dma_wait3A_61 = arith.constant 0 : i32
        %dma_wait3A_62 = arith.constant 0 : i32
        %dma_wait3A_63 = tpu.memref_slice %arg8[%dma_wait3A_61, %dma_wait3A_62] : memref<16400x128xf32, #tpu.memory_space<hbm>> -> memref<16x128xf32, #tpu.memory_space<hbm>>
        tpu.wait_dma2 semaphore(%arg19 : memref<!tpu.dma_semaphore, #tpu.memory_space<semaphore_mem>>) src(%dma_wait3A_63 : memref<16x128xf32, #tpu.memory_space<hbm>>) dst(%dma_wait3A_60 : memref<16x128xf32, #tpu.memory_space<vmem>>)
      } else {
      }
      %sub3A = arith.constant 1 : i32
      %sub3A_48 = arith.subi %scan3A_43, %sub3A : i32
      %max3A = arith.constant 0 : i32
      %max3A_49 = arith.maxsi %sub3A_48, %max3A : i32
      scf.yield %max3A_49 : i32
    }
    %scan3A_41 = arith.constant 8 : i32
    return
  }
}

module attributes {stable_mosaic.version = 14 : i64} {
  func.func @_tc_body(%arg0: i32, %arg1: memref<1024x128xf32, #tpu.memory_space<vmem>>, %arg2: memref<1024x128xf32, #tpu.memory_space<vmem>>, %arg3: memref<1x128xf32, #tpu.memory_space<vmem>>, %arg4: memref<1x128xf32, #tpu.memory_space<vmem>>, %arg5: memref<128x64xf32, #tpu.memory_space<vmem>>, %arg6: memref<1x64xf32, #tpu.memory_space<vmem>>, %arg7: memref<1024x64xf32, #tpu.memory_space<vmem>>) attributes {dimension_semantics = [#tpu.dimension_semantics<arbitrary>], iteration_bounds = array<i64: 16>, scalar_prefetch = 0 : i64, scratch_operands = 0 : i64, tpu.core_type = #tpu.core_type<tc>, window_params = [{transform_indices = @transform_0, window_bounds = array<i64: 1024, 128>}, {transform_indices = @transform_1, window_bounds = array<i64: 1024, 128>}, {pipeline_mode = #tpu.pipeline_mode<synchronous>, transform_indices = @transform_2, window_bounds = array<i64: 1, 128>}, {pipeline_mode = #tpu.pipeline_mode<synchronous>, transform_indices = @transform_3, window_bounds = array<i64: 1, 128>}, {pipeline_mode = #tpu.pipeline_mode<synchronous>, transform_indices = @transform_4, window_bounds = array<i64: 128, 64>}, {pipeline_mode = #tpu.pipeline_mode<synchronous>, transform_indices = @transform_5, window_bounds = array<i64: 1, 64>}, {transform_indices = @transform_6, window_bounds = array<i64: 1024, 64>}]} {
    %get3A = arith.constant 0 : index
    %get3A_0 = arith.constant 0 : index
    %get3A_1 = vector.load %arg1[%get3A, %get3A_0] : memref<1024x128xf32, #tpu.memory_space<vmem>>, vector<1024x128xf32>
    %slice3A = vector.extract_strided_slice %get3A_1 {offsets = [0, 0], sizes = [1024, 64], strides = [1, 1]} : vector<1024x128xf32> to vector<1024x64xf32>
    %get3A_2 = arith.constant 0 : index
    %get3A_3 = arith.constant 0 : index
    %get3A_4 = vector.load %arg2[%get3A_2, %get3A_3] : memref<1024x128xf32, #tpu.memory_space<vmem>>, vector<1024x128xf32>
    %slice3A_5 = vector.extract_strided_slice %get3A_4 {offsets = [0, 0], sizes = [1024, 64], strides = [1, 1]} : vector<1024x128xf32> to vector<1024x64xf32>
    %concatenate3A = tpu.concatenate %slice3A, %slice3A_5 in 1 : vector<1024x64xf32>, vector<1024x64xf32> -> vector<1024x128xf32>
    %reduce_sum3A = arith.constant dense<0.000000e+00> : vector<1024xf32>
    %reduce_sum3A_6 = vector.multi_reduction <add>, %concatenate3A, %reduce_sum3A [1] : vector<1024x128xf32> to vector<1024xf32>
    %broadcast_in_dim3A = vector.shape_cast %reduce_sum3A_6 : vector<1024xf32> to vector<1024x1xf32>
    %div3A = arith.constant 1.280000e+02 : f32
    %div3A_7 = vector.broadcast %div3A : f32 to vector<1024x1xf32>
    %div3A_8 = arith.divf %broadcast_in_dim3A, %div3A_7 : vector<1024x1xf32>
    %sub3A = vector.broadcast %div3A_8 : vector<1024x1xf32> to vector<1024x128xf32>
    %sub3A_9 = arith.subf %concatenate3A, %sub3A : vector<1024x128xf32>
    %square3A = arith.mulf %sub3A_9, %sub3A_9 : vector<1024x128xf32>
    %reduce_sum3A_10 = arith.constant dense<0.000000e+00> : vector<1024xf32>
    %reduce_sum3A_11 = vector.multi_reduction <add>, %square3A, %reduce_sum3A_10 [1] : vector<1024x128xf32> to vector<1024xf32>
    %broadcast_in_dim3A_12 = vector.shape_cast %reduce_sum3A_11 : vector<1024xf32> to vector<1024x1xf32>
    %div3A_13 = arith.constant 1.280000e+02 : f32
    %div3A_14 = vector.broadcast %div3A_13 : f32 to vector<1024x1xf32>
    %div3A_15 = arith.divf %broadcast_in_dim3A_12, %div3A_14 : vector<1024x1xf32>
    %sub3A_16 = vector.broadcast %div3A_8 : vector<1024x1xf32> to vector<1024x128xf32>
    %sub3A_17 = arith.subf %concatenate3A, %sub3A_16 : vector<1024x128xf32>
    %add3A = arith.constant 9.99999974E-6 : f32
    %add3A_18 = vector.broadcast %add3A : f32 to vector<1024x1xf32>
    %add3A_19 = arith.addf %div3A_15, %add3A_18 : vector<1024x1xf32>
    %rsqrt3A = math.rsqrt %add3A_19 : vector<1024x1xf32>
    %mul3A = vector.broadcast %rsqrt3A : vector<1024x1xf32> to vector<1024x128xf32>
    %mul3A_20 = arith.mulf %sub3A_17, %mul3A : vector<1024x128xf32>
    %get3A_21 = arith.constant 0 : index
    %get3A_22 = arith.constant 0 : index
    %get3A_23 = vector.load %arg3[%get3A_21, %get3A_22] : memref<1x128xf32, #tpu.memory_space<vmem>>, vector<1x128xf32>
    %mul3A_24 = vector.broadcast %get3A_23 : vector<1x128xf32> to vector<1024x128xf32>
    %mul3A_25 = arith.mulf %mul3A_20, %mul3A_24 : vector<1024x128xf32>
    %get3A_26 = arith.constant 0 : index
    %get3A_27 = arith.constant 0 : index
    %get3A_28 = vector.load %arg4[%get3A_26, %get3A_27] : memref<1x128xf32, #tpu.memory_space<vmem>>, vector<1x128xf32>
    %add3A_29 = vector.broadcast %get3A_28 : vector<1x128xf32> to vector<1024x128xf32>
    %add3A_30 = arith.addf %mul3A_25, %add3A_29 : vector<1024x128xf32>
    %get3A_31 = arith.constant 0 : index
    %get3A_32 = arith.constant 0 : index
    %get3A_33 = vector.load %arg5[%get3A_31, %get3A_32] : memref<128x64xf32, #tpu.memory_space<vmem>>, vector<128x64xf32>
    %dot_general3A = arith.constant dense<0.000000e+00> : vector<1024x64xf32>
    %dot_general3A_34 = tpu.matmul %add3A_30, %get3A_33, %dot_general3A {dimension_numbers = #tpu.dot_dimension_numbers<[1], [0], [0], [1], [0, 0, 1, 1], [], []>, transpose_lhs_hint = false} : vector<1024x128xf32>, vector<128x64xf32>, vector<1024x64xf32> -> vector<1024x64xf32>
    %get3A_35 = arith.constant 0 : index
    %get3A_36 = arith.constant 0 : index
    %get3A_37 = vector.load %arg6[%get3A_35, %get3A_36] : memref<1x64xf32, #tpu.memory_space<vmem>>, vector<1x64xf32>
    %add3A_38 = vector.broadcast %get3A_37 : vector<1x64xf32> to vector<1024x64xf32>
    %add3A_39 = arith.addf %dot_general3A_34, %add3A_38 : vector<1024x64xf32>
    %swap3A = arith.constant 0 : index
    %swap3A_40 = arith.constant 0 : index
    %swap3A_41 = vector.load %arg7[%swap3A, %swap3A_40] : memref<1024x64xf32, #tpu.memory_space<vmem>>, vector<1024x64xf32>
    tpu.vector_store %arg7[%swap3A, %swap3A_40], %add3A_39 {strides = array<i32>} : memref<1024x64xf32, #tpu.memory_space<vmem>>, vector<1024x64xf32>,
    return
  }
  func.func @transform_0(%arg0: i32) -> (i32, i32) {
    %c0_i32 = arith.constant 0 : i32
    %c0_i32_0 = arith.constant 0 : i32
    return %arg0, %c0_i32 : i32, i32
  }
  func.func @transform_1(%arg0: i32) -> (i32, i32) {
    %c0_i32 = arith.constant 0 : i32
    %c0_i32_0 = arith.constant 0 : i32
    return %arg0, %c0_i32 : i32, i32
  }
  func.func @transform_2(%arg0: i32) -> (i32, i32) {
    %c0_i32 = arith.constant 0 : i32
    %c0_i32_0 = arith.constant 0 : i32
    %c0_i32_1 = arith.constant 0 : i32
    return %c0_i32, %c0_i32_0 : i32, i32
  }
  func.func @transform_3(%arg0: i32) -> (i32, i32) {
    %c0_i32 = arith.constant 0 : i32
    %c0_i32_0 = arith.constant 0 : i32
    %c0_i32_1 = arith.constant 0 : i32
    return %c0_i32, %c0_i32_0 : i32, i32
  }
  func.func @transform_4(%arg0: i32) -> (i32, i32) {
    %c0_i32 = arith.constant 0 : i32
    %c0_i32_0 = arith.constant 0 : i32
    %c0_i32_1 = arith.constant 0 : i32
    return %c0_i32, %c0_i32_0 : i32, i32
  }
  func.func @transform_5(%arg0: i32) -> (i32, i32) {
    %c0_i32 = arith.constant 0 : i32
    %c0_i32_0 = arith.constant 0 : i32
    %c0_i32_1 = arith.constant 0 : i32
    return %c0_i32, %c0_i32_0 : i32, i32
  }
  func.func @transform_6(%arg0: i32) -> (i32, i32) {
    %c0_i32 = arith.constant 0 : i32
    %c0_i32_0 = arith.constant 0 : i32
    return %arg0, %c0_i32 : i32, i32
  }
}

</mosaic_0001>

<sc_bundles>
// kernel: kernel.4.cloned.1.call-start
scs
__scs_entry_jumppad:
0x0: {  	(pc) =	sbr.rel $0x88, $3  }
0x1: {  	(tag) =	ssettag $0x0;
	lr =	simm.s32 $0x1  }
0x2: {  	[smem:$0x3F99] =	sst lr;
	_ =	strace $0xD0000000  }
0x3: {  	_ = 	snop  }
0x4: {  	_ = 	snop  }
0x5: {  	_ = 	snop  }
0x6: {  	_ = 	snop  }
0x7: {  	_ = 	snop  }
__scs_overlays_trampoline_lowered:
0x8: {  	[smem:$0x3FA8] =	sst s0  }
0x9: {  	[smem:$0x3FA9] =	sst s1  }
0xa: {  	[smem:$0x3FAA] =	sst s2  }
0xb: {  	[smem:$0x3FAB] =	sst s3  }
0xc: {  	[smem:$0x3FAC] =	sst s4  }
0xd: {  	[smem:$0x3FAD] =	sst s5  }
0xe: {  	[smem:$0x3FAE] =	sst s6  }
0xf: {  	[smem:$0x3FAF] =	sst s7  }
0x10: {  	[smem:$0x3FB0] =	sst s8  }
0x11: {  	[smem:$0x3FB1] =	sst s9;
	s0 =	simm.s32 @!p0 $0x0  }
0x12: {  	s1 =	sld [smem:$0x3F97];
	s0 =	simm.s32 @p0 $0x1  }
0x13: {  	[smem:$0x3FB2] =	sst s0;
	s0 =	simm.s32 @!p1 $0x0  }
0x14: {  	s2 =	sld [smem:$0x3F96];
	s0 =	simm.s32 @p1 $0x1  }
0x15: {  	[smem:$0x3FB3] =	sst s0;
	s0 =	simm.s32 @!p2 $0x0  }
0x16: {  	s3 =	sld [smem:$0x3FDB];
	s0 =	simm.s32 @p2 $0x1  }
0x17: {  	s4 =	simm.s32 $0x1BF5;
	[smem:$0x3FB5] =	sst s0  }
0x18: {  	s0 =	sld [smem:$0x3F98];
	_ =	swait.ge [sflag:s4], $0x0  }
0x19: {  	s7 =	sld [smem:$0x3F99]  }
0x1a: {  	s8 =	sadd.s32 $0xFFFFE003, lr  }
0x1b: {  	s9 =	sadd.s32 $0xFFFFFEF7, lr;
	s5 =	simm.s32 $0xFFFFFFFF;
	p2 =	slt.u32 s8, $0xFFFFF086  }
0x1c: {  	p1 =	slt.u32 s9, $0xF7A;
	s5 =	simm.s32 @!p2 $0x0  }
0x1d: {  	s5 =	simm.s32 @p1 $0x1;
	p0 =	seq.s32 s7, s2  }
0x1e: {  	s7 =	smul.u32 @!p0 $0xF7A, s2;
	p2 =	seq.s32 @!p0 s5, $0x0  }
0x1f: {  	s9 =	smul.u32 $0xF7A, s1;
	s8 =	simm.s32 @!p0 $0x1BF5;
	p2 =	por !p2, p0  }
0x20: {  	[sflag:s8] =	ssyncset.s32 @!p0 $0xFFFFF086;
	s6 =	sadd.s32 @!p0 s3, s7;
	s7 =	simm.s32 @!p0 $0x108  }
0x21: {  	s3 =	sadd.s32 s3, s9;
	s6 =	sadd.s32 @!p0 $0x88, s6;
	s7 =	simm.s32 @p2 $0x1082  }
0x22: {  	[simem:s7], [sflag:s8] =	dma.local @!p0 [hbm:s6], $0xF7A  }
0x23: {  	s9 =	sor.u32 $0xD0000000, s2;
	s6 =	simm.s32 $0x108;
	_ =	swait.ge @!p0 [sflag:s8], $0x0  }
0x24: {  	s3 =	sadd.s32 $0x88, s3;
	s6 =	simm.s32 @!p1 $0x1082;
	[sflag:s4] =	ssyncset.s32 $0xFFFFF086  }
0x25: {  	[simem:s6], [sflag:s4] =	dma.local [hbm:s3], $0xF7A  }
0x26: {  	[smem:$0x3F99] =	sst s1;
	(tag) =	ssettag s2;
	_ =	strace s9  }
0x27: {  	s1 =	sld [smem:$0x3FA9]  }
0x28: {  	s2 =	sld [smem:$0x3FAA]  }
0x29: {  	s4 =	sld [smem:$0x3FAC]  }
0x2a: {  	p0 =	seq.s32 s5, $0x0;
	s5 =	sld [smem:$0x3FAD]  }
0x2b: {  	s6 =	sld [smem:$0x3FAE]  }
0x2c: {  	s7 =	sld [smem:$0x3FAF]  }
0x2d: {  	s3 =	simm.s32 $0x108;
	s8 =	sld [smem:$0x3FB0]  }
0x2e: {  	s3 =	simm.s32 @!p0 $0x1082;
	s9 =	sld [smem:$0x3FB1]  }
0x2f: {  	lr =	sadd.s32 s0, s3;
	s0 =	sld [smem:$0x3FA8]  }
0x30: {  	s3 =	sld [smem:$0x3FAB]  }
0x31: {  	[smem:$0x3FB4] =	sst s10  }
0x32: {  	s10 =	sld [smem:$0x3FB2];
	_ =	sdelay $0x3  }
0x33: {  	p0 =	seq.s32 s10, $0x1;
	s10 =	sld [smem:$0x3FB4];
	_ =	sdelay $0x3  }
0x34: {  	[smem:$0x3FB4] =	sst s10  }
0x35: {  	s10 =	sld [smem:$0x3FB3];
	_ =	sdelay $0x3  }
0x36: {  	p1 =	seq.s32 s10, $0x1;
	s10 =	sld [smem:$0x3FB4];
	_ =	sdelay $0x3  }
0x37: {  	[smem:$0x3FB4] =	sst s10  }
0x38: {  	s10 =	sld [smem:$0x3FB5]  }
0x39: {  	_ = 	snop;
	(pc) =	sbr.ind lr, $3  }
0x3a: {  	_ = 	snop  }
0x3b: {  	_ = 	snop  }
0x3c: {  	p2 =	seq.s32 s10, $0x1;
	s10 =	sld [smem:$0x3FB4]  }
0x3d: {  	_ =	shalt  }
0x3e: {  	_ =	shalt  }
0x3f: {  	_ =	shalt  }
0x40: {  	_ =	shalt  }
0x41: {  	_ =	shalt  }
0x42: {  	_ =	shalt  }
0x43: {  	_ =	shalt  }
0x44: {  	_ =	shalt  }
0x45: {  	_ =	shalt  }
0x46: {  	_ =	shalt  }
0x47: {  	_ =	shalt  }
0x48: {  	_ =	shalt  }
0x49: {  	_ =	shalt  }
0x4a: {  	_ =	shalt  }
0x4b: {  	_ =	shalt  }
0x4c: {  	_ =	shalt  }
0x4d: {  	_ =	shalt  }
0x4e: {  	_ =	shalt  }
0x4f: {  	_ =	shalt  }
0x50: {  	_ =	shalt  }
0x51: {  	_ =	shalt  }
0x52: {  	_ =	shalt  }
0x53: {  	_ =	shalt  }
0x54: {  	_ =	shalt  }
0x55: {  	_ =	shalt  }
0x56: {  	_ =	shalt  }
0x57: {  	_ =	shalt  }
0x58: {  	_ =	shalt  }
0x59: {  	_ =	shalt  }
0x5a: {  	_ =	shalt  }
0x5b: {  	_ =	shalt  }
0x5c: {  	_ =	shalt  }
0x5d: {  	_ =	shalt  }
0x5e: {  	_ =	shalt  }
0x5f: {  	_ =	shalt  }
0x60: {  	_ =	shalt  }
0x61: {  	_ =	shalt  }
0x62: {  	_ =	shalt  }
0x63: {  	_ =	shalt  }
0x64: {  	_ =	shalt  }
0x65: {  	_ =	shalt  }
0x66: {  	_ =	shalt  }
0x67: {  	_ =	shalt  }
0x68: {  	_ =	shalt  }
0x69: {  	_ =	shalt  }
0x6a: {  	_ =	shalt  }
0x6b: {  	_ =	shalt  }
0x6c: {  	_ =	shalt  }
0x6d: {  	_ =	shalt  }
0x6e: {  	_ =	shalt  }
0x6f: {  	_ =	shalt  }
0x70: {  	_ =	shalt  }
0x71: {  	_ =	shalt  }
0x72: {  	_ =	shalt  }
0x73: {  	_ =	shalt  }
0x74: {  	_ =	shalt  }
0x75: {  	_ =	shalt  }
0x76: {  	_ =	shalt  }
0x77: {  	_ =	shalt  }
0x78: {  	_ =	shalt  }
0x79: {  	_ =	shalt  }
0x7a: {  	_ =	shalt  }
0x7b: {  	_ =	shalt  }
0x7c: {  	_ =	shalt  }
0x7d: {  	_ =	shalt  }
0x7e: {  	_ =	shalt  }
0x7f: {  	_ =	shalt  }
0x80: {  	_ =	shalt  }
0x81: {  	_ =	shalt  }
0x82: {  	_ =	shalt  }
0x83: {  	_ =	shalt  }
0x84: {  	_ =	shalt  }
0x85: {  	_ =	shalt  }
0x86: {  	_ =	shalt  }
0x87: {  	_ =	shalt  }
.Lfunc_end0:
.L_simem_size_0:
called_computation_lowered:
.L_overlay_start_0:
0x88: {  	s2 =	sld [smem:$0x3FD9]  }
0x89: {  	s3 =	sld [smem:$0x3FFE];
	_ =	sdelay $0x1  }
0x8a: {  	s1 =	srdreg.scid  }
0x8b: {  	s0 =	sand.u32 $0x1, s1  }
0x8c: {  	s17 =	sshll.u32 s0, $0xA;
	s2 =	sadd.s32 s3, s2  }
0x8d: {  	s2 =	sadd.s32 s2, s17  }
0x8e: {  	[smem:$0x3FC0] =	sst s2  }
0x8f: {  	_ = 	snop  }
0x90: {  	s2 =	sld [smem:$0x3FC9]  }
0x91: {  	s18 =	sld [smem:$0x3FC8]  }
0x92: {  	s4 =	sld [smem:$0x3FC7]  }
0x93: {  	s5 =	sld [smem:$0x3FC6]  }
0x94: {  	s6 =	sld [smem:$0x3FD0];
	(tm) =	ssettm $0x1  }
0x95: {  	s7 =	sld [smem:$0x3FFB];
	_ =	sdelay $0x3  }
0x96: {  	_ =	strace s7  }
0x97: {  	s7 =	sld [smem:$0x3FFC];
	_ =	sdelay $0x3  }
0x98: {  	_ =	strace s7  }
0x99: {  	s7 =	sld [smem:$0x3FFD];
	_ =	sdelay $0x3  }
0x9a: {  	_ =	strace s7  }
0x9b: {  	_ =	strace $0x8FFFFFFF  }
0x9c: {  	s19 =	sld [smem:$0x3FDB];
	_ =	sdelay $0x1  }
0x9d: {  	s8 =	simm.s32 $_scs_section_size  }
0x9e: {  	s9 =	simm.s32 $_size__tile_overlayer_lowered;
	s10 =	simm.s32 $_tile_overlayer_lowered  }
0x9f: {  	s22 =	simm.s32 $0x1BFF;
	s21 =	sshll.u32 s10, $0x1;
	s7 =	sadd.s32 s8, s19  }
0xa0: {  	s11 =	simm.s32 $0x0;
	s20 =	sshll.u32 s9, $0x1;
	s9 =	sadd.s32 s21, s7  }
0xa1: {  	[timem:s11], [sflag:s22] =	dma.local [hbm:s9], s20  }
0xa2: {  	_ =	swait.ge [sflag:s22], s20  }
0xa3: {  	s8 =	ssub.s32 $0x0, s20;
	[sflag:s22] =	ssyncset.done $0x0  }
0xa4: {  	[sflag:s22] =	ssyncadd.s32 s8;
	_ =	sdelay $0x1  }
0xa5: {  	s23 =	simm.s32 $0x1B8B  }
0xa6: {  	_ =	swait.ge [sflag:s23], $0x1  }
0xa7: {  	[sflag:s23] =	ssyncset.done $0x0  }
0xa8: {  	s25 =	simm.s32 $0x1B8E;
	s24 =	sld [smem:$0x3FFE];
	[sflag:s23] =	ssyncadd.s32 $0xFFFFFFFF  }
0xa9: {  	s26 =	simm.s32 $execute0_lowered;
	[smem:$0x3FD2] =	sst s25  }
0xaa: {  	s9 =	sshll.u32 s26, $0x1;
	_ =	strace $0x80000046;
	[dreg:$0x1] =	wrdreg $0xFFFFFFFF  }
0xab: {  	s28 =	simm.s32 $_size_execute0_lowered;
	s7 =	sadd.s32 s7, s9;
	[dreg:$0x0] =	wrdreg $0x0  }
0xac: {  	s9 =	sshll.u32 s28, $0x1;
	[dreg:$0x2] =	wrdreg s7  }
0xad: {  	[dreg:$0x3] =	wrdreg s9  }
0xae: {  	[dreg:$0x4] =	wrdreg $0xC0  }
0xaf: {  	_ =	task [dreg:s11], $0x5FFFF  }
0xb0: {  	[dreg:$0x1] =	wrdreg $0xFFFFFFFF  }
0xb1: {  	[dreg:$0x0] =	wrdreg $0x60  }
0xb2: {  	[dreg:$0x2] =	wrdreg s2  }
0xb3: {  	[dreg:$0x3] =	wrdreg s18  }
0xb4: {  	[dreg:$0x4] =	wrdreg s4  }
0xb5: {  	[dreg:$0x5] =	wrdreg s5  }
0xb6: {  	[dreg:$0x6] =	wrdreg s6  }
0xb7: {  	[dreg:$0x7] =	wrdreg s24  }
0xb8: {  	[dreg:$0x8] =	wrdreg $0x9  }
0xb9: {  	_ =	task.clear_ibuf [dreg:s11], $0x9FFFF;
	_ =	strace $0x90000046  }
0xba: {  	s29 =	simm.s32 $0x9;
	_ =	strace $0x80000048  }
0xbb: {  	_ =	swait.ge [sflag:s29], $0x1  }
0xbc: {  	[sflag:s29] =	ssyncadd.s32 $0xFFFFFFFF  }
0xbd: {  	_ =	strace $0x90000048  }
0xbe: {  	_ =	sfence  }
0xbf: {  	s30 =	sld [smem:$0x0];
	_ =	sdelay $0x2  }
0xc0: {  	s31 =	sshll.u32 s1, $0xD;
	s1 =	sshrl.u32 s1, $0x2  }
0xc1: {  	s3 =	sand.u32 $0x4000, s31;
	s1 =	sadd.s32 s1, s30  }
0xc2: {  	s0 =	sor.u32 s3, s0;
	s1 =	sshll.u32 s1, $0x11  }
0xc3: {  	s0 =	sor.u32 s1, s0  }
0xc4: {  	s0 =	sadd.s32 $0x8F2B, s0  }
0xc5: {  	[sflag:s0] =	ssyncadd.remote.s32 $0x1  }
0xc6: {  	_ =	sfence.sel $0xFFFF  }
0xc7: {  	[dreg:$0x0] =	wrdreg $0xFFFFFFFF;
	(pc) =	sbr.abs _section_cstart, $3  }
0xc8: {  	[dreg:$0x1] =	wrdreg $0xFFFFFFFF  }
0xc9: {  	_ =	task.clear_ibuf [dreg:s11], $0x2FFFF;
	_ =	strace $0x9FFFFFFF  }
0xca: {  	(tm) =	ssettm $0x7FFFFFFF  }
0xcb: {  	_ =	shalt  }
tec
execute0_lowered:
.L_overlay_start_1:
0x0: {  	(tag) =	ssettag $0x1  }
0x1: {  	v0 =	vimm.s32 $0x1380;
	vm14 =	vcmask $0x300;
	vm13 =	vcmask $0x704  }
0x2: {  	vm12 =	vcmask $0xB08;
	vm11 =	vcmask $0xF0C;
	vm10 =	vcmask $0x1310  }
0x3: {  	vm9 =	vcmask $0x1714;
	vm8 =	vcmask $0x1B18;
	vm7 =	vcmask $0x1F1C  }
0x4: {  	vm6 =	vcmask $0x2320;
	vm5 =	vcmask $0x2724;
	vm4 =	vcmask $0x2B28  }
0x5: {  	vm3 =	vcmask $0x2F2C;
	vm2 =	vcmask $0x3330;
	vm0 =	vcmask $0x3734  }
0x6: {  	vm1 =	vcmask $0x3B38;
	v6 =	vimm.s32 $0x3380;
	v7 =	vimm.s32 $0x5380  }
0x7: {  	v8 =	vimm.s32 $0x7380;
	v0 =	vsel vm14, $0x0, v0;
	v6 =	vsel vm14, $0x2000, v6  }
0x8: {  	v7 =	vsel vm14, $0x4000, v7;
	v8 =	vsel vm14, $0x6000, v8;
	v0 =	vsel vm13, $0x80, v0  }
0x9: {  	v6 =	vsel vm13, $0x2080, v6;
	v7 =	vsel vm13, $0x4080, v7;
	v8 =	vsel vm13, $0x6080, v8  }
0xa: {  	v0 =	vsel vm12, $0x100, v0;
	v6 =	vsel vm12, $0x2100, v6;
	v7 =	vsel vm12, $0x4100, v7  }
0xb: {  	v8 =	vsel vm12, $0x6100, v8;
	v0 =	vsel vm11, $0x180, v0;
	v6 =	vsel vm11, $0x2180, v6  }
0xc: {  	v7 =	vsel vm11, $0x4180, v7;
	v8 =	vsel vm11, $0x6180, v8;
	v0 =	vsel vm10, $0x200, v0  }
0xd: {  	v6 =	vsel vm10, $0x2200, v6;
	v7 =	vsel vm10, $0x4200, v7;
	v8 =	vsel vm10, $0x6200, v8  }
0xe: {  	s1 =	srdreg.scid;
	s0 =	stileid.u32;
	v0 =	vsel vm9, $0x280, v0;
	v6 =	vsel vm9, $0x2280, v6;
	v7 =	vsel vm9, $0x4280, v7  }
0xf: {  	s2 =	rddreg [dreg:$0x0];
	s7 =	sand.u32 $0x1, s1;
	s30 =	sshll.u32 s0, $0x1;
	v8 =	vsel vm9, $0x6280, v8;
	v0 =	vsel vm8, $0x300, v0;
	v6 =	vsel vm8, $0x2300, v6  }
0x10: {  	s3 =	rddreg [dreg:$0x1];
	s1 =	sor.u32 s7, s30;
	v7 =	vsel vm8, $0x4300, v7;
	v8 =	vsel vm8, $0x6300, v8;
	v1 =	vsel vm7, $0x380, v0  }
0x11: {  	s4 =	rddreg [dreg:$0x2];
	v0 =	vmov s1;
	v6 =	vsel vm7, $0x2380, v6;
	v7 =	vsel vm7, $0x4380, v7  }
0x12: {  	s5 =	rddreg [dreg:$0x3];
	v8 =	vsel vm7, $0x6380, v8;
	v2 =	vsel vm6, $0x1000, v1;
	v1 =	vlaneseq.u32  }
0x13: {  	s11 =	rddreg [dreg:$0x5];
	s8 =	simm.s32 $0x0;
	v6 =	vsel vm6, $0x3000, v6;
	v7 =	vsel vm6, $0x5000, v7;
	v8 =	vsel vm6, $0x7000, v8  }
0x14: {  	s13 =	simm.s32 $0x2;
	s14 =	simm.s32 $0x1000;
	s15 =	simm.s32 $0x2000;
	v3 =	vsel vm5, $0x1080, v2;
	v2 =	vimm.s32 $0x0;
	v6 =	vsel vm5, $0x3080, v6  }
0x15: {  	s16 =	simm.s32 $0x6080;
	s17 =	simm.s32 $0xA100;
	s18 =	simm.s32 $0xE180;
	v7 =	vsel vm5, $0x5080, v7;
	v8 =	vsel vm5, $0x7080, v8;
	v11 =	vor.u32 $0x30, v1  }
0x16: {  	s19 =	simm.s32 $0x1;
	s20 =	simm.s32 $0x1E200;
	s21 =	simm.s32 $0x12200;
	v4 =	vsel vm4, $0x1100, v3;
	v3 =	vimm.s32 $0x7FFF0000;
	v6 =	vsel vm4, $0x3100, v6  }
0x17: {  	s22 =	simm.s32 $0x1A200;
	s23 =	simm.s32 $0x10;
	[smem:$0x7FF] =	sst s8;
	v7 =	vsel vm4, $0x5100, v7;
	v8 =	vsel vm4, $0x7100, v8;
	v5 =	vsel vm3, $0x1180, v4  }
0x18: {  	s31 =	sadd.s32 $0x1200, s11;
	s10 =	sadd.s32 $0x2200, s11;
	p0 =	sne.s32 s1, $0x1;
	v4 =	vor.u32 $0x4000, v1;
	v6 =	vsel vm3, $0x3180, v6;
	v7 =	vsel vm3, $0x5180, v7  }
.Ltmp0:
0x19: {  	s7 =	ssub.s32 $0x2, s7;
	s0 =	simm.s32 @!p0 $0x0;
	v8 =	vsel vm3, $0x7180, v8;
	v5 =	vsel vm2, $0x1200, v5;
	v6 =	vsel vm2, $0x3200, v6;
	(pc) =	sbr.rel .LBB2_1-.Ltmp0, $4  }
0x1a: {  	_ =	strace $0x80000047;
	p4 =	sne.s32 s1, $0x3;
	s0 =	simm.s32 @p0 $0x1;
	v7 =	vsel vm2, $0x5200, v7;
	v10 =	vsel vm2, $0x7200, v8;
	v5 =	vsel vm0, $0x1280, v5  }
0x1b: {  	s12 =	sshrl.u32 s7, $0x1;
	[smem:$0x7FC] =	sst s0;
	s0 =	simm.s32 @!p4 $0x0;
	v6 =	vsel vm0, $0x3280, v6;
	v9 =	vsel vm0, $0x5280, v7;
	v7 =	vor.u32 $0x10, v1  }
0x1c: {  	[dreg:$0x7] =	wrdreg s31;
	s7 =	ssub.s32 s7, s12;
	s0 =	simm.s32 @p4 $0x1;
	v10 =	vsel vm0, $0x7280, v10;
	v5 =	vsel vm1, $0x1300, v5;
	v6 =	vsel vm1, $0x3300, v6  }
0x1d: {  	s11 =	sadd.s32 $0x42400, s11;
	s12 =	smax.u32 s7, $0x1;
	[smem:$0x7FD] =	sst s0;
	v8 =	vsel vm1, $0x5300, v9;
	v9 =	vor.u32 $0x20, v1;
	v10 =	vsel vm1, $0x7300, v10  }
.LBB2_69:
0x1e: {  	s8 =	sadd.s32 $0x1, s8  }
0x1f: {  	p0 =	sne.s32 s8, s12  }
.Ltmp1:
0x20: {  	_ = 	snop;
	(pc) =	sbr.rel @!p0 .LBB2_70-.Ltmp1, $1  }
0x21: {  	_ =	sdelay $0x3  }
.LBB2_1:
0x22: {  	s24 =	simm.s32 $0x0  }
0x23: {  	s26 =	simm.s32 $0x0;
	s7 =	simm.s32 $0x0;
	s25 =	simm.s32 $0x0  }
.LBB2_2:
0x24: {  	s28 =	sshll.u32 s25, $0x9  }
0x25: {  	s30 =	simm.s32 $0x0;
	s29 =	sadd.s32 s2, s28  }
0x26: {  	[tilespmem:s30], [sflag:$0x2] =	stream.linear.gather [hbm4b:s29+s30], $0x1000, $0x38;
	[tilespmem:$0x1E600] =	vst v63  }
0x27: {  	_ =	swait.ge [sflag:s13], $0x1000  }
0x28: {  	[sflag:s13] =	ssyncset.done $0x0  }
0x29: {  	s28 =	sadd.s32 s3, s28;
	[sflag:s13] =	ssyncadd.s32 $0xFFFFF000  }
0x2a: {  	[tilespmem:s14], [sflag:$0x2] =	stream.linear.gather [hbm4b:s28+s30], $0x1000, $0x38;
	[tilespmem:$0x1E600] =	vst v63  }
0x2b: {  	_ =	swait.ge [sflag:s13], $0x1000  }
0x2c: {  	[sflag:s13] =	ssyncset.done $0x0  }
0x2d: {  	s28 =	simm.s32 $0x0;
	[sflag:s13] =	ssyncadd.s32 $0xFFFFF000  }
0x2e: {  	v12 =	vld [tilespmem:s28+$0x0];
	_ =	sdelay $0x4  }
0x2f: {  	v13 =	vshrl.u32 v12, $0x9  }
0x30: {  	v13 =	vand.u32 $0x1F, v13  }
0x31: {  	vm0 =	veq.s32 v13, v0  }
0x32: {  	v13 =	vsel vm0, $0x1, v2  }
0x33: {  	(xrf0) =	vadd.scan.msk.s32 $0xffff, v13;
	_ =	sdelay $0x2  }
0x34: {  	v13 =	vmov s7  }
0x35: {  	v13 =	vadd.s32 $0xFFFFFFFF, v13  }
0x36: {  	v13 =	vbroadcast v13, $0x0  }
0x37: {  	v14, _, _ =	vpop (xrf0)  }
0x38: {  	v13 =	vadd.s32 v14, v13;
	_ =	sdelay $0x4  }
0x39: {  	v15 =	vor.u32 s24, v1;
	[tilespmem:v13+s15+$0x0] =	vst.idx.msk vm0, v12  }
0x3a: {  	[tilespmem:v13+s16+$0x0] =	vst.idx.msk vm0, v15  }
0x3b: {  	v12 =	vld [tilespmem:s28+$0x1000]  }
0x3c: {  	(v2sf) =	vpush v14, $0xF;
	_ =	sdelay $0x3  }
0x3d: {  	v13 =	vshrl.u32 v12, $0x9  }
0x3e: {  	v13 =	vand.u32 $0x1F, v13  }
0x3f: {  	vm15 =	veq.s32 v13, v0  }
0x40: {  	v13 =	vsel vm15, $0x1, v2  }
0x41: {  	(xrf0) =	vadd.scan.msk.s32 $0xffff, v13;
	_ =	sdelay $0x2  }
0x42: {  	v13 =	vmov s26  }
0x43: {  	v13 =	vadd.s32 $0xFFFFFFFF, v13  }
0x44: {  	v13 =	vbroadcast v13, $0x0  }
0x45: {  	v14, _, _ =	vpop (xrf0)  }
0x46: {  	s28 =	spop (v2sf);
	v13 =	vadd.s32 v14, v13;
	(v2sf) =	vpush v14, $0xF;
	_ =	sdelay $0x4  }
0x47: {  	[tilespmem:v13+s17+$0x0] =	vst.idx.msk vm15, v12  }
0x48: {  	s31 =	simm.s32 $0x10;
	[tilespmem:v13+s18+$0x0] =	vst.idx.msk vm15, v15  }
0x49: {  	s29 =	smov.u32 s24;
	s30 =	simm.s32 $0x80;
	s28 =	sadd.s32 s7, s28;
	v12 =	vld [tilespmem:s31+$0x0]  }
.LBB2_3:
0x4a: {  	p2 =	sne.s32 s30, $0x3FC0;
	_ =	sdelay $0x3  }
0x4b: {  	v13 =	vshrl.u32 v12, $0x9  }
0x4c: {  	v13 =	vand.u32 $0x1F, v13  }
0x4d: {  	vm0 =	veq.s32 v13, v0  }
0x4e: {  	v13 =	vsel vm0, $0x1, v2;
	s7 =	spop (v2sf)  }
0x4f: {  	(xrf0) =	vadd.scan.msk.s32 $0xffff, v13;
	s26 =	sadd.s32 s26, s7  }
0x50: {  	v13 =	vmov s26  }
0x51: {  	v13 =	vadd.s32 $0xFFFFFFFF, v13  }
0x52: {  	v14 =	vmov s28;
	v13 =	vbroadcast v13, $0x0  }
0x53: {  	v14 =	vadd.s32 $0xFFFFFFFF, v14  }
0x54: {  	v14 =	vbroadcast v14, $0x0  }
0x55: {  	v15, _, _ =	vpop (xrf0)  }
0x56: {  	v14 =	vadd.s32 v15, v14;
	(v2sf) =	vpush v15, $0xF;
	_ =	sdelay $0x3  }
0x57: {  	s29 =	sadd.s32 $0x10, s29  }
0x58: {  	v15 =	vor.u32 s29, v1;
	[tilespmem:v14+s15+$0x0] =	vst.idx.msk vm0, v12  }
0x59: {  	[tilespmem:v14+s16+$0x0] =	vst.idx.msk vm0, v15  }
0x5a: {  	v12 =	vld [tilespmem:s31+$0x1000];
	_ =	sdelay $0x4  }
0x5b: {  	v14 =	vshrl.u32 v12, $0x9  }
0x5c: {  	v14 =	vand.u32 $0x1F, v14  }
0x5d: {  	vm0 =	veq.s32 v14, v0  }
0x5e: {  	v14 =	vsel vm0, $0x1, v2;
	s7 =	spop (v2sf)  }
0x5f: {  	s28 =	sadd.s32 s28, s7;
	(xrf0) =	vadd.scan.msk.s32 $0xffff, v14;
	_ =	sdelay $0x5  }
0x60: {  	v14, _, _ =	vpop (xrf0)  }
0x61: {  	v13 =	vadd.s32 v14, v13;
	(v2sf) =	vpush v14, $0xF;
	_ =	sdelay $0x2  }
.Ltmp2:
0x62: {  	(pc) =	sbr.rel @p2 .LBB2_3-.Ltmp2, $4  }
0x63: {  	_ = 	snop  }
0x64: {  	[tilespmem:v13+s17+$0x0] =	vst.idx.msk vm0, v12  }
0x65: {  	s31 =	sshra.s32 s30, $0x2;
	[tilespmem:v13+s18+$0x0] =	vst.idx.msk vm0, v15  }
0x66: {  	s30 =	sadd.s32 $0x40, s30;
	v12 =	vld [tilespmem:s31+$0x0]  }
0x67: {  	_ =	sdelay $0x3  }
0x68: {  	v13 =	vshrl.u32 v12, $0x9  }
0x69: {  	v13 =	vand.u32 $0x1F, v13  }
0x6a: {  	vm0 =	veq.s32 v13, v0  }
0x6b: {  	v13 =	vsel vm0, $0x1, v2  }
0x6c: {  	(xrf0) =	vadd.scan.msk.s32 $0xffff, v13;
	_ =	sdelay $0x2  }
0x6d: {  	v61 =	vmov s28  }
0x6e: {  	v13 =	vadd.s32 $0xFFFFFFFF, v61  }
0x6f: {  	v13 =	vbroadcast v13, $0x0  }
0x70: {  	v14, _, _ =	vpop (xrf0)  }
0x71: {  	v13 =	vadd.s32 v14, v13;
	_ =	sdelay $0x3  }
0x72: {  	s7 =	sadd.s32 $0x10, s29  }
0x73: {  	v15 =	vor.u32 s7, v1;
	[tilespmem:v13+s15+$0x0] =	vst.idx.msk vm0, v12  }
0x74: {  	[tilespmem:v13+s16+$0x0] =	vst.idx.msk vm0, v15  }
0x75: {  	v12 =	vld [tilespmem:s31+$0x1000];
	_ =	sdelay $0x4  }
0x76: {  	v62 =	vshrl.u32 v12, $0x9  }
0x77: {  	v13 =	vand.u32 $0x1F, v62  }
0x78: {  	vm15 =	veq.s32 v13, v0  }
0x79: {  	v13 =	vsel vm15, $0x1, v2  }
0x7a: {  	(xrf0) =	vadd.scan.msk.s32 $0xffff, v13;
	_ =	sdelay $0x5  }
0x7b: {  	(v2sf) =	vpush v14, $0xF;
	v13, _, _ =	vpop (xrf0)  }
0x7c: {  	(v2sf) =	vpush v13, $0xF;
	_ =	sdelay $0x3  }
0x7d: {  	s29 =	spop (v2sf)  }
0x7e: {  	s26 =	sadd.s32 s26, s29  }
0x7f: {  	v63 =	vmov s26  }
0x80: {  	v14 =	vadd.s32 $0xFFFFFFFF, v63  }
0x81: {  	v14 =	vbroadcast v14, $0x0;
	_ =	sdelay $0x1  }
0x82: {  	s25 =	sadd.s32 $0x1, s25;
	v13 =	vadd.s32 v13, v14  }
0x83: {  	p2 =	sne.s32 s25, $0x4  }
.Ltmp3:
0x84: {  	_ = 	snop;
	(pc) =	sbr.rel @p2 .LBB2_2-.Ltmp3, $4  }
0x85: {  	_ = 	snop  }
0x86: {  	s30 =	spop (v2sf)  }
0x87: {  	[tilespmem:v13+s17+$0x0] =	vst.idx.msk vm15, v12;
	s31 =	spop (v2sf)  }
0x88: {  	s24 =	sadd.s32 $0x1000, s24;
	s7 =	sadd.s32 s28, s30;
	[tilespmem:v13+s18+$0x0] =	vst.idx.msk vm15, v15;
	s26 =	sadd.s32 s26, s31  }
0x89: {  	s24 =	sadd.s32 $0xF, s7;
	v12 =	vadd.s32 s7, v1  }
0x8a: {  	v13 =	vadd.s32 s26, v1;
	s30 =	sand.u32 $0xF, s24;
	s25 =	sshra.s32 s24, $0x1F  }
.Ltmp4:
0x8b: {  	p2 =	slt.s32 s24, $0x1;
	p3 =	sne.s32 s30, $0x0;
	(pc) =	sbr.rel .LBB2_6-.Ltmp4, $4  }
0x8c: {  	s31 =	sshrl.u32 s25, $0x1C;
	p2 =	por !p2, !p3  }
0x8d: {  	s7 =	sadd.s32 s31, s24;
	s24 =	simm.s32 $0x1;
	p2 =	por !p2, !p2  }
0x8e: {  	s29 =	simm.s32 $0x0;
	s7 =	sshra.s32 s7, $0x4;
	s24 =	simm.s32 @!p2 $0x0;
	[tilespmem:v12+s15+$0x0] =	vst.idx.msk $0xffff, v3  }
0x8f: {  	s25 =	simm.s32 $0x0;
	s28 =	ssub.s32 s7, s24;
	[tilespmem:v13+s17+$0x0] =	vst.idx.msk $0xffff, v3;
	s24 =	simm.s32 $0x0  }
.LBB2_7:
0x90: {  	s25 =	smov.u32 @p2 s25;
	s24 =	smov.u32 @p2 s24  }
.LBB2_21:
0x91: {  	s29 =	sadd.s32 $0x1, s29  }
0x92: {  	p2 =	sne.s32 s29, $0x3E  }
.Ltmp5:
0x93: {  	_ = 	snop;
	(pc) =	sbr.rel @!p2 .LBB2_22-.Ltmp5, $1  }
0x94: {  	_ =	sdelay $0x3  }
.LBB2_6:
0x95: {  	s7 =	sshll.u32 s29, $0x5  }
0x96: {  	s7 =	sor.u32 s1, s7  }
0x97: {  	s30 =	sshll.u32 s7, $0x9;
	p2 =	sgt.u32 s7, $0x7A0  }
0x98: {  	s31 =	sadd.s32 @!p2 s4, s30;
	s0 =	simm.s32 @!p2 $0x1000  }
0x99: {  	s6 =	simm.s32 @!p2 $0x7A1400;
	s9 =	simm.s32 @!p2 $0x12200;
	p3 =	slt.s32 @!p2 s28, $0x1  }
0x9a: {  	[tilespmem:s9], [sflag:$0x2] =	stream.strided.gather @!p2 [hbm4b:s31+s0], $0x8000, s6, s0, $0x38;
	[tilespmem:$0x1E600] =	vst v63  }
0x9b: {  	p3 =	por p2, p3  }
.Ltmp6:
0x9c: {  	_ = 	snop;
	(pc) =	sbr.rel @p3 .LBB2_7-.Ltmp6, $4  }
0x9d: {  	s0 =	simm.s32 @!p2 $0x2  }
0x9e: {  	_ =	swait.ge @!p2 [sflag:s0], $0x8000  }
0x9f: {  	[sflag:s0] =	ssyncset.done @!p2 $0x0  }
0xa0: {  	[sflag:s0] =	ssyncadd.s32 @!p2 $0xFFFF8000  }
.Ltmp7:
0xa1: {  	(pc) =	sbr.rel .LBB2_9-.Ltmp7, $2  }
0xa2: {  	_ =	sdelay $0x2  }
0xa3: {  	v12 =	vmov s7;
	v13 =	vmov s30;
	s30 =	simm.s32 $0x0  }
.LBB2_14:
0xa4: {  	_ = 	snop  }
.LBB2_19:
0xa5: {  	_ =	sdelay $0x3  }
0xa6: {  	[tilespmem:v21+s22+$0x0] =	vst.idx.msk @p2 $0xffff, v20  }
0xa7: {  	v15 =	vor.u32 v1, v18;
	v14 =	vld.idx.msk [tilespmem:v19+s21+$0x0], $0xffff  }
0xa8: {  	v17 =	vadd.s32 v6, v16;
	_ =	sdelay $0x3  }
0xa9: {  	[tilespmem:v15+s22+$0x0] =	vst.idx.msk $0xffff, v14  }
0xaa: {  	v15 =	vor.u32 v7, v18;
	v14 =	vld.idx.msk [tilespmem:v17+s21+$0x0], $0xffff  }
0xab: {  	v62 =	vadd.s32 v8, v16;
	_ =	sdelay $0x3  }
0xac: {  	[tilespmem:v15+s22+$0x0] =	vst.idx.msk $0xffff, v14  }
0xad: {  	v15 =	vor.u32 v9, v18;
	v14 =	vld.idx.msk [tilespmem:v62+s21+$0x0], $0xffff  }
0xae: {  	v63 =	vadd.s32 v10, v16;
	_ =	sdelay $0x3  }
0xaf: {  	[tilespmem:v15+s22+$0x0] =	vst.idx.msk $0xffff, v14  }
0xb0: {  	v15 =	vor.u32 v11, v18;
	v14 =	vld.idx.msk [tilespmem:v63+s21+$0x0], $0xffff;
	_ =	sdelay $0x2  }
0xb1: {  	s0 =	sshll.u32 s25, $0xD;
	s6 =	sshll.u32 s25, $0x9  }
0xb2: {  	s0 =	sshra.s32 s0, $0x2;
	s6 =	sshra.s32 s6, $0x2  }
0xb3: {  	s0 =	sadd.s32 $0x1A200, s0;
	s6 =	sadd.s32 $0x1E200, s6;
	[tilespmem:v15+s22+$0x0] =	vst.idx.msk $0xffff, v14  }
0xb4: {  	[hbm4b:s10+s23] =	stream.indirect.scatter [tilespmem:s0], [sflag:$0x1], $0x80, s6, s23, $0xb8;
	[tilespmem:$0x1E600] =	vst v63  }
.LBB2_20:
0xb5: {  	s0 =	sadd.s32 $0x1, s24  }
0xb6: {  	s30 =	sadd.s32 $0x1, s30;
	p3 =	slt.s32 s0, $0x8  }
0xb7: {  	s0 =	simm.s32 @!p3 $0x8;
	p3 =	sne.s32 s30, s28  }
.Ltmp8:
0xb8: {  	_ = 	snop;
	(pc) =	sbr.rel @!p3 .LBB2_21-.Ltmp8, $4  }
0xb9: {  	_ = 	snop  }
0xba: {  	s6 =	sadd.s32 $0x1, s25  }
0xbb: {  	p2 =	sgt.s32 s31, $0x0;
	s6 =	sand.u32 $0x7, s6  }
0xbc: {  	s25 =	smov.u32 @p2 s6;
	s24 =	smov.u32 @p2 s0  }
.LBB2_9:
0xbd: {  	s7 =	sshll.u32 s30, $0x4  }
0xbe: {  	v14 =	vld [tilespmem:s7+$0x2000];
	_ =	sdelay $0x4  }
0xbf: {  	v15 =	vshra.s32 v14, $0x9  }
0xc0: {  	vm0 =	veq.s32 v15, v12  }
0xc1: {  	v15 =	vsel vm0, $0x1, v2  }
0xc2: {  	(xrf0) =	vadd.scan.msk.s32 $0xffff, v15;
	_ =	sdelay $0x5  }
0xc3: {  	v15, _, _ =	vpop (xrf0)  }
0xc4: {  	(v2sf) =	vpush v15, $0xF;
	_ =	sdelay $0xe  }
0xc5: {  	p2 =	slt.s32 s24, $0x8;
	s31 =	spop (v2sf)  }
0xc6: {  	p3 =	slt.s32 @!p2 s31, $0x1  }
0xc7: {  	p2 =	por p2, p3  }
.Ltmp9:
0xc8: {  	_ = 	snop;
	(pc) =	sbr.rel @p2 .LBB2_11-.Ltmp9, $1  }
0xc9: {  	_ =	sdelay $0x3  }
.Ltmp10:
0xca: {  	(pc) =	sbr.rel .LBB2_13-.Ltmp10, $4  }
0xcb: {  	_ = 	snop  }
0xcc: {  	_ =	swait.ge [sflag:s19], $0x800  }
0xcd: {  	[sflag:s19] =	ssyncset.done $0x0  }
0xce: {  	v15 =	vmov s25;
	[sflag:s19] =	ssyncadd.s32 $0xFFFFF800  }
.LBB2_11:
0xcf: {  	p2 =	slt.s32 s31, $0x1  }
.Ltmp11:
0xd0: {  	_ = 	snop;
	(pc) =	sbr.rel @p2 .LBB2_20-.Ltmp11, $1  }
0xd1: {  	_ =	sdelay $0x3  }
0xd2: {  	v15 =	vmov s25  }
.LBB2_13:
0xd3: {  	v17 =	vmctz.xlane vm0  }
0xd4: {  	v18 =	vld [tilespmem:s7+$0x6080];
	v14 =	vsub.s32 v14, v13;
	v16 =	vshll.u32 v15, $0x7  }
0xd5: {  	p3 =	sne.s32 s31, $0x1;
	v20 =	vor.u32 v1, v16;
	v19 =	vperm.xlane v14, v17  }
.Ltmp12:
0xd6: {  	_ = 	snop;
	(pc) =	sbr.rel @!p3 .LBB2_14-.Ltmp12, $4  }
0xd7: {  	v15 =	vshll.u32 v15, $0xB;
	v16 =	vshll.u32 v19, $0x3  }
0xd8: {  	vm1 =	vne.s32 v17, v1;
	v19 =	vand.u32 $0x7F, v19;
	v16 =	vand.u32 $0xFFFFFC00, v16  }
0xd9: {  	v17 =	vshll.u32 v17, $0x7;
	v18 =	vsel vm0, v18, v4;
	v16 =	vor.u32 v19, v16  }
0xda: {  	s7 =	sadd.s32 $0xFFFFFFFF, s31;
	p2 =	por $0x0, $0x0;
	vm0 =	vmand vm0, vm1;
	[tilespmem:v20+s20+$0x0] =	vst.idx.msk $0xffff, v18;
	v18 =	vadd.s32 v15, v17;
	v19 =	vadd.s32 v5, v16  }
0xdb: {  	_ =	sdelay $0x3  }
0xdc: {  	v17 =	vld.idx.msk [tilespmem:v19+s21+$0x0], $0xffff;
	v19 =	vor.u32 v1, v18  }
0xdd: {  	v20 =	vadd.s32 v6, v16;
	_ =	sdelay $0x3  }
0xde: {  	[tilespmem:v19+s22+$0x0] =	vst.idx.msk $0xffff, v17  }
0xdf: {  	v19 =	vor.u32 v7, v18;
	v17 =	vld.idx.msk [tilespmem:v20+s21+$0x0], $0xffff  }
0xe0: {  	v20 =	vadd.s32 v8, v16;
	_ =	sdelay $0x3  }
0xe1: {  	[tilespmem:v19+s22+$0x0] =	vst.idx.msk $0xffff, v17  }
0xe2: {  	v19 =	vor.u32 v9, v18;
	v17 =	vld.idx.msk [tilespmem:v20+s21+$0x0], $0xffff;
	v20 =	vmctz.xlane vm0  }
0xe3: {  	v21 =	vadd.s32 v10, v16  }
0xe4: {  	p3 =	sne.s32 s7, $0x1;
	v16 =	vperm.xlane v14, v20  }
.Ltmp13:
0xe5: {  	_ = 	snop;
	(pc) =	sbr.rel @!p3 .LBB2_16-.Ltmp13, $4  }
0xe6: {  	v22 =	vshll.u32 v16, $0x3  }
0xe7: {  	vm1 =	vne.s32 v20, v1;
	v16 =	vand.u32 $0x7F, v16;
	[tilespmem:v19+s22+$0x0] =	vst.idx.msk $0xffff, v17;
	v19 =	vand.u32 $0xFFFFFC00, v22  }
0xe8: {  	v17 =	vshll.u32 v20, $0x7;
	v16 =	vor.u32 v16, v19;
	v20 =	vld.idx.msk [tilespmem:v21+s21+$0x0], $0xffff;
	v21 =	vor.u32 v11, v18  }
0xe9: {  	s7 =	sadd.s32 $0xFFFFFFFF, s7;
	p2 =	por $0x1, $0x1;
	vm0 =	vmand vm0, vm1;
	v17 =	vadd.s32 v15, v17;
	v19 =	vadd.s32 v5, v16  }
.LBB2_17:
0xea: {  	_ =	sdelay $0x2  }
0xeb: {  	p3 =	sne.s32 s7, $0x1;
	s7 =	sadd.s32 $0xFFFFFFFF, s7;
	[tilespmem:v21+s22+$0x0] =	vst.idx.msk $0xffff, v20  }
0xec: {  	v18 =	vld.idx.msk [tilespmem:v19+s21+$0x0], $0xffff  }
0xed: {  	v19 =	vor.u32 v1, v17  }
0xee: {  	v20 =	vadd.s32 v6, v16;
	_ =	sdelay $0x3  }
0xef: {  	[tilespmem:v19+s22+$0x0] =	vst.idx.msk $0xffff, v18  }
0xf0: {  	v18 =	vld.idx.msk [tilespmem:v20+s21+$0x0], $0xffff  }
0xf1: {  	v19 =	vor.u32 v7, v17  }
0xf2: {  	v20 =	vadd.s32 v8, v16;
	_ =	sdelay $0x3  }
0xf3: {  	[tilespmem:v19+s22+$0x0] =	vst.idx.msk $0xffff, v18  }
0xf4: {  	v18 =	vld.idx.msk [tilespmem:v20+s21+$0x0], $0xffff  }
0xf5: {  	v19 =	vor.u32 v9, v17  }
0xf6: {  	v16 =	vadd.s32 v10, v16;
	v20 =	vmctz.xlane vm0;
	_ =	sdelay $0x1  }
0xf7: {  	v21 =	vperm.xlane v14, v20;
	v22 =	vshll.u32 v20, $0x7;
	vm1 =	vne.s32 v20, v1  }
.Ltmp14:
0xf8: {  	v22 =	vadd.s32 v15, v22;
	vm0 =	vmand vm0, vm1;
	(pc) =	sbr.rel @p3 .LBB2_17-.Ltmp14, $4  }
0xf9: {  	v20 =	vshll.u32 v21, $0x3;
	[tilespmem:v19+s22+$0x0] =	vst.idx.msk $0xffff, v18  }
0xfa: {  	v18 =	vand.u32 $0x7F, v21;
	v19 =	vand.u32 $0xFFFFFC00, v20;
	v20 =	vld.idx.msk [tilespmem:v16+s21+$0x0], $0xffff  }
0xfb: {  	v21 =	vor.u32 v11, v17;
	v17 =	vmov v22;
	v16 =	vor.u32 v18, v19  }
0xfc: {  	v19 =	vadd.s32 v5, v16  }
.Ltmp15:
0xfd: {  	(pc) =	sbr.rel .LBB2_19-.Ltmp15, $2  }
0xfe: {  	_ =	sdelay $0x2  }
0xff: {  	v18 =	vmov v17  }
.LBB2_16:
.Ltmp16:
0x100: {  	(pc) =	sbr.rel .LBB2_19-.Ltmp16, $2  }
0x101: {  	_ =	sdelay $0x2  }
0x102: {  	v18 =	vmov v17  }
.LBB2_22:
0x103: {  	s0 =	sld [smem:$0x7FC];
	_ =	sdelay $0x2  }
0x104: {  	s6 =	rddreg [dreg:$0x4];
	p0 =	seq.s32 s0, $0x1  }
0x105: {  	s29 =	simm.s32 @!p0 $0x0;
	s0 =	simm.s32 @!p0 $0x12200;
	p2 =	slt.s32 @!p0 s28, $0x1  }
0x106: {  	[tilespmem:s0], [sflag:$0x2] =	stream.linear.gather @!p0 [hbm4b:s6+s29], $0x8000, $0x38;
	[tilespmem:$0x1E600] =	vst v63  }
0x107: {  	p2 =	por p0, p2  }
.Ltmp17:
0x108: {  	_ = 	snop;
	(pc) =	sbr.rel @!p2 .LBB2_24-.Ltmp17, $4  }
0x109: {  	s0 =	simm.s32 @!p0 $0x2  }
0x10a: {  	_ =	swait.ge @!p0 [sflag:s0], $0x8000  }
0x10b: {  	[sflag:s0] =	ssyncset.done @!p0 $0x0  }
0x10c: {  	[sflag:s0] =	ssyncadd.s32 @!p0 $0xFFFF8000  }
0x10d: {  	s0 =	sld [smem:$0x7FC];
	_ =	sdelay $0x2  }
0x10e: {  	p0 =	seq.s32 s0, $0x1  }
0x10f: {  	s25 =	smov.u32 @p0 s25;
	s24 =	smov.u32 @p0 s24  }
.LBB2_36:
0x110: {  	s0 =	sadd.s32 $0xF, s26  }
0x111: {  	s6 =	sand.u32 $0xF, s0;
	s7 =	sshra.s32 s0, $0x1F  }
.Ltmp18:
0x112: {  	p2 =	slt.s32 s0, $0x1;
	p3 =	sne.s32 s6, $0x0;
	(pc) =	sbr.rel .LBB2_37-.Ltmp18, $4  }
0x113: {  	s31 =	sshrl.u32 s7, $0x1C;
	p2 =	por !p2, !p3  }
0x114: {  	s6 =	simm.s32 $0x1;
	s0 =	sadd.s32 s31, s0;
	p2 =	por !p2, !p2  }
0x115: {  	s0 =	sshra.s32 s0, $0x4;
	s6 =	simm.s32 @!p2 $0x0  }
0x116: {  	s28 =	simm.s32 $0x0;
	s26 =	ssub.s32 s0, s6  }
.LBB2_38:
0x117: {  	s25 =	smov.u32 @p2 s25;
	s24 =	smov.u32 @p2 s24  }
.LBB2_52:
0x118: {  	s28 =	sadd.s32 $0x1, s28  }
0x119: {  	p2 =	sne.s32 s28, $0x7  }
.Ltmp19:
0x11a: {  	_ = 	snop;
	(pc) =	sbr.rel @!p2 .LBB2_53-.Ltmp19, $1  }
0x11b: {  	_ =	sdelay $0x3  }
.LBB2_37:
0x11c: {  	s0 =	sshll.u32 s28, $0x5  }
0x11d: {  	s7 =	sor.u32 s1, s0  }
0x11e: {  	s29 =	sshll.u32 s7, $0x9;
	p2 =	sgt.u32 s7, $0xC2  }
0x11f: {  	s0 =	sadd.s32 @!p2 s5, s29;
	s6 =	simm.s32 @!p2 $0x1000  }
0x120: {  	s9 =	simm.s32 @!p2 $0xC3800;
	s30 =	simm.s32 @!p2 $0x12200;
	p3 =	slt.s32 @!p2 s26, $0x1  }
0x121: {  	[tilespmem:s30], [sflag:$0x2] =	stream.strided.gather @!p2 [hbm4b:s0+s6], $0x8000, s9, s6, $0x38;
	[tilespmem:$0x1E600] =	vst v63  }
0x122: {  	p3 =	por p2, p3  }
.Ltmp20:
0x123: {  	_ = 	snop;
	(pc) =	sbr.rel @p3 .LBB2_38-.Ltmp20, $4  }
0x124: {  	s0 =	simm.s32 @!p2 $0x2  }
0x125: {  	_ =	swait.ge @!p2 [sflag:s0], $0x8000  }
0x126: {  	[sflag:s0] =	ssyncset.done @!p2 $0x0  }
0x127: {  	[sflag:s0] =	ssyncadd.s32 @!p2 $0xFFFF8000  }
.Ltmp21:
0x128: {  	(pc) =	sbr.rel .LBB2_40-.Ltmp21, $2  }
0x129: {  	_ =	sdelay $0x2  }
0x12a: {  	v12 =	vmov s7;
	v13 =	vmov s29;
	s29 =	simm.s32 $0x0  }
.LBB2_45:
0x12b: {  	_ = 	snop  }
.LBB2_50:
0x12c: {  	_ =	sdelay $0x3  }
0x12d: {  	[tilespmem:v21+s22+$0x0] =	vst.idx.msk @p2 $0xffff, v20  }
0x12e: {  	v15 =	vor.u32 v1, v18;
	v14 =	vld.idx.msk [tilespmem:v19+s21+$0x0], $0xffff  }
0x12f: {  	v17 =	vadd.s32 v6, v16;
	_ =	sdelay $0x3  }
0x130: {  	[tilespmem:v15+s22+$0x0] =	vst.idx.msk $0xffff, v14  }
0x131: {  	v15 =	vor.u32 v7, v18;
	v14 =	vld.idx.msk [tilespmem:v17+s21+$0x0], $0xffff  }
0x132: {  	v62 =	vadd.s32 v8, v16;
	_ =	sdelay $0x3  }
0x133: {  	[tilespmem:v15+s22+$0x0] =	vst.idx.msk $0xffff, v14  }
0x134: {  	v15 =	vor.u32 v9, v18;
	v14 =	vld.idx.msk [tilespmem:v62+s21+$0x0], $0xffff  }
0x135: {  	v63 =	vadd.s32 v10, v16;
	_ =	sdelay $0x3  }
0x136: {  	[tilespmem:v15+s22+$0x0] =	vst.idx.msk $0xffff, v14  }
0x137: {  	v15 =	vor.u32 v11, v18;
	v14 =	vld.idx.msk [tilespmem:v63+s21+$0x0], $0xffff;
	_ =	sdelay $0x2  }
0x138: {  	s0 =	sshll.u32 s25, $0xD;
	s6 =	sshll.u32 s25, $0x9  }
0x139: {  	s0 =	sshra.s32 s0, $0x2;
	s6 =	sshra.s32 s6, $0x2  }
0x13a: {  	s0 =	sadd.s32 $0x1A200, s0;
	s6 =	sadd.s32 $0x1E200, s6;
	[tilespmem:v15+s22+$0x0] =	vst.idx.msk $0xffff, v14  }
0x13b: {  	[hbm4b:s11+s23] =	stream.indirect.scatter [tilespmem:s0], [sflag:$0x1], $0x80, s6, s23, $0xb8;
	[tilespmem:$0x1E600] =	vst v63  }
.LBB2_51:
0x13c: {  	s0 =	sadd.s32 $0x1, s24  }
0x13d: {  	s29 =	sadd.s32 $0x1, s29;
	p3 =	slt.s32 s0, $0x8  }
0x13e: {  	s0 =	simm.s32 @!p3 $0x8;
	p3 =	sne.s32 s29, s26  }
.Ltmp22:
0x13f: {  	_ = 	snop;
	(pc) =	sbr.rel @!p3 .LBB2_52-.Ltmp22, $4  }
0x140: {  	_ = 	snop  }
0x141: {  	s6 =	sadd.s32 $0x1, s25  }
0x142: {  	p2 =	sgt.s32 s30, $0x0;
	s6 =	sand.u32 $0x7, s6  }
0x143: {  	s25 =	smov.u32 @p2 s6;
	s24 =	smov.u32 @p2 s0  }
.LBB2_40:
0x144: {  	s7 =	sshll.u32 s29, $0x4  }
0x145: {  	v14 =	vld [tilespmem:s7+$0xA100];
	_ =	sdelay $0x4  }
0x146: {  	v15 =	vshra.s32 v14, $0x9  }
0x147: {  	vm0 =	veq.s32 v15, v12  }
0x148: {  	v15 =	vsel vm0, $0x1, v2  }
0x149: {  	(xrf0) =	vadd.scan.msk.s32 $0xffff, v15;
	_ =	sdelay $0x5  }
0x14a: {  	v15, _, _ =	vpop (xrf0)  }
0x14b: {  	(v2sf) =	vpush v15, $0xF;
	_ =	sdelay $0xe  }
0x14c: {  	p2 =	slt.s32 s24, $0x8;
	s30 =	spop (v2sf)  }
0x14d: {  	p3 =	slt.s32 @!p2 s30, $0x1  }
0x14e: {  	p2 =	por p2, p3  }
.Ltmp23:
0x14f: {  	_ = 	snop;
	(pc) =	sbr.rel @p2 .LBB2_42-.Ltmp23, $1  }
0x150: {  	_ =	sdelay $0x3  }
.Ltmp24:
0x151: {  	(pc) =	sbr.rel .LBB2_44-.Ltmp24, $4  }
0x152: {  	_ = 	snop  }
0x153: {  	_ =	swait.ge [sflag:s19], $0x800  }
0x154: {  	[sflag:s19] =	ssyncset.done $0x0  }
0x155: {  	v15 =	vmov s25;
	[sflag:s19] =	ssyncadd.s32 $0xFFFFF800  }
.LBB2_42:
0x156: {  	p2 =	slt.s32 s30, $0x1  }
.Ltmp25:
0x157: {  	_ = 	snop;
	(pc) =	sbr.rel @p2 .LBB2_51-.Ltmp25, $1  }
0x158: {  	_ =	sdelay $0x3  }
0x159: {  	v15 =	vmov s25  }
.LBB2_44:
0x15a: {  	v17 =	vmctz.xlane vm0  }
0x15b: {  	v18 =	vld [tilespmem:s7+$0xE180];
	v14 =	vsub.s32 v14, v13;
	v16 =	vshll.u32 v15, $0x7  }
0x15c: {  	p3 =	sne.s32 s30, $0x1;
	v20 =	vor.u32 v1, v16;
	v19 =	vperm.xlane v14, v17  }
.Ltmp26:
0x15d: {  	_ = 	snop;
	(pc) =	sbr.rel @!p3 .LBB2_45-.Ltmp26, $4  }
0x15e: {  	v15 =	vshll.u32 v15, $0xB;
	v16 =	vshll.u32 v19, $0x3  }
0x15f: {  	vm1 =	vne.s32 v17, v1;
	v19 =	vand.u32 $0x7F, v19;
	v16 =	vand.u32 $0xFFFFFC00, v16  }
0x160: {  	v17 =	vshll.u32 v17, $0x7;
	v18 =	vsel vm0, v18, v4;
	v16 =	vor.u32 v19, v16  }
0x161: {  	s7 =	sadd.s32 $0xFFFFFFFF, s30;
	p2 =	por $0x0, $0x0;
	vm0 =	vmand vm0, vm1;
	[tilespmem:v20+s20+$0x0] =	vst.idx.msk $0xffff, v18;
	v18 =	vadd.s32 v15, v17;
	v19 =	vadd.s32 v5, v16  }
0x162: {  	_ =	sdelay $0x3  }
0x163: {  	v17 =	vld.idx.msk [tilespmem:v19+s21+$0x0], $0xffff;
	v19 =	vor.u32 v1, v18  }
0x164: {  	v20 =	vadd.s32 v6, v16;
	_ =	sdelay $0x3  }
0x165: {  	[tilespmem:v19+s22+$0x0] =	vst.idx.msk $0xffff, v17  }
0x166: {  	v19 =	vor.u32 v7, v18;
	v17 =	vld.idx.msk [tilespmem:v20+s21+$0x0], $0xffff  }
0x167: {  	v20 =	vadd.s32 v8, v16;
	_ =	sdelay $0x3  }
0x168: {  	[tilespmem:v19+s22+$0x0] =	vst.idx.msk $0xffff, v17  }
0x169: {  	v19 =	vor.u32 v9, v18;
	v17 =	vld.idx.msk [tilespmem:v20+s21+$0x0], $0xffff;
	v20 =	vmctz.xlane vm0  }
0x16a: {  	v21 =	vadd.s32 v10, v16  }
0x16b: {  	p3 =	sne.s32 s7, $0x1;
	v16 =	vperm.xlane v14, v20  }
.Ltmp27:
0x16c: {  	_ = 	snop;
	(pc) =	sbr.rel @!p3 .LBB2_47-.Ltmp27, $4  }
0x16d: {  	v22 =	vshll.u32 v16, $0x3  }
0x16e: {  	vm1 =	vne.s32 v20, v1;
	v16 =	vand.u32 $0x7F, v16;
	[tilespmem:v19+s22+$0x0] =	vst.idx.msk $0xffff, v17;
	v19 =	vand.u32 $0xFFFFFC00, v22  }
0x16f: {  	v17 =	vshll.u32 v20, $0x7;
	v16 =	vor.u32 v16, v19;
	v20 =	vld.idx.msk [tilespmem:v21+s21+$0x0], $0xffff;
	v21 =	vor.u32 v11, v18  }
0x170: {  	s7 =	sadd.s32 $0xFFFFFFFF, s7;
	p2 =	por $0x1, $0x1;
	vm0 =	vmand vm0, vm1;
	v17 =	vadd.s32 v15, v17;
	v19 =	vadd.s32 v5, v16  }
.LBB2_48:
0x171: {  	_ =	sdelay $0x2  }
0x172: {  	p3 =	sne.s32 s7, $0x1;
	s7 =	sadd.s32 $0xFFFFFFFF, s7;
	[tilespmem:v21+s22+$0x0] =	vst.idx.msk $0xffff, v20  }
0x173: {  	v18 =	vld.idx.msk [tilespmem:v19+s21+$0x0], $0xffff  }
0x174: {  	v19 =	vor.u32 v1, v17  }
0x175: {  	v20 =	vadd.s32 v6, v16;
	_ =	sdelay $0x3  }
0x176: {  	[tilespmem:v19+s22+$0x0] =	vst.idx.msk $0xffff, v18  }
0x177: {  	v18 =	vld.idx.msk [tilespmem:v20+s21+$0x0], $0xffff  }
0x178: {  	v19 =	vor.u32 v7, v17  }
0x179: {  	v20 =	vadd.s32 v8, v16;
	_ =	sdelay $0x3  }
0x17a: {  	[tilespmem:v19+s22+$0x0] =	vst.idx.msk $0xffff, v18  }
0x17b: {  	v18 =	vld.idx.msk [tilespmem:v20+s21+$0x0], $0xffff  }
0x17c: {  	v19 =	vor.u32 v9, v17  }
0x17d: {  	v16 =	vadd.s32 v10, v16;
	v20 =	vmctz.xlane vm0;
	_ =	sdelay $0x1  }
0x17e: {  	v21 =	vperm.xlane v14, v20;
	v22 =	vshll.u32 v20, $0x7;
	vm1 =	vne.s32 v20, v1  }
.Ltmp28:
0x17f: {  	v22 =	vadd.s32 v15, v22;
	vm0 =	vmand vm0, vm1;
	(pc) =	sbr.rel @p3 .LBB2_48-.Ltmp28, $4  }
0x180: {  	v20 =	vshll.u32 v21, $0x3;
	[tilespmem:v19+s22+$0x0] =	vst.idx.msk $0xffff, v18  }
0x181: {  	v18 =	vand.u32 $0x7F, v21;
	v19 =	vand.u32 $0xFFFFFC00, v20;
	v20 =	vld.idx.msk [tilespmem:v16+s21+$0x0], $0xffff  }
0x182: {  	v21 =	vor.u32 v11, v17;
	v17 =	vmov v22;
	v16 =	vor.u32 v18, v19  }
0x183: {  	v19 =	vadd.s32 v5, v16  }
.Ltmp29:
0x184: {  	(pc) =	sbr.rel .LBB2_50-.Ltmp29, $2  }
0x185: {  	_ =	sdelay $0x2  }
0x186: {  	v18 =	vmov v17  }
.LBB2_47:
.Ltmp30:
0x187: {  	(pc) =	sbr.rel .LBB2_50-.Ltmp30, $2  }
0x188: {  	_ =	sdelay $0x2  }
0x189: {  	v18 =	vmov v17  }
.LBB2_53:
0x18a: {  	s28 =	simm.s32 @!p4 $0x0  }
0x18b: {  	s0 =	simm.s32 @!p4 $0x12200;
	s6 =	rddreg [dreg:$0x7];
	p2 =	slt.s32 @!p4 s26, $0x1  }
0x18c: {  	[tilespmem:s0], [sflag:$0x2] =	stream.linear.gather @!p4 [hbm4b:s6+s28], $0x8000, $0x38;
	[tilespmem:$0x1E600] =	vst v63  }
0x18d: {  	p2 =	por p4, p2  }
.Ltmp31:
0x18e: {  	_ = 	snop;
	(pc) =	sbr.rel @!p2 .LBB2_55-.Ltmp31, $4  }
0x18f: {  	s0 =	simm.s32 @!p4 $0x2  }
0x190: {  	_ =	swait.ge @!p4 [sflag:s0], $0x8000  }
0x191: {  	[sflag:s0] =	ssyncset.done @!p4 $0x0  }
0x192: {  	[sflag:s0] =	ssyncadd.s32 @!p4 $0xFFFF8000  }
0x193: {  	s24 =	smov.u32 @p4 s24  }
.LBB2_67:
0x194: {  	p2 =	slt.s32 s24, $0x1  }
0x195: {  	s0 =	simm.s32 @!p2 $0x1  }
0x196: {  	s7 =	sadd.s32 $0xFFFFFFFF, s24;
	_ =	swait.ge @!p2 [sflag:s0], $0x800  }
0x197: {  	p3 =	slt.s32 s7, $0x1;
	[sflag:s0] =	ssyncset.done @!p2 $0x0  }
0x198: {  	[sflag:s0] =	ssyncadd.s32 @!p2 $0xFFFFF800;
	p2 =	seq.s32 @!p3 s7, $0x1  }
0x199: {  	p2 =	por p3, p2  }
.Ltmp32:
0x19a: {  	_ = 	snop;
	(pc) =	sbr.rel @p2 .LBB2_69-.Ltmp32, $4  }
0x19b: {  	s0 =	simm.s32 @!p3 $0x1  }
0x19c: {  	_ =	swait.ge @!p3 [sflag:s0], $0x800  }
0x19d: {  	[sflag:s0] =	ssyncset.done @!p3 $0x0  }
0x19e: {  	[sflag:s0] =	ssyncadd.s32 @!p3 $0xFFFFF800  }
0x19f: {  	p2 =	slt.u32 s7, $0x3  }
0x1a0: {  	p3 =	seq.s32 @!p2 s7, $0x3  }
0x1a1: {  	p4 =	por p3, p2  }
0x1a2: {  	_ =	swait.ge [sflag:s19], $0x800;
	p1 =	slt.u32 @!p4 s7, $0x5  }
0x1a3: {  	[sflag:s19] =	ssyncset.done $0x0;
	s6 =	simm.s32 @!p1 $0x0;
	p6 =	por @!p2 p1, p3  }
0x1a4: {  	s0 =	simm.s32 @!p2 $0x1;
	s6 =	simm.s32 @p1 $0x1;
	p6 =	por p6, p2  }
0x1a5: {  	[sflag:s19] =	ssyncadd.s32 $0xFFFFF800;
	[smem:$0x7FB] =	sst s6;
	p0 =	seq.s32 @!p6 s7, $0x5  }
0x1a6: {  	_ =	swait.ge @!p2 [sflag:s0], $0x800;
	s6 =	simm.s32 @!p0 $0x0  }
0x1a7: {  	[sflag:s0] =	ssyncset.done @!p2 $0x0;
	s6 =	simm.s32 @p0 $0x1  }
0x1a8: {  	[sflag:s0] =	ssyncadd.s32 @!p2 $0xFFFFF800;
	s0 =	simm.s32 @!p4 $0x1;
	[smem:$0x7FA] =	sst s6  }
0x1a9: {  	_ =	swait.ge @!p4 [sflag:s0], $0x800  }
0x1aa: {  	[sflag:s0] =	ssyncset.done @!p4 $0x0  }
0x1ab: {  	[sflag:s0] =	ssyncadd.s32 @!p4 $0xFFFFF800;
	s0 =	simm.s32 @!p6 $0x1  }
0x1ac: {  	_ =	swait.ge @!p6 [sflag:s0], $0x800  }
0x1ad: {  	p0 =	por @!p4 p0, p1;
	s29 =	sld [smem:$0x7FA]  }
0x1ae: {  	p0 =	por @!p2 p0, p3;
	s30 =	sld [smem:$0x7FB]  }
0x1af: {  	p0 =	por p0, p2  }
0x1b0: {  	p1 =	slt.u32 @!p0 s7, $0x7;
	p5 =	seq.s32 s29, $0x1  }
0x1b1: {  	[sflag:s0] =	ssyncset.done @!p6 $0x0;
	p1 =	por @!p6 p1, p5;
	p5 =	seq.s32 s30, $0x1  }
0x1b2: {  	[sflag:s0] =	ssyncadd.s32 @!p6 $0xFFFFF800;
	s0 =	simm.s32 @!p0 $0x1;
	p1 =	por @!p4 p1, p5  }
0x1b3: {  	s31 =	sld [smem:$0x7FD];
	_ =	swait.ge @!p0 [sflag:s0], $0x800;
	p1 =	por @!p2 p1, p3  }
.Ltmp33:
0x1b4: {  	[sflag:s0] =	ssyncset.done @!p0 $0x0;
	p1 =	por p1, p2;
	(pc) =	sbr.rel .LBB2_69-.Ltmp33, $4  }
0x1b5: {  	[sflag:s0] =	ssyncadd.s32 @!p0 $0xFFFFF800;
	s0 =	simm.s32 @!p1 $0x1  }
0x1b6: {  	_ =	swait.ge @!p1 [sflag:s0], $0x800  }
0x1b7: {  	[sflag:s0] =	ssyncset.done @!p1 $0x0  }
0x1b8: {  	p4 =	seq.s32 s31, $0x1;
	[sflag:s0] =	ssyncadd.s32 @!p1 $0xFFFFF800  }
.LBB2_29:
0x1b9: {  	_ = 	snop  }
.LBB2_34:
0x1ba: {  	_ =	sdelay $0x3  }
0x1bb: {  	[tilespmem:v19+s22+$0x0] =	vst.idx.msk @p2 $0xffff, v18  }
0x1bc: {  	v13 =	vor.u32 v1, v16;
	v12 =	vld.idx.msk [tilespmem:v17+s21+$0x0], $0xffff  }
0x1bd: {  	v15 =	vadd.s32 v6, v14;
	_ =	sdelay $0x3  }
0x1be: {  	[tilespmem:v13+s22+$0x0] =	vst.idx.msk $0xffff, v12  }
0x1bf: {  	v59 =	vor.u32 v7, v16;
	v12 =	vld.idx.msk [tilespmem:v15+s21+$0x0], $0xffff  }
0x1c0: {  	v60 =	vadd.s32 v8, v14;
	_ =	sdelay $0x3  }
0x1c1: {  	[tilespmem:v59+s22+$0x0] =	vst.idx.msk $0xffff, v12  }
0x1c2: {  	v61 =	vor.u32 v9, v16;
	v12 =	vld.idx.msk [tilespmem:v60+s21+$0x0], $0xffff  }
0x1c3: {  	v62 =	vadd.s32 v10, v14;
	_ =	sdelay $0x3  }
0x1c4: {  	[tilespmem:v61+s22+$0x0] =	vst.idx.msk $0xffff, v12  }
0x1c5: {  	v63 =	vor.u32 v11, v16;
	v12 =	vld.idx.msk [tilespmem:v62+s21+$0x0], $0xffff;
	_ =	sdelay $0x2  }
0x1c6: {  	s0 =	sshll.u32 s25, $0xD;
	s6 =	sshll.u32 s25, $0x9  }
0x1c7: {  	s0 =	sshra.s32 s0, $0x2;
	s6 =	sshra.s32 s6, $0x2  }
0x1c8: {  	s0 =	sadd.s32 $0x1A200, s0;
	s6 =	sadd.s32 $0x1E200, s6;
	[tilespmem:v63+s22+$0x0] =	vst.idx.msk $0xffff, v12  }
0x1c9: {  	[hbm4b:s10+s23] =	stream.indirect.scatter [tilespmem:s0], [sflag:$0x1], $0x80, s6, s23, $0xb8;
	[tilespmem:$0x1E600] =	vst v63  }
.LBB2_35:
0x1ca: {  	s0 =	sadd.s32 $0x1, s24  }
0x1cb: {  	s29 =	sadd.s32 $0x1, s29;
	p3 =	slt.s32 s0, $0x8  }
0x1cc: {  	s0 =	simm.s32 @!p3 $0x8;
	p3 =	sne.s32 s29, s28  }
.Ltmp34:
0x1cd: {  	_ = 	snop;
	(pc) =	sbr.rel @!p3 .LBB2_36-.Ltmp34, $4  }
0x1ce: {  	_ = 	snop  }
0x1cf: {  	s6 =	sadd.s32 $0x1, s25  }
0x1d0: {  	p2 =	sgt.s32 s30, $0x0;
	s6 =	sand.u32 $0x7, s6  }
0x1d1: {  	s25 =	smov.u32 @p2 s6;
	s24 =	smov.u32 @p2 s0  }
.LBB2_24:
0x1d2: {  	s7 =	sshll.u32 s29, $0x4  }
0x1d3: {  	v12 =	vld [tilespmem:s7+$0x2000];
	_ =	sdelay $0x4  }
0x1d4: {  	v13 =	vand.u32 $0xFFFFFE00, v12  }
0x1d5: {  	vm0 =	veq.s32 v13, $0xF4200  }
0x1d6: {  	v13 =	vsel vm0, $0x1, v2  }
0x1d7: {  	(xrf0) =	vadd.scan.msk.s32 $0xffff, v13;
	_ =	sdelay $0x5  }
0x1d8: {  	v13, _, _ =	vpop (xrf0)  }
0x1d9: {  	(v2sf) =	vpush v13, $0xF;
	_ =	sdelay $0xe  }
0x1da: {  	p2 =	slt.s32 s24, $0x8;
	s30 =	spop (v2sf)  }
0x1db: {  	p3 =	slt.s32 @!p2 s30, $0x1  }
0x1dc: {  	p2 =	por p2, p3  }
.Ltmp35:
0x1dd: {  	_ = 	snop;
	(pc) =	sbr.rel @p2 .LBB2_26-.Ltmp35, $1  }
0x1de: {  	_ =	sdelay $0x3  }
.Ltmp36:
0x1df: {  	(pc) =	sbr.rel .LBB2_28-.Ltmp36, $4  }
0x1e0: {  	_ = 	snop  }
0x1e1: {  	_ =	swait.ge [sflag:s19], $0x800  }
0x1e2: {  	[sflag:s19] =	ssyncset.done $0x0  }
0x1e3: {  	v13 =	vmov s25;
	[sflag:s19] =	ssyncadd.s32 $0xFFFFF800  }
.LBB2_26:
0x1e4: {  	p2 =	slt.s32 s30, $0x1  }
.Ltmp37:
0x1e5: {  	_ = 	snop;
	(pc) =	sbr.rel @p2 .LBB2_35-.Ltmp37, $1  }
0x1e6: {  	_ =	sdelay $0x3  }
0x1e7: {  	v13 =	vmov s25  }
.LBB2_28:
0x1e8: {  	v15 =	vmctz.xlane vm0  }
0x1e9: {  	v16 =	vld [tilespmem:s7+$0x6080];
	v12 =	vadd.s32 $0xFFF0BFC0, v12;
	v14 =	vshll.u32 v13, $0x7  }
0x1ea: {  	p3 =	sne.s32 s30, $0x1;
	v18 =	vor.u32 v1, v14;
	v17 =	vperm.xlane v12, v15  }
.Ltmp38:
0x1eb: {  	_ = 	snop;
	(pc) =	sbr.rel @!p3 .LBB2_29-.Ltmp38, $4  }
0x1ec: {  	v13 =	vshll.u32 v13, $0xB;
	v14 =	vshll.u32 v17, $0x3  }
0x1ed: {  	vm1 =	vne.s32 v15, v1;
	v17 =	vand.u32 $0x7F, v17;
	v14 =	vand.u32 $0xFFFFFC00, v14  }
0x1ee: {  	v15 =	vshll.u32 v15, $0x7;
	v16 =	vsel vm0, v16, v4;
	v14 =	vor.u32 v17, v14  }
0x1ef: {  	s7 =	sadd.s32 $0xFFFFFFFF, s30;
	p2 =	por $0x0, $0x0;
	vm0 =	vmand vm0, vm1;
	[tilespmem:v18+s20+$0x0] =	vst.idx.msk $0xffff, v16;
	v16 =	vadd.s32 v13, v15;
	v17 =	vadd.s32 v5, v14  }
0x1f0: {  	_ =	sdelay $0x3  }
0x1f1: {  	v15 =	vld.idx.msk [tilespmem:v17+s21+$0x0], $0xffff;
	v17 =	vor.u32 v1, v16  }
0x1f2: {  	v18 =	vadd.s32 v6, v14;
	_ =	sdelay $0x3  }
0x1f3: {  	[tilespmem:v17+s22+$0x0] =	vst.idx.msk $0xffff, v15  }
0x1f4: {  	v17 =	vor.u32 v7, v16;
	v15 =	vld.idx.msk [tilespmem:v18+s21+$0x0], $0xffff  }
0x1f5: {  	v18 =	vadd.s32 v8, v14;
	_ =	sdelay $0x3  }
0x1f6: {  	[tilespmem:v17+s22+$0x0] =	vst.idx.msk $0xffff, v15  }
0x1f7: {  	v17 =	vor.u32 v9, v16;
	v15 =	vld.idx.msk [tilespmem:v18+s21+$0x0], $0xffff;
	v18 =	vmctz.xlane vm0  }
0x1f8: {  	v19 =	vadd.s32 v10, v14  }
0x1f9: {  	p3 =	sne.s32 s7, $0x1;
	v14 =	vperm.xlane v12, v18  }
.Ltmp39:
0x1fa: {  	_ = 	snop;
	(pc) =	sbr.rel @!p3 .LBB2_31-.Ltmp39, $4  }
0x1fb: {  	v20 =	vshll.u32 v14, $0x3  }
0x1fc: {  	vm1 =	vne.s32 v18, v1;
	v14 =	vand.u32 $0x7F, v14;
	[tilespmem:v17+s22+$0x0] =	vst.idx.msk $0xffff, v15;
	v17 =	vand.u32 $0xFFFFFC00, v20  }
0x1fd: {  	v15 =	vshll.u32 v18, $0x7;
	v14 =	vor.u32 v14, v17;
	v18 =	vld.idx.msk [tilespmem:v19+s21+$0x0], $0xffff;
	v19 =	vor.u32 v11, v16  }
0x1fe: {  	s7 =	sadd.s32 $0xFFFFFFFF, s7;
	p2 =	por $0x1, $0x1;
	vm0 =	vmand vm0, vm1;
	v15 =	vadd.s32 v13, v15;
	v17 =	vadd.s32 v5, v14  }
.LBB2_32:
0x1ff: {  	_ =	sdelay $0x2  }
0x200: {  	p3 =	sne.s32 s7, $0x1;
	s7 =	sadd.s32 $0xFFFFFFFF, s7;
	[tilespmem:v19+s22+$0x0] =	vst.idx.msk $0xffff, v18  }
0x201: {  	v16 =	vld.idx.msk [tilespmem:v17+s21+$0x0], $0xffff  }
0x202: {  	v17 =	vor.u32 v1, v15  }
0x203: {  	v18 =	vadd.s32 v6, v14;
	_ =	sdelay $0x3  }
0x204: {  	[tilespmem:v17+s22+$0x0] =	vst.idx.msk $0xffff, v16  }
0x205: {  	v16 =	vld.idx.msk [tilespmem:v18+s21+$0x0], $0xffff  }
0x206: {  	v17 =	vor.u32 v7, v15  }
0x207: {  	v18 =	vadd.s32 v8, v14;
	_ =	sdelay $0x3  }
0x208: {  	[tilespmem:v17+s22+$0x0] =	vst.idx.msk $0xffff, v16  }
0x209: {  	v16 =	vld.idx.msk [tilespmem:v18+s21+$0x0], $0xffff  }
0x20a: {  	v17 =	vor.u32 v9, v15  }
0x20b: {  	v14 =	vadd.s32 v10, v14;
	v18 =	vmctz.xlane vm0;
	_ =	sdelay $0x1  }
0x20c: {  	v19 =	vperm.xlane v12, v18;
	v20 =	vshll.u32 v18, $0x7;
	vm1 =	vne.s32 v18, v1  }
.Ltmp40:
0x20d: {  	v20 =	vadd.s32 v13, v20;
	vm0 =	vmand vm0, vm1;
	(pc) =	sbr.rel @p3 .LBB2_32-.Ltmp40, $4  }
0x20e: {  	v18 =	vshll.u32 v19, $0x3;
	[tilespmem:v17+s22+$0x0] =	vst.idx.msk $0xffff, v16  }
0x20f: {  	v16 =	vand.u32 $0x7F, v19;
	v17 =	vand.u32 $0xFFFFFC00, v18;
	v18 =	vld.idx.msk [tilespmem:v14+s21+$0x0], $0xffff  }
0x210: {  	v19 =	vor.u32 v11, v15;
	v15 =	vmov v20;
	v14 =	vor.u32 v16, v17  }
0x211: {  	v17 =	vadd.s32 v5, v14  }
.Ltmp41:
0x212: {  	(pc) =	sbr.rel .LBB2_34-.Ltmp41, $2  }
0x213: {  	_ =	sdelay $0x2  }
0x214: {  	v16 =	vmov v15  }
.LBB2_31:
.Ltmp42:
0x215: {  	(pc) =	sbr.rel .LBB2_34-.Ltmp42, $2  }
0x216: {  	_ =	sdelay $0x2  }
0x217: {  	v16 =	vmov v15  }
.LBB2_60:
0x218: {  	_ = 	snop  }
.LBB2_65:
0x219: {  	_ =	sdelay $0x3  }
0x21a: {  	[tilespmem:v19+s22+$0x0] =	vst.idx.msk @p2 $0xffff, v18  }
0x21b: {  	v13 =	vor.u32 v1, v16;
	v12 =	vld.idx.msk [tilespmem:v17+s21+$0x0], $0xffff  }
0x21c: {  	v15 =	vadd.s32 v6, v14;
	_ =	sdelay $0x3  }
0x21d: {  	[tilespmem:v13+s22+$0x0] =	vst.idx.msk $0xffff, v12  }
0x21e: {  	v59 =	vor.u32 v7, v16;
	v12 =	vld.idx.msk [tilespmem:v15+s21+$0x0], $0xffff  }
0x21f: {  	v60 =	vadd.s32 v8, v14;
	_ =	sdelay $0x3  }
0x220: {  	[tilespmem:v59+s22+$0x0] =	vst.idx.msk $0xffff, v12  }
0x221: {  	v61 =	vor.u32 v9, v16;
	v12 =	vld.idx.msk [tilespmem:v60+s21+$0x0], $0xffff  }
0x222: {  	v62 =	vadd.s32 v10, v14;
	_ =	sdelay $0x3  }
0x223: {  	[tilespmem:v61+s22+$0x0] =	vst.idx.msk $0xffff, v12  }
0x224: {  	v63 =	vor.u32 v11, v16;
	v12 =	vld.idx.msk [tilespmem:v62+s21+$0x0], $0xffff;
	_ =	sdelay $0x2  }
0x225: {  	s0 =	sshll.u32 s25, $0xD;
	s6 =	sshll.u32 s25, $0x9  }
0x226: {  	s0 =	sshra.s32 s0, $0x2;
	s6 =	sshra.s32 s6, $0x2  }
0x227: {  	s0 =	sadd.s32 $0x1A200, s0;
	s6 =	sadd.s32 $0x1E200, s6;
	[tilespmem:v63+s22+$0x0] =	vst.idx.msk $0xffff, v12  }
0x228: {  	[hbm4b:s11+s23] =	stream.indirect.scatter [tilespmem:s0], [sflag:$0x1], $0x80, s6, s23, $0xb8;
	[tilespmem:$0x1E600] =	vst v63  }
.LBB2_66:
0x229: {  	s0 =	sadd.s32 $0x1, s24  }
0x22a: {  	s28 =	sadd.s32 $0x1, s28;
	p3 =	slt.s32 s0, $0x8  }
0x22b: {  	s0 =	simm.s32 @!p3 $0x8;
	p3 =	sne.s32 s28, s26  }
.Ltmp43:
0x22c: {  	_ = 	snop;
	(pc) =	sbr.rel @!p3 .LBB2_67-.Ltmp43, $4  }
0x22d: {  	_ = 	snop  }
0x22e: {  	s6 =	sadd.s32 $0x1, s25  }
0x22f: {  	p2 =	sgt.s32 s29, $0x0;
	s6 =	sand.u32 $0x7, s6  }
0x230: {  	s25 =	smov.u32 @p2 s6;
	s24 =	smov.u32 @p2 s0  }
.LBB2_55:
0x231: {  	s7 =	sshll.u32 s28, $0x4  }
0x232: {  	v12 =	vld [tilespmem:s7+$0xA100];
	_ =	sdelay $0x4  }
0x233: {  	v13 =	vand.u32 $0xFFFFFE00, v12  }
0x234: {  	vm0 =	veq.s32 v13, $0x18600  }
0x235: {  	v13 =	vsel vm0, $0x1, v2  }
0x236: {  	(xrf0) =	vadd.scan.msk.s32 $0xffff, v13;
	_ =	sdelay $0x5  }
0x237: {  	v13, _, _ =	vpop (xrf0)  }
0x238: {  	(v2sf) =	vpush v13, $0xF;
	_ =	sdelay $0xe  }
0x239: {  	p2 =	slt.s32 s24, $0x8;
	s29 =	spop (v2sf)  }
0x23a: {  	p3 =	slt.s32 @!p2 s29, $0x1  }
0x23b: {  	p2 =	por p2, p3  }
.Ltmp44:
0x23c: {  	_ = 	snop;
	(pc) =	sbr.rel @p2 .LBB2_57-.Ltmp44, $1  }
0x23d: {  	_ =	sdelay $0x3  }
.Ltmp45:
0x23e: {  	(pc) =	sbr.rel .LBB2_59-.Ltmp45, $4  }
0x23f: {  	_ = 	snop  }
0x240: {  	_ =	swait.ge [sflag:s19], $0x800  }
0x241: {  	[sflag:s19] =	ssyncset.done $0x0  }
0x242: {  	v13 =	vmov s25;
	[sflag:s19] =	ssyncadd.s32 $0xFFFFF800  }
.LBB2_57:
0x243: {  	p2 =	slt.s32 s29, $0x1  }
.Ltmp46:
0x244: {  	_ = 	snop;
	(pc) =	sbr.rel @p2 .LBB2_66-.Ltmp46, $1  }
0x245: {  	_ =	sdelay $0x3  }
0x246: {  	v13 =	vmov s25  }
.LBB2_59:
0x247: {  	v15 =	vmctz.xlane vm0  }
0x248: {  	v16 =	vld [tilespmem:s7+$0xE180];
	v12 =	vadd.s32 $0xFFFE7B60, v12;
	v14 =	vshll.u32 v13, $0x7  }
0x249: {  	p3 =	sne.s32 s29, $0x1;
	v18 =	vor.u32 v1, v14;
	v17 =	vperm.xlane v12, v15  }
.Ltmp47:
0x24a: {  	_ = 	snop;
	(pc) =	sbr.rel @!p3 .LBB2_60-.Ltmp47, $4  }
0x24b: {  	v13 =	vshll.u32 v13, $0xB;
	v14 =	vshll.u32 v17, $0x3  }
0x24c: {  	vm1 =	vne.s32 v15, v1;
	v17 =	vand.u32 $0x7F, v17;
	v14 =	vand.u32 $0xFFFFFC00, v14  }
0x24d: {  	v15 =	vshll.u32 v15, $0x7;
	v16 =	vsel vm0, v16, v4;
	v14 =	vor.u32 v17, v14  }
0x24e: {  	s7 =	sadd.s32 $0xFFFFFFFF, s29;
	p2 =	por $0x0, $0x0;
	vm0 =	vmand vm0, vm1;
	[tilespmem:v18+s20+$0x0] =	vst.idx.msk $0xffff, v16;
	v16 =	vadd.s32 v13, v15;
	v17 =	vadd.s32 v5, v14  }
0x24f: {  	_ =	sdelay $0x3  }
0x250: {  	v15 =	vld.idx.msk [tilespmem:v17+s21+$0x0], $0xffff;
	v17 =	vor.u32 v1, v16  }
0x251: {  	v18 =	vadd.s32 v6, v14;
	_ =	sdelay $0x3  }
0x252: {  	[tilespmem:v17+s22+$0x0] =	vst.idx.msk $0xffff, v15  }
0x253: {  	v17 =	vor.u32 v7, v16;
	v15 =	vld.idx.msk [tilespmem:v18+s21+$0x0], $0xffff  }
0x254: {  	v18 =	vadd.s32 v8, v14;
	_ =	sdelay $0x3  }
0x255: {  	[tilespmem:v17+s22+$0x0] =	vst.idx.msk $0xffff, v15  }
0x256: {  	v17 =	vor.u32 v9, v16;
	v15 =	vld.idx.msk [tilespmem:v18+s21+$0x0], $0xffff;
	v18 =	vmctz.xlane vm0  }
0x257: {  	v19 =	vadd.s32 v10, v14  }
0x258: {  	p3 =	sne.s32 s7, $0x1;
	v14 =	vperm.xlane v12, v18  }
.Ltmp48:
0x259: {  	_ = 	snop;
	(pc) =	sbr.rel @!p3 .LBB2_62-.Ltmp48, $4  }
0x25a: {  	v20 =	vshll.u32 v14, $0x3  }
0x25b: {  	vm1 =	vne.s32 v18, v1;
	v14 =	vand.u32 $0x7F, v14;
	[tilespmem:v17+s22+$0x0] =	vst.idx.msk $0xffff, v15;
	v17 =	vand.u32 $0xFFFFFC00, v20  }
0x25c: {  	v15 =	vshll.u32 v18, $0x7;
	v14 =	vor.u32 v14, v17;
	v18 =	vld.idx.msk [tilespmem:v19+s21+$0x0], $0xffff;
	v19 =	vor.u32 v11, v16  }
0x25d: {  	s7 =	sadd.s32 $0xFFFFFFFF, s7;
	p2 =	por $0x1, $0x1;
	vm0 =	vmand vm0, vm1;
	v15 =	vadd.s32 v13, v15;
	v17 =	vadd.s32 v5, v14  }
.LBB2_63:
0x25e: {  	_ =	sdelay $0x2  }
0x25f: {  	p3 =	sne.s32 s7, $0x1;
	s7 =	sadd.s32 $0xFFFFFFFF, s7;
	[tilespmem:v19+s22+$0x0] =	vst.idx.msk $0xffff, v18  }
0x260: {  	v16 =	vld.idx.msk [tilespmem:v17+s21+$0x0], $0xffff  }
0x261: {  	v17 =	vor.u32 v1, v15  }
0x262: {  	v18 =	vadd.s32 v6, v14;
	_ =	sdelay $0x3  }
0x263: {  	[tilespmem:v17+s22+$0x0] =	vst.idx.msk $0xffff, v16  }
0x264: {  	v16 =	vld.idx.msk [tilespmem:v18+s21+$0x0], $0xffff  }
0x265: {  	v17 =	vor.u32 v7, v15  }
0x266: {  	v18 =	vadd.s32 v8, v14;
	_ =	sdelay $0x3  }
0x267: {  	[tilespmem:v17+s22+$0x0] =	vst.idx.msk $0xffff, v16  }
0x268: {  	v16 =	vld.idx.msk [tilespmem:v18+s21+$0x0], $0xffff  }
0x269: {  	v17 =	vor.u32 v9, v15  }
0x26a: {  	v14 =	vadd.s32 v10, v14;
	v18 =	vmctz.xlane vm0;
	_ =	sdelay $0x1  }
0x26b: {  	v19 =	vperm.xlane v12, v18;
	v20 =	vshll.u32 v18, $0x7;
	vm1 =	vne.s32 v18, v1  }
.Ltmp49:
0x26c: {  	v20 =	vadd.s32 v13, v20;
	vm0 =	vmand vm0, vm1;
	(pc) =	sbr.rel @p3 .LBB2_63-.Ltmp49, $4  }
0x26d: {  	v18 =	vshll.u32 v19, $0x3;
	[tilespmem:v17+s22+$0x0] =	vst.idx.msk $0xffff, v16  }
0x26e: {  	v16 =	vand.u32 $0x7F, v19;
	v17 =	vand.u32 $0xFFFFFC00, v18;
	v18 =	vld.idx.msk [tilespmem:v14+s21+$0x0], $0xffff  }
0x26f: {  	v19 =	vor.u32 v11, v15;
	v15 =	vmov v20;
	v14 =	vor.u32 v16, v17  }
0x270: {  	v17 =	vadd.s32 v5, v14  }
.Ltmp50:
0x271: {  	(pc) =	sbr.rel .LBB2_65-.Ltmp50, $2  }
0x272: {  	_ =	sdelay $0x2  }
0x273: {  	v16 =	vmov v15  }
.LBB2_62:
.Ltmp51:
0x274: {  	(pc) =	sbr.rel .LBB2_65-.Ltmp51, $2  }
0x275: {  	_ =	sdelay $0x2  }
0x276: {  	v16 =	vmov v15  }
.LBB2_70:
0x277: {  	_ =	sfence.sel $0x180000  }
0x278: {  	[bflag:$0x0] =	sbarrier.arrive $0xFFFF  }
0x279: {  	_ =	strace $0x90000047  }
0x27a: {  	s0 =	stileid.u32;
	[bflag:$0x2] =	sbarrier.arrive $0xFFFF  }
0x27b: {  	p0 =	sne.s32 s0, $0x0;
	s0 =	rddreg [dreg:$0x6]  }
0x27c: {  	s0 =	sadd.s32 @!p0 $0x100000, s0  }
0x27d: {  	[sflag:s0] =	ssyncadd.tile.s32 @!p0 $0x1;
	_ =	shalt  }
.Lfunc_end2:
_tile_overlayer_lowered:
.L_overlay_start_2:
0x27e: {  	(tag) =	ssettag $0x2  }
0x27f: {  	s0 =	rddreg [dreg:$0x0];
	s2 =	stileid.u32  }
0x280: {  	s1 =	rddreg [dreg:$0x1];
	p0 =	sne.s32 s2, $0x0  }
0x281: {  	s3 =	rddreg [dreg:$0x2];
	[bflag:$0x3] =	sbarrier.arrive $0xFFFF;
	s2 =	simm.s32 @!p0 $0x1C02  }
0x282: {  	[timem:s3], [sflag:s2] =	dma.local @!p0 [hbm:s0], s1  }
0x283: {  	s0 =	simm.s32 @!p0 $0x2  }
0x284: {  	_ =	swait.ge @!p0 [sflag:s0], s1  }
0x285: {  	s1 =	ssub.s32 @!p0 $0x0, s1;
	[sflag:s0] =	ssyncset.done @!p0 $0x0  }
0x286: {  	[sflag:s0] =	ssyncadd.s32 @!p0 s1  }
0x287: {  	[bflag:$0x3] =	sbarrier.arrive $0xFFFF  }
0x288: {  	_ =	shalt  }

</sc_bundles>
